<compile_context>
chip_gen: v7x
topology: tpu7x:2x2x1
jax: 0.10.2.dev20260603
libtpu: 0.0.44.dev20260713+nightly
codegen_flags: <defaults>
</compile_context>

<pallas_src>
import jax
import jax.numpy as jnp
from jax import lax
from jax.experimental import pallas as pl
from jax.experimental.pallas import tpu as pltpu
from jax.experimental.pallas import tpu_sc as plsc

NUM_GRAPHS = 10000
N_ATOMS = 320000
N_FRAGS = 100000
EMB = 128

NC = 2
NS = 16

CHUNK = 128

A_CHUNKS = N_ATOMS // CHUNK
F_CHUNKS = N_FRAGS // CHUNK
F_TAIL = N_FRAGS - F_CHUNKS * CHUNK

HALF = NUM_GRAPHS // NC
ACC_ROWS = 5120
DUMMY = HALF
OUT_STRIPE = HALF // NS // 8 * 8
OUT_TAIL = HALF - NS * OUT_STRIPE
Z_STRIPE = ACC_ROWS // NS


def _localize(idx_b, nvec, base):
    for k in range(nvec):
        v = idx_b[pl.ds(16 * k, 16)] - base
        ok = (v >= 0) & (v < HALF)
        idx_b[pl.ds(16 * k, 16)] = jnp.where(ok, v, DUMMY)


def _run_array(x_hbm, idx_hbm, lo, hi, bufs, acc, s, base):
    def issue(ci, slot):
        rows_b, idx_b, lsem_b = bufs[slot]

        @pl.when(ci < hi)
        def _():
            pltpu.async_copy(x_hbm.at[pl.ds(ci * CHUNK, CHUNK)], rows_b, lsem_b)
            pltpu.async_copy(idx_hbm.at[pl.ds(ci * CHUNK, CHUNK)], idx_b, lsem_b)

    def drain_scatter(ci, slot):
        rows_b, idx_b, lsem_b = bufs[slot]

        @pl.when(ci < hi)
        def _():
            pltpu.make_async_copy(
                x_hbm.at[pl.ds(ci * CHUNK, CHUNK)], rows_b, lsem_b).wait()
            pltpu.make_async_copy(
                idx_hbm.at[pl.ds(ci * CHUNK, CHUNK)], idx_b, lsem_b).wait()
            _localize(idx_b, CHUNK // 16, base)
            pltpu.sync_copy(rows_b, acc.at[idx_b], add=True)

    issue(lo + s, 0)

    def body(j, _):
        ci = lo + j * NS + s
        ci_next = ci + NS

        @pl.when(j % 2 == 0)
        def _():
            issue(ci_next, 1)
            drain_scatter(ci, 0)

        @pl.when(j % 2 == 1)
        def _():
            issue(ci_next, 0)
            drain_scatter(ci, 1)

        return 0

    iters = (hi - lo + NS - 1) // NS
    lax.fori_loop(0, iters, body, 0)


def _body(x_atoms, batch_i, x_frags, frag_i, bounds, out, accA, accF,
          b_vmem, rows, idx, rows2, idx2, sem, sem2, rows_t, idx_t):
    c = lax.axis_index("c")
    s = lax.axis_index("s")
    bufs = ((rows, idx, sem), (rows2, idx2, sem2))
    base = c * HALF

    pltpu.sync_copy(bounds, b_vmem)
    bA = b_vmem[pl.ds(0, 16)][0]
    bF = b_vmem[pl.ds(16, 16)][0]

    def zrow(r, _):
        for k in range(EMB // 16):
            rows[r, pl.ds(16 * k, 16)] = jnp.zeros((16,), jnp.float32)
        return 0

    lax.fori_loop(0, CHUNK, zrow, 0)
    for a in (accA, accF):
        for k, sz in ((0, 128), (128, 128), (256, 64)):
            pltpu.sync_copy(rows.at[pl.ds(0, sz)],
                            a.at[pl.ds(s * Z_STRIPE + k, sz)])
    plsc.subcore_barrier()

    aLo = jnp.where(c == 0, 0, bA // CHUNK)
    aHi = jnp.where(c == 0, (bA + CHUNK - 1) // CHUNK, A_CHUNKS)
    fLo = jnp.where(c == 0, 0, bF // CHUNK)
    fHi = jnp.where(c == 0, (bF + CHUNK - 1) // CHUNK, F_CHUNKS)

    _run_array(x_atoms, batch_i, aLo, aHi, bufs, accA, s, base)
    _run_array(x_frags, frag_i, fLo, fHi, bufs, accF, s, base)

    @pl.when(s == NS - 1)
    def _tail():
        tbase = F_CHUNKS * CHUNK
        pltpu.sync_copy(x_frags.at[pl.ds(tbase, F_TAIL)], rows_t)
        pltpu.sync_copy(frag_i.at[pl.ds(tbase, F_TAIL)], idx_t)
        _localize(idx_t, F_TAIL // 16, base)
        pltpu.sync_copy(rows_t, accF.at[idx_t], add=True)

    plsc.subcore_barrier()

    r0 = s * OUT_STRIPE
    o0 = c * HALF + r0
    pltpu.sync_copy(accA.at[pl.ds(r0, OUT_STRIPE)],
                    out.at[pl.ds(o0, OUT_STRIPE), pl.ds(0, EMB)])
    pltpu.sync_copy(accF.at[pl.ds(r0, OUT_STRIPE)],
                    out.at[pl.ds(o0, OUT_STRIPE), pl.ds(EMB, EMB)])

    @pl.when(s == NS - 1)
    def _out_tail():
        rb = NS * OUT_STRIPE
        ob = c * HALF + rb
        pltpu.sync_copy(accA.at[pl.ds(rb, OUT_TAIL)],
                        out.at[pl.ds(ob, OUT_TAIL), pl.ds(0, EMB)])
        pltpu.sync_copy(accF.at[pl.ds(rb, OUT_TAIL)],
                        out.at[pl.ds(ob, OUT_TAIL), pl.ds(EMB, EMB)])


@jax.jit
def _pooled(x_atoms, x_frags, batch_i, frag_i):
    bA = jnp.sum(batch_i < HALF, dtype=jnp.int32)
    bF = jnp.sum(frag_i < HALF, dtype=jnp.int32)
    bounds = jnp.concatenate([jnp.full((16,), bA, jnp.int32),
                              jnp.full((16,), bF, jnp.int32)])

    mesh = plsc.VectorSubcoreMesh(core_axis_name="c", subcore_axis_name="s")
    return pl.kernel(
        _body,
        out_type=jax.ShapeDtypeStruct((NUM_GRAPHS, 2 * EMB), jnp.float32),
        mesh=mesh,
        scratch_types=[
            pltpu.VMEM_SHARED((ACC_ROWS, EMB), jnp.float32),
            pltpu.VMEM_SHARED((ACC_ROWS, EMB), jnp.float32),
            pltpu.VMEM((32,), jnp.int32),
            pltpu.VMEM((CHUNK, EMB), jnp.float32),
            pltpu.VMEM((CHUNK,), jnp.int32),
            pltpu.VMEM((CHUNK, EMB), jnp.float32),
            pltpu.VMEM((CHUNK,), jnp.int32),
            pltpu.SemaphoreType.DMA,
            pltpu.SemaphoreType.DMA,
            pltpu.VMEM((F_TAIL, EMB), jnp.float32),
            pltpu.VMEM((F_TAIL,), jnp.int32),
        ],
    )(x_atoms, batch_i, x_frags, frag_i, bounds)


def kernel(x_atoms, x_frags, batch, frag_batch):
    return _pooled(x_atoms, x_frags,
                   batch.astype(jnp.int32), frag_batch.astype(jnp.int32))

# --- scband reference (transcript-rebuilt; emitter-appended) ---
"""Pipeline reference for scband-frag-net-fine-tune-base-21878563406403 (READ-ONLY COPY).

The authoritative reference and input builder live on the scoring server;
editing this copy changes nothing except your own understanding.
"""

import jax, jax.numpy as jnp
import numpy as np

NUM_GRAPHS = 10000
N_ATOMS = 320000
N_FRAGS = 100000
EMB = 128

def setup_inputs(seed: int = 0) -> dict:
    key = jax.random.key(seed)
    k1, k2, k3, k4 = jax.random.split(key, 4)
    x_atoms = jax.random.normal(k1, (N_ATOMS, EMB), dtype=jnp.float32)
    x_frags = jax.random.normal(k2, (N_FRAGS, EMB), dtype=jnp.float32)
    batch = jnp.sort(jax.random.randint(k3, (N_ATOMS,), 0, NUM_GRAPHS, dtype=jnp.int64))
    frag_batch = jnp.sort(jax.random.randint(k4, (N_FRAGS,), 0, NUM_GRAPHS, dtype=jnp.int64))
    return {"x_atoms": x_atoms, "x_frags": x_frags, "batch": batch, "frag_batch": frag_batch}

def reference(x_atoms, x_frags, batch, frag_batch):
    # Faithful translation of FragNetFineTuneBase.forward pooling stage:
    # x_atoms / x_frags are the per-atom / per-fragment embeddings produced by
    # the FragNet backbone; the forward then scatter_add-pools them per graph
    # and concatenates along the feature axis.
    x_frags_pooled = jax.ops.segment_sum(x_frags, frag_batch, num_segments=NUM_GRAPHS)
    x_atoms_pooled = jax.ops.segment_sum(x_atoms, batch, num_segments=NUM_GRAPHS)
    cat = jnp.concatenate((x_atoms_pooled, x_frags_pooled), axis=1)
    return cat

if __name__ == "__main__":
    import jax
    _d = setup_inputs()
    print(jax.jit(kernel)(*tuple(_d.values())))

</pallas_src>

<mosaic_0001>
#map = affine_map<(d0, d1) -> (0, 0)>
#map1 = affine_map<(d0, d1) -> (0)>
module attributes {stable_mosaic.version = 14 : i64} {
  func.func @_body(%arg0: i32, %arg1: i32, %arg2: memref<320000x128xf32, #tpu.memory_space<hbm>>, %arg3: memref<320000xi32, #tpu.memory_space<hbm>>, %arg4: memref<100000x128xf32, #tpu.memory_space<hbm>>, %arg5: memref<100000xi32, #tpu.memory_space<hbm>>, %arg6: memref<32xi32, #tpu.memory_space<hbm>>, %arg7: memref<10000x256xf32, #tpu.memory_space<hbm>>, %arg8: memref<5120x128xf32, #tpu.memory_space<vmem_shared>>, %arg9: memref<5120x128xf32, #tpu.memory_space<vmem_shared>>, %arg10: memref<32xi32, #tpu.memory_space<vmem>>, %arg11: memref<128x128xf32, #tpu.memory_space<vmem>>, %arg12: memref<128xi32, #tpu.memory_space<vmem>>, %arg13: memref<128x128xf32, #tpu.memory_space<vmem>>, %arg14: memref<128xi32, #tpu.memory_space<vmem>>, %arg15: memref<!tpu.dma_semaphore, #tpu.memory_space<semaphore_mem>>, %arg16: memref<!tpu.dma_semaphore, #tpu.memory_space<semaphore_mem>>, %arg17: memref<32x128xf32, #tpu.memory_space<vmem>>, %arg18: memref<32xi32, #tpu.memory_space<vmem>>) attributes {dimension_semantics = [#tpu.dimension_semantics<core_parallel>, #tpu.dimension_semantics<subcore_parallel>], iteration_bounds = array<i64: 2, 16>, scalar_prefetch = 0 : i64, scratch_operands = 11 : i64, tpu.core_type = #tpu.core_type<sc_vector_subcore>, window_params = [{transform_indices = #map}, {transform_indices = #map1}, {transform_indices = #map}, {transform_indices = #map1}, {transform_indices = #map1}, {transform_indices = #map}]} {
    %mul3A = arith.constant 5000 : i32
    %mul3A_0 = arith.muli %arg0, %mul3A : i32
    "tpu.region"() ({
      %run_scoped3A = tpu.sem_alloc : memref<!tpu.dma_semaphore, #tpu.memory_space<semaphore_mem>>
      tpu.enqueue_dma source(%arg6 : memref<32xi32, #tpu.memory_space<hbm>>) target(%arg10 : memref<32xi32, #tpu.memory_space<vmem>>) target_semaphore(%run_scoped3A : memref<!tpu.dma_semaphore, #tpu.memory_space<semaphore_mem>>)
      tpu.wait_dma2 semaphore(%run_scoped3A : memref<!tpu.dma_semaphore, #tpu.memory_space<semaphore_mem>>) src(%arg6 : memref<32xi32, #tpu.memory_space<hbm>>) dst(%arg10 : memref<32xi32, #tpu.memory_space<vmem>>)
      tpu.yield
    }) : () -> ()
    %get3A = arith.constant 0 : index
    %get3A_1 = tpu.vector_load %arg10[%get3A] {strides = array<i32>} : memref<32xi32, #tpu.memory_space<vmem>>, vector<16xi32>,
    %get3A_2 = vector.shape_cast %get3A_1 : vector<16xi32> to vector<16xi32>
    %slice3A = vector.extract_strided_slice %get3A_2 {offsets = [0], sizes = [1], strides = [1]} : vector<16xi32> to vector<1xi32>
    %squeeze3A = vector.extract %slice3A[0] : i32 from vector<1xi32>
    %get3A_3 = arith.constant 16 : index
    %get3A_4 = tpu.vector_load %arg10[%get3A_3] {strides = array<i32>} : memref<32xi32, #tpu.memory_space<vmem>>, vector<16xi32>,
    %get3A_5 = vector.shape_cast %get3A_4 : vector<16xi32> to vector<16xi32>
    %slice3A_6 = vector.extract_strided_slice %get3A_5 {offsets = [0], sizes = [1], strides = [1]} : vector<16xi32> to vector<1xi32>
    %squeeze3A_7 = vector.extract %slice3A_6[0] : i32 from vector<1xi32>
    %scan3A = arith.constant 0 : i32
    %scan3A_8 = arith.constant 0 : i32
    %scan3A_9 = arith.constant 128 : i32
    %scan3A_10 = arith.addi %scan3A_8, %scan3A_9 : i32
    %scan3A_11 = arith.constant 1 : i32
    %scan3A_12 = scf.for %scan3A_252 = %scan3A_8 to %scan3A_10 step %scan3A_11 iter_args(%scan3A_253 = %scan3A) -> (i32)  : i32 {
      %broadcast_in_dim3A = arith.constant 0.000000e+00 : f32
      %broadcast_in_dim3A_254 = vector.broadcast %broadcast_in_dim3A : f32 to vector<16xf32>
      %swap3A = arith.index_cast %scan3A_252 : i32 to index
      %swap3A_255 = arith.constant 0 : index
      %swap3A_256 = tpu.vector_load %arg11[%swap3A, %swap3A_255] {strides = array<i32>} : memref<128x128xf32, #tpu.memory_space<vmem>>, vector<1x16xf32>,
      %swap3A_257 = vector.shape_cast %swap3A_256 : vector<1x16xf32> to vector<16xf32>
      %swap3A_258 = vector.shape_cast %broadcast_in_dim3A_254 : vector<16xf32> to vector<1x16xf32>
      tpu.vector_store %arg11[%swap3A, %swap3A_255], %swap3A_258 {strides = array<i32>} : memref<128x128xf32, #tpu.memory_space<vmem>>, vector<1x16xf32>,
      %broadcast_in_dim3A_259 = arith.constant 0.000000e+00 : f32
      %broadcast_in_dim3A_260 = vector.broadcast %broadcast_in_dim3A_259 : f32 to vector<16xf32>
      %swap3A_261 = arith.index_cast %scan3A_252 : i32 to index
      %swap3A_262 = arith.constant 16 : index
      %swap3A_263 = tpu.vector_load %arg11[%swap3A_261, %swap3A_262] {strides = array<i32>} : memref<128x128xf32, #tpu.memory_space<vmem>>, vector<1x16xf32>,
      %swap3A_264 = vector.shape_cast %swap3A_263 : vector<1x16xf32> to vector<16xf32>
      %swap3A_265 = vector.shape_cast %broadcast_in_dim3A_260 : vector<16xf32> to vector<1x16xf32>
      tpu.vector_store %arg11[%swap3A_261, %swap3A_262], %swap3A_265 {strides = array<i32>} : memref<128x128xf32, #tpu.memory_space<vmem>>, vector<1x16xf32>,
      %broadcast_in_dim3A_266 = arith.constant 0.000000e+00 : f32
      %broadcast_in_dim3A_267 = vector.broadcast %broadcast_in_dim3A_266 : f32 to vector<16xf32>
      %swap3A_268 = arith.index_cast %scan3A_252 : i32 to index
      %swap3A_269 = arith.constant 32 : index
      %swap3A_270 = tpu.vector_load %arg11[%swap3A_268, %swap3A_269] {strides = array<i32>} : memref<128x128xf32, #tpu.memory_space<vmem>>, vector<1x16xf32>,
      %swap3A_271 = vector.shape_cast %swap3A_270 : vector<1x16xf32> to vector<16xf32>
      %swap3A_272 = vector.shape_cast %broadcast_in_dim3A_267 : vector<16xf32> to vector<1x16xf32>
      tpu.vector_store %arg11[%swap3A_268, %swap3A_269], %swap3A_272 {strides = array<i32>} : memref<128x128xf32, #tpu.memory_space<vmem>>, vector<1x16xf32>,
      %broadcast_in_dim3A_273 = arith.constant 0.000000e+00 : f32
      %broadcast_in_dim3A_274 = vector.broadcast %broadcast_in_dim3A_273 : f32 to vector<16xf32>
      %swap3A_275 = arith.index_cast %scan3A_252 : i32 to index
      %swap3A_276 = arith.constant 48 : index
      %swap3A_277 = tpu.vector_load %arg11[%swap3A_275, %swap3A_276] {strides = array<i32>} : memref<128x128xf32, #tpu.memory_space<vmem>>, vector<1x16xf32>,
      %swap3A_278 = vector.shape_cast %swap3A_277 : vector<1x16xf32> to vector<16xf32>
      %swap3A_279 = vector.shape_cast %broadcast_in_dim3A_274 : vector<16xf32> to vector<1x16xf32>
      tpu.vector_store %arg11[%swap3A_275, %swap3A_276], %swap3A_279 {strides = array<i32>} : memref<128x128xf32, #tpu.memory_space<vmem>>, vector<1x16xf32>,
      %broadcast_in_dim3A_280 = arith.constant 0.000000e+00 : f32
      %broadcast_in_dim3A_281 = vector.broadcast %broadcast_in_dim3A_280 : f32 to vector<16xf32>
      %swap3A_282 = arith.index_cast %scan3A_252 : i32 to index
      %swap3A_283 = arith.constant 64 : index
      %swap3A_284 = tpu.vector_load %arg11[%swap3A_282, %swap3A_283] {strides = array<i32>} : memref<128x128xf32, #tpu.memory_space<vmem>>, vector<1x16xf32>,
      %swap3A_285 = vector.shape_cast %swap3A_284 : vector<1x16xf32> to vector<16xf32>
      %swap3A_286 = vector.shape_cast %broadcast_in_dim3A_281 : vector<16xf32> to vector<1x16xf32>
      tpu.vector_store %arg11[%swap3A_282, %swap3A_283], %swap3A_286 {strides = array<i32>} : memref<128x128xf32, #tpu.memory_space<vmem>>, vector<1x16xf32>,
      %broadcast_in_dim3A_287 = arith.constant 0.000000e+00 : f32
      %broadcast_in_dim3A_288 = vector.broadcast %broadcast_in_dim3A_287 : f32 to vector<16xf32>
      %swap3A_289 = arith.index_cast %scan3A_252 : i32 to index
      %swap3A_290 = arith.constant 80 : index
      %swap3A_291 = tpu.vector_load %arg11[%swap3A_289, %swap3A_290] {strides = array<i32>} : memref<128x128xf32, #tpu.memory_space<vmem>>, vector<1x16xf32>,
      %swap3A_292 = vector.shape_cast %swap3A_291 : vector<1x16xf32> to vector<16xf32>
      %swap3A_293 = vector.shape_cast %broadcast_in_dim3A_288 : vector<16xf32> to vector<1x16xf32>
      tpu.vector_store %arg11[%swap3A_289, %swap3A_290], %swap3A_293 {strides = array<i32>} : memref<128x128xf32, #tpu.memory_space<vmem>>, vector<1x16xf32>,
      %broadcast_in_dim3A_294 = arith.constant 0.000000e+00 : f32
      %broadcast_in_dim3A_295 = vector.broadcast %broadcast_in_dim3A_294 : f32 to vector<16xf32>
      %swap3A_296 = arith.index_cast %scan3A_252 : i32 to index
      %swap3A_297 = arith.constant 96 : index
      %swap3A_298 = tpu.vector_load %arg11[%swap3A_296, %swap3A_297] {strides = array<i32>} : memref<128x128xf32, #tpu.memory_space<vmem>>, vector<1x16xf32>,
      %swap3A_299 = vector.shape_cast %swap3A_298 : vector<1x16xf32> to vector<16xf32>
      %swap3A_300 = vector.shape_cast %broadcast_in_dim3A_295 : vector<16xf32> to vector<1x16xf32>
      tpu.vector_store %arg11[%swap3A_296, %swap3A_297], %swap3A_300 {strides = array<i32>} : memref<128x128xf32, #tpu.memory_space<vmem>>, vector<1x16xf32>,
      %broadcast_in_dim3A_301 = arith.constant 0.000000e+00 : f32
      %broadcast_in_dim3A_302 = vector.broadcast %broadcast_in_dim3A_301 : f32 to vector<16xf32>
      %swap3A_303 = arith.index_cast %scan3A_252 : i32 to index
      %swap3A_304 = arith.constant 112 : index
      %swap3A_305 = tpu.vector_load %arg11[%swap3A_303, %swap3A_304] {strides = array<i32>} : memref<128x128xf32, #tpu.memory_space<vmem>>, vector<1x16xf32>,
      %swap3A_306 = vector.shape_cast %swap3A_305 : vector<1x16xf32> to vector<16xf32>
      %swap3A_307 = vector.shape_cast %broadcast_in_dim3A_302 : vector<16xf32> to vector<1x16xf32>
      tpu.vector_store %arg11[%swap3A_303, %swap3A_304], %swap3A_307 {strides = array<i32>} : memref<128x128xf32, #tpu.memory_space<vmem>>, vector<1x16xf32>,
      %scan3A_308 = arith.constant 0 : i32
      scf.yield %scan3A_308 : i32
    }
    %scan3A_13 = arith.constant 128 : i32
    %mul3A_14 = arith.constant 320 : i32
    %mul3A_15 = arith.muli %arg1, %mul3A_14 : i32
    %add3A = arith.constant 0 : i32
    %add3A_16 = arith.addi %mul3A_15, %add3A : i32
    "tpu.region"() ({
      %run_scoped3A = tpu.sem_alloc : memref<!tpu.dma_semaphore, #tpu.memory_space<semaphore_mem>>
      %dma_start3A = arith.constant 0 : i32
      %dma_start3A_252 = arith.constant 0 : i32
      %dma_start3A_253 = tpu.memref_slice %arg11[%dma_start3A, %dma_start3A_252] : memref<128x128xf32, #tpu.memory_space<vmem>> -> memref<128x128xf32, #tpu.memory_space<vmem>>
      %dma_start3A_254 = arith.constant 0 : i32
      %dma_start3A_255 = tpu.memref_slice %arg8[%add3A_16, %dma_start3A_254] : memref<5120x128xf32, #tpu.memory_space<vmem_shared>> -> memref<128x128xf32, #tpu.memory_space<vmem_shared>>
      %dma_start3A_256 = arith.constant 0 : i32
      %dma_start3A_257 = tpu.memref_slice %arg8[%add3A_16, %dma_start3A_256] : memref<5120x128xf32, #tpu.memory_space<vmem_shared>> -> memref<128x128xf32, #tpu.memory_space<vmem_shared>>
      %dma_start3A_258 = arith.constant 0 : i32
      %dma_start3A_259 = arith.constant 0 : i32
      %dma_start3A_260 = tpu.memref_slice %arg11[%dma_start3A_258, %dma_start3A_259] : memref<128x128xf32, #tpu.memory_space<vmem>> -> memref<128x128xf32, #tpu.memory_space<vmem>>
      tpu.enqueue_dma source(%dma_start3A_260 : memref<128x128xf32, #tpu.memory_space<vmem>>) target(%dma_start3A_257 : memref<128x128xf32, #tpu.memory_space<vmem_shared>>) target_semaphore(%run_scoped3A : memref<!tpu.dma_semaphore, #tpu.memory_space<semaphore_mem>>)
      %dma_wait3A = arith.constant 0 : i32
      %dma_wait3A_261 = arith.constant 0 : i32
      %dma_wait3A_262 = tpu.memref_slice %arg11[%dma_wait3A, %dma_wait3A_261] : memref<128x128xf32, #tpu.memory_space<vmem>> -> memref<128x128xf32, #tpu.memory_space<vmem>>
      %dma_wait3A_263 = arith.constant 0 : i32
      %dma_wait3A_264 = tpu.memref_slice %arg8[%add3A_16, %dma_wait3A_263] : memref<5120x128xf32, #tpu.memory_space<vmem_shared>> -> memref<128x128xf32, #tpu.memory_space<vmem_shared>>
      %dma_wait3A_265 = arith.constant 0 : i32
      %dma_wait3A_266 = tpu.memref_slice %arg8[%add3A_16, %dma_wait3A_265] : memref<5120x128xf32, #tpu.memory_space<vmem_shared>> -> memref<128x128xf32, #tpu.memory_space<vmem_shared>>
      %dma_wait3A_267 = arith.constant 0 : i32
      %dma_wait3A_268 = arith.constant 0 : i32
      %dma_wait3A_269 = tpu.memref_slice %arg11[%dma_wait3A_267, %dma_wait3A_268] : memref<128x128xf32, #tpu.memory_space<vmem>> -> memref<128x128xf32, #tpu.memory_space<vmem>>
      tpu.wait_dma2 semaphore(%run_scoped3A : memref<!tpu.dma_semaphore, #tpu.memory_space<semaphore_mem>>) src(%dma_wait3A_269 : memref<128x128xf32, #tpu.memory_space<vmem>>) dst(%dma_wait3A_266 : memref<128x128xf32, #tpu.memory_space<vmem_shared>>)
      tpu.yield
    }) : () -> ()
    %mul3A_17 = arith.constant 320 : i32
    %mul3A_18 = arith.muli %arg1, %mul3A_17 : i32
    %add3A_19 = arith.constant 128 : i32
    %add3A_20 = arith.addi %mul3A_18, %add3A_19 : i32
    "tpu.region"() ({
      %run_scoped3A = tpu.sem_alloc : memref<!tpu.dma_semaphore, #tpu.memory_space<semaphore_mem>>
      %dma_start3A = arith.constant 0 : i32
      %dma_start3A_252 = arith.constant 0 : i32
      %dma_start3A_253 = tpu.memref_slice %arg11[%dma_start3A, %dma_start3A_252] : memref<128x128xf32, #tpu.memory_space<vmem>> -> memref<128x128xf32, #tpu.memory_space<vmem>>
      %dma_start3A_254 = arith.constant 0 : i32
      %dma_start3A_255 = tpu.memref_slice %arg8[%add3A_20, %dma_start3A_254] : memref<5120x128xf32, #tpu.memory_space<vmem_shared>> -> memref<128x128xf32, #tpu.memory_space<vmem_shared>>
      %dma_start3A_256 = arith.constant 0 : i32
      %dma_start3A_257 = tpu.memref_slice %arg8[%add3A_20, %dma_start3A_256] : memref<5120x128xf32, #tpu.memory_space<vmem_shared>> -> memref<128x128xf32, #tpu.memory_space<vmem_shared>>
      %dma_start3A_258 = arith.constant 0 : i32
      %dma_start3A_259 = arith.constant 0 : i32
      %dma_start3A_260 = tpu.memref_slice %arg11[%dma_start3A_258, %dma_start3A_259] : memref<128x128xf32, #tpu.memory_space<vmem>> -> memref<128x128xf32, #tpu.memory_space<vmem>>
      tpu.enqueue_dma source(%dma_start3A_260 : memref<128x128xf32, #tpu.memory_space<vmem>>) target(%dma_start3A_257 : memref<128x128xf32, #tpu.memory_space<vmem_shared>>) target_semaphore(%run_scoped3A : memref<!tpu.dma_semaphore, #tpu.memory_space<semaphore_mem>>)
      %dma_wait3A = arith.constant 0 : i32
      %dma_wait3A_261 = arith.constant 0 : i32
      %dma_wait3A_262 = tpu.memref_slice %arg11[%dma_wait3A, %dma_wait3A_261] : memref<128x128xf32, #tpu.memory_space<vmem>> -> memref<128x128xf32, #tpu.memory_space<vmem>>
      %dma_wait3A_263 = arith.constant 0 : i32
      %dma_wait3A_264 = tpu.memref_slice %arg8[%add3A_20, %dma_wait3A_263] : memref<5120x128xf32, #tpu.memory_space<vmem_shared>> -> memref<128x128xf32, #tpu.memory_space<vmem_shared>>
      %dma_wait3A_265 = arith.constant 0 : i32
      %dma_wait3A_266 = tpu.memref_slice %arg8[%add3A_20, %dma_wait3A_265] : memref<5120x128xf32, #tpu.memory_space<vmem_shared>> -> memref<128x128xf32, #tpu.memory_space<vmem_shared>>
      %dma_wait3A_267 = arith.constant 0 : i32
      %dma_wait3A_268 = arith.constant 0 : i32
      %dma_wait3A_269 = tpu.memref_slice %arg11[%dma_wait3A_267, %dma_wait3A_268] : memref<128x128xf32, #tpu.memory_space<vmem>> -> memref<128x128xf32, #tpu.memory_space<vmem>>
      tpu.wait_dma2 semaphore(%run_scoped3A : memref<!tpu.dma_semaphore, #tpu.memory_space<semaphore_mem>>) src(%dma_wait3A_269 : memref<128x128xf32, #tpu.memory_space<vmem>>) dst(%dma_wait3A_266 : memref<128x128xf32, #tpu.memory_space<vmem_shared>>)
      tpu.yield
    }) : () -> ()
    %mul3A_21 = arith.constant 320 : i32
    %mul3A_22 = arith.muli %arg1, %mul3A_21 : i32
    %add3A_23 = arith.constant 256 : i32
    %add3A_24 = arith.addi %mul3A_22, %add3A_23 : i32
    "tpu.region"() ({
      %run_scoped3A = tpu.sem_alloc : memref<!tpu.dma_semaphore, #tpu.memory_space<semaphore_mem>>
      %dma_start3A = arith.constant 0 : i32
      %dma_start3A_252 = arith.constant 0 : i32
      %dma_start3A_253 = tpu.memref_slice %arg11[%dma_start3A, %dma_start3A_252] : memref<128x128xf32, #tpu.memory_space<vmem>> -> memref<64x128xf32, #tpu.memory_space<vmem>>
      %dma_start3A_254 = arith.constant 0 : i32
      %dma_start3A_255 = tpu.memref_slice %arg8[%add3A_24, %dma_start3A_254] : memref<5120x128xf32, #tpu.memory_space<vmem_shared>> -> memref<64x128xf32, #tpu.memory_space<vmem_shared>>
      %dma_start3A_256 = arith.constant 0 : i32
      %dma_start3A_257 = tpu.memref_slice %arg8[%add3A_24, %dma_start3A_256] : memref<5120x128xf32, #tpu.memory_space<vmem_shared>> -> memref<64x128xf32, #tpu.memory_space<vmem_shared>>
      %dma_start3A_258 = arith.constant 0 : i32
      %dma_start3A_259 = arith.constant 0 : i32
      %dma_start3A_260 = tpu.memref_slice %arg11[%dma_start3A_258, %dma_start3A_259] : memref<128x128xf32, #tpu.memory_space<vmem>> -> memref<64x128xf32, #tpu.memory_space<vmem>>
      tpu.enqueue_dma source(%dma_start3A_260 : memref<64x128xf32, #tpu.memory_space<vmem>>) target(%dma_start3A_257 : memref<64x128xf32, #tpu.memory_space<vmem_shared>>) target_semaphore(%run_scoped3A : memref<!tpu.dma_semaphore, #tpu.memory_space<semaphore_mem>>)
      %dma_wait3A = arith.constant 0 : i32
      %dma_wait3A_261 = arith.constant 0 : i32
      %dma_wait3A_262 = tpu.memref_slice %arg11[%dma_wait3A, %dma_wait3A_261] : memref<128x128xf32, #tpu.memory_space<vmem>> -> memref<64x128xf32, #tpu.memory_space<vmem>>
      %dma_wait3A_263 = arith.constant 0 : i32
      %dma_wait3A_264 = tpu.memref_slice %arg8[%add3A_24, %dma_wait3A_263] : memref<5120x128xf32, #tpu.memory_space<vmem_shared>> -> memref<64x128xf32, #tpu.memory_space<vmem_shared>>
      %dma_wait3A_265 = arith.constant 0 : i32
      %dma_wait3A_266 = tpu.memref_slice %arg8[%add3A_24, %dma_wait3A_265] : memref<5120x128xf32, #tpu.memory_space<vmem_shared>> -> memref<64x128xf32, #tpu.memory_space<vmem_shared>>
      %dma_wait3A_267 = arith.constant 0 : i32
      %dma_wait3A_268 = arith.constant 0 : i32
      %dma_wait3A_269 = tpu.memref_slice %arg11[%dma_wait3A_267, %dma_wait3A_268] : memref<128x128xf32, #tpu.memory_space<vmem>> -> memref<64x128xf32, #tpu.memory_space<vmem>>
      tpu.wait_dma2 semaphore(%run_scoped3A : memref<!tpu.dma_semaphore, #tpu.memory_space<semaphore_mem>>) src(%dma_wait3A_269 : memref<64x128xf32, #tpu.memory_space<vmem>>) dst(%dma_wait3A_266 : memref<64x128xf32, #tpu.memory_space<vmem_shared>>)
      tpu.yield
    }) : () -> ()
    %mul3A_25 = arith.constant 320 : i32
    %mul3A_26 = arith.muli %arg1, %mul3A_25 : i32
    %add3A_27 = arith.constant 0 : i32
    %add3A_28 = arith.addi %mul3A_26, %add3A_27 : i32
    "tpu.region"() ({
      %run_scoped3A = tpu.sem_alloc : memref<!tpu.dma_semaphore, #tpu.memory_space<semaphore_mem>>
      %dma_start3A = arith.constant 0 : i32
      %dma_start3A_252 = arith.constant 0 : i32
      %dma_start3A_253 = tpu.memref_slice %arg11[%dma_start3A, %dma_start3A_252] : memref<128x128xf32, #tpu.memory_space<vmem>> -> memref<128x128xf32, #tpu.memory_space<vmem>>
      %dma_start3A_254 = arith.constant 0 : i32
      %dma_start3A_255 = tpu.memref_slice %arg9[%add3A_28, %dma_start3A_254] : memref<5120x128xf32, #tpu.memory_space<vmem_shared>> -> memref<128x128xf32, #tpu.memory_space<vmem_shared>>
      %dma_start3A_256 = arith.constant 0 : i32
      %dma_start3A_257 = tpu.memref_slice %arg9[%add3A_28, %dma_start3A_256] : memref<5120x128xf32, #tpu.memory_space<vmem_shared>> -> memref<128x128xf32, #tpu.memory_space<vmem_shared>>
      %dma_start3A_258 = arith.constant 0 : i32
      %dma_start3A_259 = arith.constant 0 : i32
      %dma_start3A_260 = tpu.memref_slice %arg11[%dma_start3A_258, %dma_start3A_259] : memref<128x128xf32, #tpu.memory_space<vmem>> -> memref<128x128xf32, #tpu.memory_space<vmem>>
      tpu.enqueue_dma source(%dma_start3A_260 : memref<128x128xf32, #tpu.memory_space<vmem>>) target(%dma_start3A_257 : memref<128x128xf32, #tpu.memory_space<vmem_shared>>) target_semaphore(%run_scoped3A : memref<!tpu.dma_semaphore, #tpu.memory_space<semaphore_mem>>)
      %dma_wait3A = arith.constant 0 : i32
      %dma_wait3A_261 = arith.constant 0 : i32
      %dma_wait3A_262 = tpu.memref_slice %arg11[%dma_wait3A, %dma_wait3A_261] : memref<128x128xf32, #tpu.memory_space<vmem>> -> memref<128x128xf32, #tpu.memory_space<vmem>>
      %dma_wait3A_263 = arith.constant 0 : i32
      %dma_wait3A_264 = tpu.memref_slice %arg9[%add3A_28, %dma_wait3A_263] : memref<5120x128xf32, #tpu.memory_space<vmem_shared>> -> memref<128x128xf32, #tpu.memory_space<vmem_shared>>
      %dma_wait3A_265 = arith.constant 0 : i32
      %dma_wait3A_266 = tpu.memref_slice %arg9[%add3A_28, %dma_wait3A_265] : memref<5120x128xf32, #tpu.memory_space<vmem_shared>> -> memref<128x128xf32, #tpu.memory_space<vmem_shared>>
      %dma_wait3A_267 = arith.constant 0 : i32
      %dma_wait3A_268 = arith.constant 0 : i32
      %dma_wait3A_269 = tpu.memref_slice %arg11[%dma_wait3A_267, %dma_wait3A_268] : memref<128x128xf32, #tpu.memory_space<vmem>> -> memref<128x128xf32, #tpu.memory_space<vmem>>
      tpu.wait_dma2 semaphore(%run_scoped3A : memref<!tpu.dma_semaphore, #tpu.memory_space<semaphore_mem>>) src(%dma_wait3A_269 : memref<128x128xf32, #tpu.memory_space<vmem>>) dst(%dma_wait3A_266 : memref<128x128xf32, #tpu.memory_space<vmem_shared>>)
      tpu.yield
    }) : () -> ()
    %mul3A_29 = arith.constant 320 : i32
    %mul3A_30 = arith.muli %arg1, %mul3A_29 : i32
    %add3A_31 = arith.constant 128 : i32
    %add3A_32 = arith.addi %mul3A_30, %add3A_31 : i32
    "tpu.region"() ({
      %run_scoped3A = tpu.sem_alloc : memref<!tpu.dma_semaphore, #tpu.memory_space<semaphore_mem>>
      %dma_start3A = arith.constant 0 : i32
      %dma_start3A_252 = arith.constant 0 : i32
      %dma_start3A_253 = tpu.memref_slice %arg11[%dma_start3A, %dma_start3A_252] : memref<128x128xf32, #tpu.memory_space<vmem>> -> memref<128x128xf32, #tpu.memory_space<vmem>>
      %dma_start3A_254 = arith.constant 0 : i32
      %dma_start3A_255 = tpu.memref_slice %arg9[%add3A_32, %dma_start3A_254] : memref<5120x128xf32, #tpu.memory_space<vmem_shared>> -> memref<128x128xf32, #tpu.memory_space<vmem_shared>>
      %dma_start3A_256 = arith.constant 0 : i32
      %dma_start3A_257 = tpu.memref_slice %arg9[%add3A_32, %dma_start3A_256] : memref<5120x128xf32, #tpu.memory_space<vmem_shared>> -> memref<128x128xf32, #tpu.memory_space<vmem_shared>>
      %dma_start3A_258 = arith.constant 0 : i32
      %dma_start3A_259 = arith.constant 0 : i32
      %dma_start3A_260 = tpu.memref_slice %arg11[%dma_start3A_258, %dma_start3A_259] : memref<128x128xf32, #tpu.memory_space<vmem>> -> memref<128x128xf32, #tpu.memory_space<vmem>>
      tpu.enqueue_dma source(%dma_start3A_260 : memref<128x128xf32, #tpu.memory_space<vmem>>) target(%dma_start3A_257 : memref<128x128xf32, #tpu.memory_space<vmem_shared>>) target_semaphore(%run_scoped3A : memref<!tpu.dma_semaphore, #tpu.memory_space<semaphore_mem>>)
      %dma_wait3A = arith.constant 0 : i32
      %dma_wait3A_261 = arith.constant 0 : i32
      %dma_wait3A_262 = tpu.memref_slice %arg11[%dma_wait3A, %dma_wait3A_261] : memref<128x128xf32, #tpu.memory_space<vmem>> -> memref<128x128xf32, #tpu.memory_space<vmem>>
      %dma_wait3A_263 = arith.constant 0 : i32
      %dma_wait3A_264 = tpu.memref_slice %arg9[%add3A_32, %dma_wait3A_263] : memref<5120x128xf32, #tpu.memory_space<vmem_shared>> -> memref<128x128xf32, #tpu.memory_space<vmem_shared>>
      %dma_wait3A_265 = arith.constant 0 : i32
      %dma_wait3A_266 = tpu.memref_slice %arg9[%add3A_32, %dma_wait3A_265] : memref<5120x128xf32, #tpu.memory_space<vmem_shared>> -> memref<128x128xf32, #tpu.memory_space<vmem_shared>>
      %dma_wait3A_267 = arith.constant 0 : i32
      %dma_wait3A_268 = arith.constant 0 : i32
      %dma_wait3A_269 = tpu.memref_slice %arg11[%dma_wait3A_267, %dma_wait3A_268] : memref<128x128xf32, #tpu.memory_space<vmem>> -> memref<128x128xf32, #tpu.memory_space<vmem>>
      tpu.wait_dma2 semaphore(%run_scoped3A : memref<!tpu.dma_semaphore, #tpu.memory_space<semaphore_mem>>) src(%dma_wait3A_269 : memref<128x128xf32, #tpu.memory_space<vmem>>) dst(%dma_wait3A_266 : memref<128x128xf32, #tpu.memory_space<vmem_shared>>)
      tpu.yield
    }) : () -> ()
    %mul3A_33 = arith.constant 320 : i32
    %mul3A_34 = arith.muli %arg1, %mul3A_33 : i32
    %add3A_35 = arith.constant 256 : i32
    %add3A_36 = arith.addi %mul3A_34, %add3A_35 : i32
    "tpu.region"() ({
      %run_scoped3A = tpu.sem_alloc : memref<!tpu.dma_semaphore, #tpu.memory_space<semaphore_mem>>
      %dma_start3A = arith.constant 0 : i32
      %dma_start3A_252 = arith.constant 0 : i32
      %dma_start3A_253 = tpu.memref_slice %arg11[%dma_start3A, %dma_start3A_252] : memref<128x128xf32, #tpu.memory_space<vmem>> -> memref<64x128xf32, #tpu.memory_space<vmem>>
      %dma_start3A_254 = arith.constant 0 : i32
      %dma_start3A_255 = tpu.memref_slice %arg9[%add3A_36, %dma_start3A_254] : memref<5120x128xf32, #tpu.memory_space<vmem_shared>> -> memref<64x128xf32, #tpu.memory_space<vmem_shared>>
      %dma_start3A_256 = arith.constant 0 : i32
      %dma_start3A_257 = tpu.memref_slice %arg9[%add3A_36, %dma_start3A_256] : memref<5120x128xf32, #tpu.memory_space<vmem_shared>> -> memref<64x128xf32, #tpu.memory_space<vmem_shared>>
      %dma_start3A_258 = arith.constant 0 : i32
      %dma_start3A_259 = arith.constant 0 : i32
      %dma_start3A_260 = tpu.memref_slice %arg11[%dma_start3A_258, %dma_start3A_259] : memref<128x128xf32, #tpu.memory_space<vmem>> -> memref<64x128xf32, #tpu.memory_space<vmem>>
      tpu.enqueue_dma source(%dma_start3A_260 : memref<64x128xf32, #tpu.memory_space<vmem>>) target(%dma_start3A_257 : memref<64x128xf32, #tpu.memory_space<vmem_shared>>) target_semaphore(%run_scoped3A : memref<!tpu.dma_semaphore, #tpu.memory_space<semaphore_mem>>)
      %dma_wait3A = arith.constant 0 : i32
      %dma_wait3A_261 = arith.constant 0 : i32
      %dma_wait3A_262 = tpu.memref_slice %arg11[%dma_wait3A, %dma_wait3A_261] : memref<128x128xf32, #tpu.memory_space<vmem>> -> memref<64x128xf32, #tpu.memory_space<vmem>>
      %dma_wait3A_263 = arith.constant 0 : i32
      %dma_wait3A_264 = tpu.memref_slice %arg9[%add3A_36, %dma_wait3A_263] : memref<5120x128xf32, #tpu.memory_space<vmem_shared>> -> memref<64x128xf32, #tpu.memory_space<vmem_shared>>
      %dma_wait3A_265 = arith.constant 0 : i32
      %dma_wait3A_266 = tpu.memref_slice %arg9[%add3A_36, %dma_wait3A_265] : memref<5120x128xf32, #tpu.memory_space<vmem_shared>> -> memref<64x128xf32, #tpu.memory_space<vmem_shared>>
      %dma_wait3A_267 = arith.constant 0 : i32
      %dma_wait3A_268 = arith.constant 0 : i32
      %dma_wait3A_269 = tpu.memref_slice %arg11[%dma_wait3A_267, %dma_wait3A_268] : memref<128x128xf32, #tpu.memory_space<vmem>> -> memref<64x128xf32, #tpu.memory_space<vmem>>
      tpu.wait_dma2 semaphore(%run_scoped3A : memref<!tpu.dma_semaphore, #tpu.memory_space<semaphore_mem>>) src(%dma_wait3A_269 : memref<64x128xf32, #tpu.memory_space<vmem>>) dst(%dma_wait3A_266 : memref<64x128xf32, #tpu.memory_space<vmem_shared>>)
      tpu.yield
    }) : () -> ()
    %barrier3A = arith.constant 0 : index
    tpu.barrier barrier_id(%barrier3A)
    %eq3A = arith.constant 0 : i32
    %eq3A_37 = arith.cmpi eq, %arg0, %eq3A : i32
    %jit3A = arith.constant 128 : i32
    %div3A = arith.divsi %squeeze3A, %jit3A : i32
    %sign3A = arith.constant 0 : i32
    %sign3A_38 = arith.cmpi sgt, %squeeze3A, %sign3A : i32
    %sign3A_39 = arith.extui %sign3A_38 : i1 to i32
    %sign3A_40 = arith.constant 0 : i32
    %sign3A_41 = arith.cmpi slt, %squeeze3A, %sign3A_40 : i32
    %sign3A_42 = arith.extui %sign3A_41 : i1 to i32
    %sign3A_43 = arith.subi %sign3A_39, %sign3A_42 : i32
    %sign3A_44 = arith.constant 0 : i32
    %sign3A_45 = arith.cmpi sgt, %jit3A, %sign3A_44 : i32
    %sign3A_46 = arith.extui %sign3A_45 : i1 to i32
    %sign3A_47 = arith.constant 0 : i32
    %sign3A_48 = arith.cmpi slt, %jit3A, %sign3A_47 : i32
    %sign3A_49 = arith.extui %sign3A_48 : i1 to i32
    %sign3A_50 = arith.subi %sign3A_46, %sign3A_49 : i32
    %ne3A = arith.cmpi ne, %sign3A_43, %sign3A_50 : i32
    %rem3A = arith.remsi %squeeze3A, %jit3A : i32
    %ne3A_51 = arith.constant 0 : i32
    %ne3A_52 = arith.cmpi ne, %rem3A, %ne3A_51 : i32
    %and3A = arith.andi %ne3A, %ne3A_52 : i1
    %sub3A = arith.constant 1 : i32
    %sub3A_53 = arith.subi %div3A, %sub3A : i32
    %select_n3A = arith.select %and3A, %sub3A_53, %div3A : i32
    %jit3A_54 = arith.constant 0 : i32
    %select_n3A_55 = arith.select %eq3A_37, %jit3A_54, %select_n3A : i32
    %eq3A_56 = arith.constant 0 : i32
    %eq3A_57 = arith.cmpi eq, %arg0, %eq3A_56 : i32
    %add3A_58 = arith.constant 128 : i32
    %add3A_59 = arith.addi %squeeze3A, %add3A_58 : i32
    %sub3A_60 = arith.constant 1 : i32
    %sub3A_61 = arith.subi %add3A_59, %sub3A_60 : i32
    %jit3A_62 = arith.constant 128 : i32
    %div3A_63 = arith.divsi %sub3A_61, %jit3A_62 : i32
    %sign3A_64 = arith.constant 0 : i32
    %sign3A_65 = arith.cmpi sgt, %sub3A_61, %sign3A_64 : i32
    %sign3A_66 = arith.extui %sign3A_65 : i1 to i32
    %sign3A_67 = arith.constant 0 : i32
    %sign3A_68 = arith.cmpi slt, %sub3A_61, %sign3A_67 : i32
    %sign3A_69 = arith.extui %sign3A_68 : i1 to i32
    %sign3A_70 = arith.subi %sign3A_66, %sign3A_69 : i32
    %sign3A_71 = arith.constant 0 : i32
    %sign3A_72 = arith.cmpi sgt, %jit3A_62, %sign3A_71 : i32
    %sign3A_73 = arith.extui %sign3A_72 : i1 to i32
    %sign3A_74 = arith.constant 0 : i32
    %sign3A_75 = arith.cmpi slt, %jit3A_62, %sign3A_74 : i32
    %sign3A_76 = arith.extui %sign3A_75 : i1 to i32
    %sign3A_77 = arith.subi %sign3A_73, %sign3A_76 : i32
    %ne3A_78 = arith.cmpi ne, %sign3A_70, %sign3A_77 : i32
    %rem3A_79 = arith.remsi %sub3A_61, %jit3A_62 : i32
    %ne3A_80 = arith.constant 0 : i32
    %ne3A_81 = arith.cmpi ne, %rem3A_79, %ne3A_80 : i32
    %and3A_82 = arith.andi %ne3A_78, %ne3A_81 : i1
    %sub3A_83 = arith.constant 1 : i32
    %sub3A_84 = arith.subi %div3A_63, %sub3A_83 : i32
    %select_n3A_85 = arith.select %and3A_82, %sub3A_84, %div3A_63 : i32
    %jit3A_86 = arith.constant 2500 : i32
    %select_n3A_87 = arith.select %eq3A_57, %select_n3A_85, %jit3A_86 : i32
    %eq3A_88 = arith.constant 0 : i32
    %eq3A_89 = arith.cmpi eq, %arg0, %eq3A_88 : i32
    %jit3A_90 = arith.constant 128 : i32
    %div3A_91 = arith.divsi %squeeze3A_7, %jit3A_90 : i32
    %sign3A_92 = arith.constant 0 : i32
    %sign3A_93 = arith.cmpi sgt, %squeeze3A_7, %sign3A_92 : i32
    %sign3A_94 = arith.extui %sign3A_93 : i1 to i32
    %sign3A_95 = arith.constant 0 : i32
    %sign3A_96 = arith.cmpi slt, %squeeze3A_7, %sign3A_95 : i32
    %sign3A_97 = arith.extui %sign3A_96 : i1 to i32
    %sign3A_98 = arith.subi %sign3A_94, %sign3A_97 : i32
    %sign3A_99 = arith.constant 0 : i32
    %sign3A_100 = arith.cmpi sgt, %jit3A_90, %sign3A_99 : i32
    %sign3A_101 = arith.extui %sign3A_100 : i1 to i32
    %sign3A_102 = arith.constant 0 : i32
    %sign3A_103 = arith.cmpi slt, %jit3A_90, %sign3A_102 : i32
    %sign3A_104 = arith.extui %sign3A_103 : i1 to i32
    %sign3A_105 = arith.subi %sign3A_101, %sign3A_104 : i32
    %ne3A_106 = arith.cmpi ne, %sign3A_98, %sign3A_105 : i32
    %rem3A_107 = arith.remsi %squeeze3A_7, %jit3A_90 : i32
    %ne3A_108 = arith.constant 0 : i32
    %ne3A_109 = arith.cmpi ne, %rem3A_107, %ne3A_108 : i32
    %and3A_110 = arith.andi %ne3A_106, %ne3A_109 : i1
    %sub3A_111 = arith.constant 1 : i32
    %sub3A_112 = arith.subi %div3A_91, %sub3A_111 : i32
    %select_n3A_113 = arith.select %and3A_110, %sub3A_112, %div3A_91 : i32
    %jit3A_114 = arith.constant 0 : i32
    %select_n3A_115 = arith.select %eq3A_89, %jit3A_114, %select_n3A_113 : i32
    %eq3A_116 = arith.constant 0 : i32
    %eq3A_117 = arith.cmpi eq, %arg0, %eq3A_116 : i32
    %add3A_118 = arith.constant 128 : i32
    %add3A_119 = arith.addi %squeeze3A_7, %add3A_118 : i32
    %sub3A_120 = arith.constant 1 : i32
    %sub3A_121 = arith.subi %add3A_119, %sub3A_120 : i32
    %jit3A_122 = arith.constant 128 : i32
    %div3A_123 = arith.divsi %sub3A_121, %jit3A_122 : i32
    %sign3A_124 = arith.constant 0 : i32
    %sign3A_125 = arith.cmpi sgt, %sub3A_121, %sign3A_124 : i32
    %sign3A_126 = arith.extui %sign3A_125 : i1 to i32
    %sign3A_127 = arith.constant 0 : i32
    %sign3A_128 = arith.cmpi slt, %sub3A_121, %sign3A_127 : i32
    %sign3A_129 = arith.extui %sign3A_128 : i1 to i32
    %sign3A_130 = arith.subi %sign3A_126, %sign3A_129 : i32
    %sign3A_131 = arith.constant 0 : i32
    %sign3A_132 = arith.cmpi sgt, %jit3A_122, %sign3A_131 : i32
    %sign3A_133 = arith.extui %sign3A_132 : i1 to i32
    %sign3A_134 = arith.constant 0 : i32
    %sign3A_135 = arith.cmpi slt, %jit3A_122, %sign3A_134 : i32
    %sign3A_136 = arith.extui %sign3A_135 : i1 to i32
    %sign3A_137 = arith.subi %sign3A_133, %sign3A_136 : i32
    %ne3A_138 = arith.cmpi ne, %sign3A_130, %sign3A_137 : i32
    %rem3A_139 = arith.remsi %sub3A_121, %jit3A_122 : i32
    %ne3A_140 = arith.constant 0 : i32
    %ne3A_141 = arith.cmpi ne, %rem3A_139, %ne3A_140 : i32
    %and3A_142 = arith.andi %ne3A_138, %ne3A_141 : i1
    %sub3A_143 = arith.constant 1 : i32
    %sub3A_144 = arith.subi %div3A_123, %sub3A_143 : i32
    %select_n3A_145 = arith.select %and3A_142, %sub3A_144, %div3A_123 : i32
    %jit3A_146 = arith.constant 781 : i32
    %select_n3A_147 = arith.select %eq3A_117, %select_n3A_145, %jit3A_146 : i32
    %add3A_148 = arith.addi %select_n3A_55, %arg1 : i32
    %lt3A = arith.cmpi slt, %add3A_148, %select_n3A_87 : i32
    %convert_element_type3A = arith.extui %lt3A : i1 to i32
    %cond3A = arith.constant 0 : i32
    %cond3A_149 = arith.cmpi ne, %convert_element_type3A, %cond3A : i32
    scf.if %cond3A_149 {
      %mul3A_252 = arith.constant 128 : i32
      %mul3A_253 = arith.muli %add3A_148, %mul3A_252 : i32
      %dma_start3A = arith.constant 0 : i32
      %dma_start3A_254 = tpu.memref_slice %arg2[%mul3A_253, %dma_start3A] : memref<320000x128xf32, #tpu.memory_space<hbm>> -> memref<128x128xf32, #tpu.memory_space<hbm>>
      %dma_start3A_255 = arith.constant 0 : i32
      %dma_start3A_256 = tpu.memref_slice %arg2[%mul3A_253, %dma_start3A_255] : memref<320000x128xf32, #tpu.memory_space<hbm>> -> memref<128x128xf32, #tpu.memory_space<hbm>>
      tpu.enqueue_dma source(%dma_start3A_256 : memref<128x128xf32, #tpu.memory_space<hbm>>) target(%arg11 : memref<128x128xf32, #tpu.memory_space<vmem>>) target_semaphore(%arg15 : memref<!tpu.dma_semaphore, #tpu.memory_space<semaphore_mem>>)
      %mul3A_257 = arith.constant 128 : i32
      %mul3A_258 = arith.muli %add3A_148, %mul3A_257 : i32
      %dma_start3A_259 = tpu.memref_slice %arg3[%mul3A_258] : memref<320000xi32, #tpu.memory_space<hbm>> -> memref<128xi32, #tpu.memory_space<hbm>>
      %dma_start3A_260 = tpu.memref_slice %arg3[%mul3A_258] : memref<320000xi32, #tpu.memory_space<hbm>> -> memref<128xi32, #tpu.memory_space<hbm>>
      tpu.enqueue_dma source(%dma_start3A_260 : memref<128xi32, #tpu.memory_space<hbm>>) target(%arg12 : memref<128xi32, #tpu.memory_space<vmem>>) target_semaphore(%arg15 : memref<!tpu.dma_semaphore, #tpu.memory_space<semaphore_mem>>)
    } else {
    }
    %sub3A_150 = arith.subi %select_n3A_87, %select_n3A_55 : i32
    %add3A_151 = arith.constant 16 : i32
    %add3A_152 = arith.addi %sub3A_150, %add3A_151 : i32
    %sub3A_153 = arith.constant 1 : i32
    %sub3A_154 = arith.subi %add3A_152, %sub3A_153 : i32
    %jit3A_155 = arith.constant 16 : i32
    %div3A_156 = arith.divsi %sub3A_154, %jit3A_155 : i32
    %sign3A_157 = arith.constant 0 : i32
    %sign3A_158 = arith.cmpi sgt, %sub3A_154, %sign3A_157 : i32
    %sign3A_159 = arith.extui %sign3A_158 : i1 to i32
    %sign3A_160 = arith.constant 0 : i32
    %sign3A_161 = arith.cmpi slt, %sub3A_154, %sign3A_160 : i32
    %sign3A_162 = arith.extui %sign3A_161 : i1 to i32
    %sign3A_163 = arith.subi %sign3A_159, %sign3A_162 : i32
    %sign3A_164 = arith.constant 0 : i32
    %sign3A_165 = arith.cmpi sgt, %jit3A_155, %sign3A_164 : i32
    %sign3A_166 = arith.extui %sign3A_165 : i1 to i32
    %sign3A_167 = arith.constant 0 : i32
    %sign3A_168 = arith.cmpi slt, %jit3A_155, %sign3A_167 : i32
    %sign3A_169 = arith.extui %sign3A_168 : i1 to i32
    %sign3A_170 = arith.subi %sign3A_166, %sign3A_169 : i32
    %ne3A_171 = arith.cmpi ne, %sign3A_163, %sign3A_170 : i32
    %rem3A_172 = arith.remsi %sub3A_154, %jit3A_155 : i32
    %ne3A_173 = arith.constant 0 : i32
    %ne3A_174 = arith.cmpi ne, %rem3A_172, %ne3A_173 : i32
    %and3A_175 = arith.andi %ne3A_171, %ne3A_174 : i1
    %sub3A_176 = arith.constant 1 : i32
    %sub3A_177 = arith.subi %div3A_156, %sub3A_176 : i32
    %select_n3A_178 = arith.select %and3A_175, %sub3A_177, %div3A_156 : i32
    %while3A = arith.constant 0 : i32
    %while3A_179 = arith.constant 0 : i32
    %while3A_180 = arith.subi %select_n3A_178, %while3A : i32
    %while3A_181 = arith.addi %while3A, %while3A_180 : i32
    %while3A_182 = arith.constant 1 : i32
    %while3A_183 = arith.divsi %while3A_180, %while3A_182 : i32
    %while3A_184 = arith.muli %while3A_183, %while3A_182 : i32
    %while3A_185 = arith.addi %while3A, %while3A_184 : i32
    %while3A_186 = arith.constant 1 : i32
    %while3A_187 = scf.for %while3A_252 = %while3A to %while3A_185 step %while3A_186 iter_args(%while3A_253 = %while3A_179) -> (i32)  : i32 {
      %mul3A_254 = arith.constant 16 : i32
      %mul3A_255 = arith.muli %while3A_252, %mul3A_254 : i32
      %add3A_256 = arith.addi %select_n3A_55, %mul3A_255 : i32
      %add3A_257 = arith.addi %add3A_256, %arg1 : i32
      %add3A_258 = arith.constant 16 : i32
      %add3A_259 = arith.addi %add3A_257, %add3A_258 : i32
      %jit3A_260 = arith.constant 2 : i32
      %eq3A_261 = arith.constant 0 : i32
      %eq3A_262 = arith.cmpi eq, %jit3A_260, %eq3A_261 : i32
      %jit3A_263 = arith.constant 1 : i32
      %select_n3A_264 = arith.select %eq3A_262, %jit3A_263, %jit3A_260 : i32
      %rem3A_265 = arith.remsi %while3A_252, %select_n3A_264 : i32
      %ne3A_266 = arith.constant 0 : i32
      %ne3A_267 = arith.cmpi ne, %rem3A_265, %ne3A_266 : i32
      %lt3A_268 = arith.constant 0 : i32
      %lt3A_269 = arith.cmpi slt, %rem3A_265, %lt3A_268 : i32
      %lt3A_270 = arith.constant 0 : i32
      %lt3A_271 = arith.cmpi slt, %select_n3A_264, %lt3A_270 : i32
      %ne3A_272 = arith.xori %lt3A_269, %lt3A_271 : i1
      %and3A_273 = arith.andi %ne3A_272, %ne3A_267 : i1
      %add3A_274 = arith.addi %rem3A_265, %select_n3A_264 : i32
      %select_n3A_275 = arith.select %and3A_273, %add3A_274, %rem3A_265 : i32
      %eq3A_276 = arith.constant 0 : i32
      %eq3A_277 = arith.cmpi eq, %select_n3A_275, %eq3A_276 : i32
      %convert_element_type3A_278 = arith.extui %eq3A_277 : i1 to i32
      %cond3A_279 = arith.constant 0 : i32
      %cond3A_280 = arith.cmpi ne, %convert_element_type3A_278, %cond3A_279 : i32
      scf.if %cond3A_280 {
        %lt3A_303 = arith.cmpi slt, %add3A_259, %select_n3A_87 : i32
        %convert_element_type3A_304 = arith.extui %lt3A_303 : i1 to i32
        %cond3A_305 = arith.constant 0 : i32
        %cond3A_306 = arith.cmpi ne, %convert_element_type3A_304, %cond3A_305 : i32
        scf.if %cond3A_306 {
          %mul3A_311 = arith.constant 128 : i32
          %mul3A_312 = arith.muli %add3A_259, %mul3A_311 : i32
          %dma_start3A = arith.constant 0 : i32
          %dma_start3A_313 = tpu.memref_slice %arg2[%mul3A_312, %dma_start3A] : memref<320000x128xf32, #tpu.memory_space<hbm>> -> memref<128x128xf32, #tpu.memory_space<hbm>>
          %dma_start3A_314 = arith.constant 0 : i32
          %dma_start3A_315 = tpu.memref_slice %arg2[%mul3A_312, %dma_start3A_314] : memref<320000x128xf32, #tpu.memory_space<hbm>> -> memref<128x128xf32, #tpu.memory_space<hbm>>
          tpu.enqueue_dma source(%dma_start3A_315 : memref<128x128xf32, #tpu.memory_space<hbm>>) target(%arg13 : memref<128x128xf32, #tpu.memory_space<vmem>>) target_semaphore(%arg16 : memref<!tpu.dma_semaphore, #tpu.memory_space<semaphore_mem>>)
          %mul3A_316 = arith.constant 128 : i32
          %mul3A_317 = arith.muli %add3A_259, %mul3A_316 : i32
          %dma_start3A_318 = tpu.memref_slice %arg3[%mul3A_317] : memref<320000xi32, #tpu.memory_space<hbm>> -> memref<128xi32, #tpu.memory_space<hbm>>
          %dma_start3A_319 = tpu.memref_slice %arg3[%mul3A_317] : memref<320000xi32, #tpu.memory_space<hbm>> -> memref<128xi32, #tpu.memory_space<hbm>>
          tpu.enqueue_dma source(%dma_start3A_319 : memref<128xi32, #tpu.memory_space<hbm>>) target(%arg14 : memref<128xi32, #tpu.memory_space<vmem>>) target_semaphore(%arg16 : memref<!tpu.dma_semaphore, #tpu.memory_space<semaphore_mem>>)
        } else {
        }
        %lt3A_307 = arith.cmpi slt, %add3A_257, %select_n3A_87 : i32
        %convert_element_type3A_308 = arith.extui %lt3A_307 : i1 to i32
        %cond3A_309 = arith.constant 0 : i32
        %cond3A_310 = arith.cmpi ne, %convert_element_type3A_308, %cond3A_309 : i32
        scf.if %cond3A_310 {
          %mul3A_311 = arith.constant 128 : i32
          %mul3A_312 = arith.muli %add3A_257, %mul3A_311 : i32
          %dma_wait3A = arith.constant 0 : i32
          %dma_wait3A_313 = tpu.memref_slice %arg2[%mul3A_312, %dma_wait3A] : memref<320000x128xf32, #tpu.memory_space<hbm>> -> memref<128x128xf32, #tpu.memory_space<hbm>>
          %dma_wait3A_314 = arith.constant 0 : i32
          %dma_wait3A_315 = tpu.memref_slice %arg2[%mul3A_312, %dma_wait3A_314] : memref<320000x128xf32, #tpu.memory_space<hbm>> -> memref<128x128xf32, #tpu.memory_space<hbm>>
          tpu.wait_dma2 semaphore(%arg15 : memref<!tpu.dma_semaphore, #tpu.memory_space<semaphore_mem>>) src(%dma_wait3A_315 : memref<128x128xf32, #tpu.memory_space<hbm>>) dst(%arg11 : memref<128x128xf32, #tpu.memory_space<vmem>>)
          %mul3A_316 = arith.constant 128 : i32
          %mul3A_317 = arith.muli %add3A_257, %mul3A_316 : i32
          %dma_wait3A_318 = tpu.memref_slice %arg3[%mul3A_317] : memref<320000xi32, #tpu.memory_space<hbm>> -> memref<128xi32, #tpu.memory_space<hbm>>
          %dma_wait3A_319 = tpu.memref_slice %arg3[%mul3A_317] : memref<320000xi32, #tpu.memory_space<hbm>> -> memref<128xi32, #tpu.memory_space<hbm>>
          tpu.wait_dma2 semaphore(%arg15 : memref<!tpu.dma_semaphore, #tpu.memory_space<semaphore_mem>>) src(%dma_wait3A_319 : memref<128xi32, #tpu.memory_space<hbm>>) dst(%arg12 : memref<128xi32, #tpu.memory_space<vmem>>)
          %get3A_320 = arith.constant 0 : index
          %get3A_321 = tpu.vector_load %arg12[%get3A_320] {strides = array<i32>} : memref<128xi32, #tpu.memory_space<vmem>>, vector<16xi32>,
          %get3A_322 = vector.shape_cast %get3A_321 : vector<16xi32> to vector<16xi32>
          %sub3A_323 = vector.broadcast %mul3A_0 : i32 to vector<16xi32>
          %sub3A_324 = arith.subi %get3A_322, %sub3A_323 : vector<16xi32>
          %ge3A = arith.constant 0 : i32
          %ge3A_325 = vector.broadcast %ge3A : i32 to vector<16xi32>
          %ge3A_326 = arith.cmpi sge, %sub3A_324, %ge3A_325 : vector<16xi32>
          %lt3A_327 = arith.constant 5000 : i32
          %lt3A_328 = vector.broadcast %lt3A_327 : i32 to vector<16xi32>
          %lt3A_329 = arith.cmpi slt, %sub3A_324, %lt3A_328 : vector<16xi32>
          %and3A_330 = arith.andi %ge3A_326, %lt3A_329 : vector<16xi1>
          %jit3A_331 = arith.constant 5000 : i32
          %broadcast_in_dim3A = vector.broadcast %jit3A_331 : i32 to vector<16xi32>
          %select_n3A_332 = arith.select %and3A_330, %sub3A_324, %broadcast_in_dim3A : vector<16xi1>, vector<16xi32>
          %swap3A = arith.constant 0 : index
          %swap3A_333 = tpu.vector_load %arg12[%swap3A] {strides = array<i32>} : memref<128xi32, #tpu.memory_space<vmem>>, vector<16xi32>,
          %swap3A_334 = vector.shape_cast %swap3A_333 : vector<16xi32> to vector<16xi32>
          %swap3A_335 = vector.shape_cast %select_n3A_332 : vector<16xi32> to vector<16xi32>
          tpu.vector_store %arg12[%swap3A], %swap3A_335 {strides = array<i32>} : memref<128xi32, #tpu.memory_space<vmem>>, vector<16xi32>,
          %get3A_336 = arith.constant 16 : index
          %get3A_337 = tpu.vector_load %arg12[%get3A_336] {strides = array<i32>} : memref<128xi32, #tpu.memory_space<vmem>>, vector<16xi32>,
          %get3A_338 = vector.shape_cast %get3A_337 : vector<16xi32> to vector<16xi32>
          %sub3A_339 = vector.broadcast %mul3A_0 : i32 to vector<16xi32>
          %sub3A_340 = arith.subi %get3A_338, %sub3A_339 : vector<16xi32>
          %ge3A_341 = arith.constant 0 : i32
          %ge3A_342 = vector.broadcast %ge3A_341 : i32 to vector<16xi32>
          %ge3A_343 = arith.cmpi sge, %sub3A_340, %ge3A_342 : vector<16xi32>
          %lt3A_344 = arith.constant 5000 : i32
          %lt3A_345 = vector.broadcast %lt3A_344 : i32 to vector<16xi32>
          %lt3A_346 = arith.cmpi slt, %sub3A_340, %lt3A_345 : vector<16xi32>
          %and3A_347 = arith.andi %ge3A_343, %lt3A_346 : vector<16xi1>
          %jit3A_348 = arith.constant 5000 : i32
          %broadcast_in_dim3A_349 = vector.broadcast %jit3A_348 : i32 to vector<16xi32>
          %select_n3A_350 = arith.select %and3A_347, %sub3A_340, %broadcast_in_dim3A_349 : vector<16xi1>, vector<16xi32>
          %swap3A_351 = arith.constant 16 : index
          %swap3A_352 = tpu.vector_load %arg12[%swap3A_351] {strides = array<i32>} : memref<128xi32, #tpu.memory_space<vmem>>, vector<16xi32>,
          %swap3A_353 = vector.shape_cast %swap3A_352 : vector<16xi32> to vector<16xi32>
          %swap3A_354 = vector.shape_cast %select_n3A_350 : vector<16xi32> to vector<16xi32>
          tpu.vector_store %arg12[%swap3A_351], %swap3A_354 {strides = array<i32>} : memref<128xi32, #tpu.memory_space<vmem>>, vector<16xi32>,
          %get3A_355 = arith.constant 32 : index
          %get3A_356 = tpu.vector_load %arg12[%get3A_355] {strides = array<i32>} : memref<128xi32, #tpu.memory_space<vmem>>, vector<16xi32>,
          %get3A_357 = vector.shape_cast %get3A_356 : vector<16xi32> to vector<16xi32>
          %sub3A_358 = vector.broadcast %mul3A_0 : i32 to vector<16xi32>
          %sub3A_359 = arith.subi %get3A_357, %sub3A_358 : vector<16xi32>
          %ge3A_360 = arith.constant 0 : i32
          %ge3A_361 = vector.broadcast %ge3A_360 : i32 to vector<16xi32>
          %ge3A_362 = arith.cmpi sge, %sub3A_359, %ge3A_361 : vector<16xi32>
          %lt3A_363 = arith.constant 5000 : i32
          %lt3A_364 = vector.broadcast %lt3A_363 : i32 to vector<16xi32>
          %lt3A_365 = arith.cmpi slt, %sub3A_359, %lt3A_364 : vector<16xi32>
          %and3A_366 = arith.andi %ge3A_362, %lt3A_365 : vector<16xi1>
          %jit3A_367 = arith.constant 5000 : i32
          %broadcast_in_dim3A_368 = vector.broadcast %jit3A_367 : i32 to vector<16xi32>
          %select_n3A_369 = arith.select %and3A_366, %sub3A_359, %broadcast_in_dim3A_368 : vector<16xi1>, vector<16xi32>
          %swap3A_370 = arith.constant 32 : index
          %swap3A_371 = tpu.vector_load %arg12[%swap3A_370] {strides = array<i32>} : memref<128xi32, #tpu.memory_space<vmem>>, vector<16xi32>,
          %swap3A_372 = vector.shape_cast %swap3A_371 : vector<16xi32> to vector<16xi32>
          %swap3A_373 = vector.shape_cast %select_n3A_369 : vector<16xi32> to vector<16xi32>
          tpu.vector_store %arg12[%swap3A_370], %swap3A_373 {strides = array<i32>} : memref<128xi32, #tpu.memory_space<vmem>>, vector<16xi32>,
          %get3A_374 = arith.constant 48 : index
          %get3A_375 = tpu.vector_load %arg12[%get3A_374] {strides = array<i32>} : memref<128xi32, #tpu.memory_space<vmem>>, vector<16xi32>,
          %get3A_376 = vector.shape_cast %get3A_375 : vector<16xi32> to vector<16xi32>
          %sub3A_377 = vector.broadcast %mul3A_0 : i32 to vector<16xi32>
          %sub3A_378 = arith.subi %get3A_376, %sub3A_377 : vector<16xi32>
          %ge3A_379 = arith.constant 0 : i32
          %ge3A_380 = vector.broadcast %ge3A_379 : i32 to vector<16xi32>
          %ge3A_381 = arith.cmpi sge, %sub3A_378, %ge3A_380 : vector<16xi32>
          %lt3A_382 = arith.constant 5000 : i32
          %lt3A_383 = vector.broadcast %lt3A_382 : i32 to vector<16xi32>
          %lt3A_384 = arith.cmpi slt, %sub3A_378, %lt3A_383 : vector<16xi32>
          %and3A_385 = arith.andi %ge3A_381, %lt3A_384 : vector<16xi1>
          %jit3A_386 = arith.constant 5000 : i32
          %broadcast_in_dim3A_387 = vector.broadcast %jit3A_386 : i32 to vector<16xi32>
          %select_n3A_388 = arith.select %and3A_385, %sub3A_378, %broadcast_in_dim3A_387 : vector<16xi1>, vector<16xi32>
          %swap3A_389 = arith.constant 48 : index
          %swap3A_390 = tpu.vector_load %arg12[%swap3A_389] {strides = array<i32>} : memref<128xi32, #tpu.memory_space<vmem>>, vector<16xi32>,
          %swap3A_391 = vector.shape_cast %swap3A_390 : vector<16xi32> to vector<16xi32>
          %swap3A_392 = vector.shape_cast %select_n3A_388 : vector<16xi32> to vector<16xi32>
          tpu.vector_store %arg12[%swap3A_389], %swap3A_392 {strides = array<i32>} : memref<128xi32, #tpu.memory_space<vmem>>, vector<16xi32>,
          %get3A_393 = arith.constant 64 : index
          %get3A_394 = tpu.vector_load %arg12[%get3A_393] {strides = array<i32>} : memref<128xi32, #tpu.memory_space<vmem>>, vector<16xi32>,
          %get3A_395 = vector.shape_cast %get3A_394 : vector<16xi32> to vector<16xi32>
          %sub3A_396 = vector.broadcast %mul3A_0 : i32 to vector<16xi32>
          %sub3A_397 = arith.subi %get3A_395, %sub3A_396 : vector<16xi32>
          %ge3A_398 = arith.constant 0 : i32
          %ge3A_399 = vector.broadcast %ge3A_398 : i32 to vector<16xi32>
          %ge3A_400 = arith.cmpi sge, %sub3A_397, %ge3A_399 : vector<16xi32>
          %lt3A_401 = arith.constant 5000 : i32
          %lt3A_402 = vector.broadcast %lt3A_401 : i32 to vector<16xi32>
          %lt3A_403 = arith.cmpi slt, %sub3A_397, %lt3A_402 : vector<16xi32>
          %and3A_404 = arith.andi %ge3A_400, %lt3A_403 : vector<16xi1>
          %jit3A_405 = arith.constant 5000 : i32
          %broadcast_in_dim3A_406 = vector.broadcast %jit3A_405 : i32 to vector<16xi32>
          %select_n3A_407 = arith.select %and3A_404, %sub3A_397, %broadcast_in_dim3A_406 : vector<16xi1>, vector<16xi32>
          %swap3A_408 = arith.constant 64 : index
          %swap3A_409 = tpu.vector_load %arg12[%swap3A_408] {strides = array<i32>} : memref<128xi32, #tpu.memory_space<vmem>>, vector<16xi32>,
          %swap3A_410 = vector.shape_cast %swap3A_409 : vector<16xi32> to vector<16xi32>
          %swap3A_411 = vector.shape_cast %select_n3A_407 : vector<16xi32> to vector<16xi32>
          tpu.vector_store %arg12[%swap3A_408], %swap3A_411 {strides = array<i32>} : memref<128xi32, #tpu.memory_space<vmem>>, vector<16xi32>,
          %get3A_412 = arith.constant 80 : index
          %get3A_413 = tpu.vector_load %arg12[%get3A_412] {strides = array<i32>} : memref<128xi32, #tpu.memory_space<vmem>>, vector<16xi32>,
          %get3A_414 = vector.shape_cast %get3A_413 : vector<16xi32> to vector<16xi32>
          %sub3A_415 = vector.broadcast %mul3A_0 : i32 to vector<16xi32>
          %sub3A_416 = arith.subi %get3A_414, %sub3A_415 : vector<16xi32>
          %ge3A_417 = arith.constant 0 : i32
          %ge3A_418 = vector.broadcast %ge3A_417 : i32 to vector<16xi32>
          %ge3A_419 = arith.cmpi sge, %sub3A_416, %ge3A_418 : vector<16xi32>
          %lt3A_420 = arith.constant 5000 : i32
          %lt3A_421 = vector.broadcast %lt3A_420 : i32 to vector<16xi32>
          %lt3A_422 = arith.cmpi slt, %sub3A_416, %lt3A_421 : vector<16xi32>
          %and3A_423 = arith.andi %ge3A_419, %lt3A_422 : vector<16xi1>
          %jit3A_424 = arith.constant 5000 : i32
          %broadcast_in_dim3A_425 = vector.broadcast %jit3A_424 : i32 to vector<16xi32>
          %select_n3A_426 = arith.select %and3A_423, %sub3A_416, %broadcast_in_dim3A_425 : vector<16xi1>, vector<16xi32>
          %swap3A_427 = arith.constant 80 : index
          %swap3A_428 = tpu.vector_load %arg12[%swap3A_427] {strides = array<i32>} : memref<128xi32, #tpu.memory_space<vmem>>, vector<16xi32>,
          %swap3A_429 = vector.shape_cast %swap3A_428 : vector<16xi32> to vector<16xi32>
          %swap3A_430 = vector.shape_cast %select_n3A_426 : vector<16xi32> to vector<16xi32>
          tpu.vector_store %arg12[%swap3A_427], %swap3A_430 {strides = array<i32>} : memref<128xi32, #tpu.memory_space<vmem>>, vector<16xi32>,
          %get3A_431 = arith.constant 96 : index
          %get3A_432 = tpu.vector_load %arg12[%get3A_431] {strides = array<i32>} : memref<128xi32, #tpu.memory_space<vmem>>, vector<16xi32>,
          %get3A_433 = vector.shape_cast %get3A_432 : vector<16xi32> to vector<16xi32>
          %sub3A_434 = vector.broadcast %mul3A_0 : i32 to vector<16xi32>
          %sub3A_435 = arith.subi %get3A_433, %sub3A_434 : vector<16xi32>
          %ge3A_436 = arith.constant 0 : i32
          %ge3A_437 = vector.broadcast %ge3A_436 : i32 to vector<16xi32>
          %ge3A_438 = arith.cmpi sge, %sub3A_435, %ge3A_437 : vector<16xi32>
          %lt3A_439 = arith.constant 5000 : i32
          %lt3A_440 = vector.broadcast %lt3A_439 : i32 to vector<16xi32>
          %lt3A_441 = arith.cmpi slt, %sub3A_435, %lt3A_440 : vector<16xi32>
          %and3A_442 = arith.andi %ge3A_438, %lt3A_441 : vector<16xi1>
          %jit3A_443 = arith.constant 5000 : i32
          %broadcast_in_dim3A_444 = vector.broadcast %jit3A_443 : i32 to vector<16xi32>
          %select_n3A_445 = arith.select %and3A_442, %sub3A_435, %broadcast_in_dim3A_444 : vector<16xi1>, vector<16xi32>
          %swap3A_446 = arith.constant 96 : index
          %swap3A_447 = tpu.vector_load %arg12[%swap3A_446] {strides = array<i32>} : memref<128xi32, #tpu.memory_space<vmem>>, vector<16xi32>,
          %swap3A_448 = vector.shape_cast %swap3A_447 : vector<16xi32> to vector<16xi32>
          %swap3A_449 = vector.shape_cast %select_n3A_445 : vector<16xi32> to vector<16xi32>
          tpu.vector_store %arg12[%swap3A_446], %swap3A_449 {strides = array<i32>} : memref<128xi32, #tpu.memory_space<vmem>>, vector<16xi32>,
          %get3A_450 = arith.constant 112 : index
          %get3A_451 = tpu.vector_load %arg12[%get3A_450] {strides = array<i32>} : memref<128xi32, #tpu.memory_space<vmem>>, vector<16xi32>,
          %get3A_452 = vector.shape_cast %get3A_451 : vector<16xi32> to vector<16xi32>
          %sub3A_453 = vector.broadcast %mul3A_0 : i32 to vector<16xi32>
          %sub3A_454 = arith.subi %get3A_452, %sub3A_453 : vector<16xi32>
          %ge3A_455 = arith.constant 0 : i32
          %ge3A_456 = vector.broadcast %ge3A_455 : i32 to vector<16xi32>
          %ge3A_457 = arith.cmpi sge, %sub3A_454, %ge3A_456 : vector<16xi32>
          %lt3A_458 = arith.constant 5000 : i32
          %lt3A_459 = vector.broadcast %lt3A_458 : i32 to vector<16xi32>
          %lt3A_460 = arith.cmpi slt, %sub3A_454, %lt3A_459 : vector<16xi32>
          %and3A_461 = arith.andi %ge3A_457, %lt3A_460 : vector<16xi1>
          %jit3A_462 = arith.constant 5000 : i32
          %broadcast_in_dim3A_463 = vector.broadcast %jit3A_462 : i32 to vector<16xi32>
          %select_n3A_464 = arith.select %and3A_461, %sub3A_454, %broadcast_in_dim3A_463 : vector<16xi1>, vector<16xi32>
          %swap3A_465 = arith.constant 112 : index
          %swap3A_466 = tpu.vector_load %arg12[%swap3A_465] {strides = array<i32>} : memref<128xi32, #tpu.memory_space<vmem>>, vector<16xi32>,
          %swap3A_467 = vector.shape_cast %swap3A_466 : vector<16xi32> to vector<16xi32>
          %swap3A_468 = vector.shape_cast %select_n3A_464 : vector<16xi32> to vector<16xi32>
          tpu.vector_store %arg12[%swap3A_465], %swap3A_468 {strides = array<i32>} : memref<128xi32, #tpu.memory_space<vmem>>, vector<16xi32>,
          "tpu.region"() ({
            %run_scoped3A = tpu.sem_alloc : memref<!tpu.dma_semaphore, #tpu.memory_space<semaphore_mem>>
            %dma_start3A = arith.constant 0 : i32
            %dma_start3A_469 = arith.constant 0 : i32
            %dma_start3A_470 = tpu.memref_slice %arg8[%dma_start3A, %dma_start3A_469] : memref<5120x128xf32, #tpu.memory_space<vmem_shared>> -> memref<5120x128xf32, #tpu.memory_space<vmem_shared>>
            tpu.enqueue_indirect_dma source(%arg11 : memref<128x128xf32, #tpu.memory_space<vmem>>) target(%dma_start3A_470 : memref<5120x128xf32, #tpu.memory_space<vmem_shared>>) offsets(%arg12 : memref<128xi32, #tpu.memory_space<vmem>>) semaphore(%run_scoped3A : memref<!tpu.dma_semaphore, #tpu.memory_space<semaphore_mem>>) {add = true}
            %dma_wait3A_471 = arith.constant 0 : i32
            %dma_wait3A_472 = arith.constant 0 : i32
            %dma_wait3A_473 = tpu.memref_slice %arg8[%dma_wait3A_471, %dma_wait3A_472] : memref<5120x128xf32, #tpu.memory_space<vmem_shared>> -> memref<5120x128xf32, #tpu.memory_space<vmem_shared>>
            tpu.wait_indirect_dma semaphore(%run_scoped3A : memref<!tpu.dma_semaphore, #tpu.memory_space<semaphore_mem>>) src(%arg11 : memref<128x128xf32, #tpu.memory_space<vmem>>) dst(%dma_wait3A_473 : memref<5120x128xf32, #tpu.memory_space<vmem_shared>>)
            tpu.yield
          }) : () -> ()
        } else {
        }
      } else {
      }
      %jit3A_281 = arith.constant 2 : i32
      %eq3A_282 = arith.constant 0 : i32
      %eq3A_283 = arith.cmpi eq, %jit3A_281, %eq3A_282 : i32
      %jit3A_284 = arith.constant 1 : i32
      %select_n3A_285 = arith.select %eq3A_283, %jit3A_284, %jit3A_281 : i32
      %rem3A_286 = arith.remsi %while3A_252, %select_n3A_285 : i32
      %ne3A_287 = arith.constant 0 : i32
      %ne3A_288 = arith.cmpi ne, %rem3A_286, %ne3A_287 : i32
      %lt3A_289 = arith.constant 0 : i32
      %lt3A_290 = arith.cmpi slt, %rem3A_286, %lt3A_289 : i32
      %lt3A_291 = arith.constant 0 : i32
      %lt3A_292 = arith.cmpi slt, %select_n3A_285, %lt3A_291 : i32
      %ne3A_293 = arith.xori %lt3A_290, %lt3A_292 : i1
      %and3A_294 = arith.andi %ne3A_293, %ne3A_288 : i1
      %add3A_295 = arith.addi %rem3A_286, %select_n3A_285 : i32
      %select_n3A_296 = arith.select %and3A_294, %add3A_295, %rem3A_286 : i32
      %eq3A_297 = arith.constant 1 : i32
      %eq3A_298 = arith.cmpi eq, %select_n3A_296, %eq3A_297 : i32
      %convert_element_type3A_299 = arith.extui %eq3A_298 : i1 to i32
      %cond3A_300 = arith.constant 0 : i32
      %cond3A_301 = arith.cmpi ne, %convert_element_type3A_299, %cond3A_300 : i32
      scf.if %cond3A_301 {
        %lt3A_303 = arith.cmpi slt, %add3A_259, %select_n3A_87 : i32
        %convert_element_type3A_304 = arith.extui %lt3A_303 : i1 to i32
        %cond3A_305 = arith.constant 0 : i32
        %cond3A_306 = arith.cmpi ne, %convert_element_type3A_304, %cond3A_305 : i32
        scf.if %cond3A_306 {
          %mul3A_311 = arith.constant 128 : i32
          %mul3A_312 = arith.muli %add3A_259, %mul3A_311 : i32
          %dma_start3A = arith.constant 0 : i32
          %dma_start3A_313 = tpu.memref_slice %arg2[%mul3A_312, %dma_start3A] : memref<320000x128xf32, #tpu.memory_space<hbm>> -> memref<128x128xf32, #tpu.memory_space<hbm>>
          %dma_start3A_314 = arith.constant 0 : i32
          %dma_start3A_315 = tpu.memref_slice %arg2[%mul3A_312, %dma_start3A_314] : memref<320000x128xf32, #tpu.memory_space<hbm>> -> memref<128x128xf32, #tpu.memory_space<hbm>>
          tpu.enqueue_dma source(%dma_start3A_315 : memref<128x128xf32, #tpu.memory_space<hbm>>) target(%arg11 : memref<128x128xf32, #tpu.memory_space<vmem>>) target_semaphore(%arg15 : memref<!tpu.dma_semaphore, #tpu.memory_space<semaphore_mem>>)
          %mul3A_316 = arith.constant 128 : i32
          %mul3A_317 = arith.muli %add3A_259, %mul3A_316 : i32
          %dma_start3A_318 = tpu.memref_slice %arg3[%mul3A_317] : memref<320000xi32, #tpu.memory_space<hbm>> -> memref<128xi32, #tpu.memory_space<hbm>>
          %dma_start3A_319 = tpu.memref_slice %arg3[%mul3A_317] : memref<320000xi32, #tpu.memory_space<hbm>> -> memref<128xi32, #tpu.memory_space<hbm>>
          tpu.enqueue_dma source(%dma_start3A_319 : memref<128xi32, #tpu.memory_space<hbm>>) target(%arg12 : memref<128xi32, #tpu.memory_space<vmem>>) target_semaphore(%arg15 : memref<!tpu.dma_semaphore, #tpu.memory_space<semaphore_mem>>)
        } else {
        }
        %lt3A_307 = arith.cmpi slt, %add3A_257, %select_n3A_87 : i32
        %convert_element_type3A_308 = arith.extui %lt3A_307 : i1 to i32
        %cond3A_309 = arith.constant 0 : i32
        %cond3A_310 = arith.cmpi ne, %convert_element_type3A_308, %cond3A_309 : i32
        scf.if %cond3A_310 {
          %mul3A_311 = arith.constant 128 : i32
          %mul3A_312 = arith.muli %add3A_257, %mul3A_311 : i32
          %dma_wait3A = arith.constant 0 : i32
          %dma_wait3A_313 = tpu.memref_slice %arg2[%mul3A_312, %dma_wait3A] : memref<320000x128xf32, #tpu.memory_space<hbm>> -> memref<128x128xf32, #tpu.memory_space<hbm>>
          %dma_wait3A_314 = arith.constant 0 : i32
          %dma_wait3A_315 = tpu.memref_slice %arg2[%mul3A_312, %dma_wait3A_314] : memref<320000x128xf32, #tpu.memory_space<hbm>> -> memref<128x128xf32, #tpu.memory_space<hbm>>
          tpu.wait_dma2 semaphore(%arg16 : memref<!tpu.dma_semaphore, #tpu.memory_space<semaphore_mem>>) src(%dma_wait3A_315 : memref<128x128xf32, #tpu.memory_space<hbm>>) dst(%arg13 : memref<128x128xf32, #tpu.memory_space<vmem>>)
          %mul3A_316 = arith.constant 128 : i32
          %mul3A_317 = arith.muli %add3A_257, %mul3A_316 : i32
          %dma_wait3A_318 = tpu.memref_slice %arg3[%mul3A_317] : memref<320000xi32, #tpu.memory_space<hbm>> -> memref<128xi32, #tpu.memory_space<hbm>>
          %dma_wait3A_319 = tpu.memref_slice %arg3[%mul3A_317] : memref<320000xi32, #tpu.memory_space<hbm>> -> memref<128xi32, #tpu.memory_space<hbm>>
          tpu.wait_dma2 semaphore(%arg16 : memref<!tpu.dma_semaphore, #tpu.memory_space<semaphore_mem>>) src(%dma_wait3A_319 : memref<128xi32, #tpu.memory_space<hbm>>) dst(%arg14 : memref<128xi32, #tpu.memory_space<vmem>>)
          %get3A_320 = arith.constant 0 : index
          %get3A_321 = tpu.vector_load %arg14[%get3A_320] {strides = array<i32>} : memref<128xi32, #tpu.memory_space<vmem>>, vector<16xi32>,
          %get3A_322 = vector.shape_cast %get3A_321 : vector<16xi32> to vector<16xi32>
          %sub3A_323 = vector.broadcast %mul3A_0 : i32 to vector<16xi32>
          %sub3A_324 = arith.subi %get3A_322, %sub3A_323 : vector<16xi32>
          %ge3A = arith.constant 0 : i32
          %ge3A_325 = vector.broadcast %ge3A : i32 to vector<16xi32>
          %ge3A_326 = arith.cmpi sge, %sub3A_324, %ge3A_325 : vector<16xi32>
          %lt3A_327 = arith.constant 5000 : i32
          %lt3A_328 = vector.broadcast %lt3A_327 : i32 to vector<16xi32>
          %lt3A_329 = arith.cmpi slt, %sub3A_324, %lt3A_328 : vector<16xi32>
          %and3A_330 = arith.andi %ge3A_326, %lt3A_329 : vector<16xi1>
          %jit3A_331 = arith.constant 5000 : i32
          %broadcast_in_dim3A = vector.broadcast %jit3A_331 : i32 to vector<16xi32>
          %select_n3A_332 = arith.select %and3A_330, %sub3A_324, %broadcast_in_dim3A : vector<16xi1>, vector<16xi32>
          %swap3A = arith.constant 0 : index
          %swap3A_333 = tpu.vector_load %arg14[%swap3A] {strides = array<i32>} : memref<128xi32, #tpu.memory_space<vmem>>, vector<16xi32>,
          %swap3A_334 = vector.shape_cast %swap3A_333 : vector<16xi32> to vector<16xi32>
          %swap3A_335 = vector.shape_cast %select_n3A_332 : vector<16xi32> to vector<16xi32>
          tpu.vector_store %arg14[%swap3A], %swap3A_335 {strides = array<i32>} : memref<128xi32, #tpu.memory_space<vmem>>, vector<16xi32>,
          %get3A_336 = arith.constant 16 : index
          %get3A_337 = tpu.vector_load %arg14[%get3A_336] {strides = array<i32>} : memref<128xi32, #tpu.memory_space<vmem>>, vector<16xi32>,
          %get3A_338 = vector.shape_cast %get3A_337 : vector<16xi32> to vector<16xi32>
          %sub3A_339 = vector.broadcast %mul3A_0 : i32 to vector<16xi32>
          %sub3A_340 = arith.subi %get3A_338, %sub3A_339 : vector<16xi32>
          %ge3A_341 = arith.constant 0 : i32
          %ge3A_342 = vector.broadcast %ge3A_341 : i32 to vector<16xi32>
          %ge3A_343 = arith.cmpi sge, %sub3A_340, %ge3A_342 : vector<16xi32>
          %lt3A_344 = arith.constant 5000 : i32
          %lt3A_345 = vector.broadcast %lt3A_344 : i32 to vector<16xi32>
          %lt3A_346 = arith.cmpi slt, %sub3A_340, %lt3A_345 : vector<16xi32>
          %and3A_347 = arith.andi %ge3A_343, %lt3A_346 : vector<16xi1>
          %jit3A_348 = arith.constant 5000 : i32
          %broadcast_in_dim3A_349 = vector.broadcast %jit3A_348 : i32 to vector<16xi32>
          %select_n3A_350 = arith.select %and3A_347, %sub3A_340, %broadcast_in_dim3A_349 : vector<16xi1>, vector<16xi32>
          %swap3A_351 = arith.constant 16 : index
          %swap3A_352 = tpu.vector_load %arg14[%swap3A_351] {strides = array<i32>} : memref<128xi32, #tpu.memory_space<vmem>>, vector<16xi32>,
          %swap3A_353 = vector.shape_cast %swap3A_352 : vector<16xi32> to vector<16xi32>
          %swap3A_354 = vector.shape_cast %select_n3A_350 : vector<16xi32> to vector<16xi32>
          tpu.vector_store %arg14[%swap3A_351], %swap3A_354 {strides = array<i32>} : memref<128xi32, #tpu.memory_space<vmem>>, vector<16xi32>,
          %get3A_355 = arith.constant 32 : index
          %get3A_356 = tpu.vector_load %arg14[%get3A_355] {strides = array<i32>} : memref<128xi32, #tpu.memory_space<vmem>>, vector<16xi32>,
          %get3A_357 = vector.shape_cast %get3A_356 : vector<16xi32> to vector<16xi32>
          %sub3A_358 = vector.broadcast %mul3A_0 : i32 to vector<16xi32>
          %sub3A_359 = arith.subi %get3A_357, %sub3A_358 : vector<16xi32>
          %ge3A_360 = arith.constant 0 : i32
          %ge3A_361 = vector.broadcast %ge3A_360 : i32 to vector<16xi32>
          %ge3A_362 = arith.cmpi sge, %sub3A_359, %ge3A_361 : vector<16xi32>
          %lt3A_363 = arith.constant 5000 : i32
          %lt3A_364 = vector.broadcast %lt3A_363 : i32 to vector<16xi32>
          %lt3A_365 = arith.cmpi slt, %sub3A_359, %lt3A_364 : vector<16xi32>
          %and3A_366 = arith.andi %ge3A_362, %lt3A_365 : vector<16xi1>
          %jit3A_367 = arith.constant 5000 : i32
          %broadcast_in_dim3A_368 = vector.broadcast %jit3A_367 : i32 to vector<16xi32>
          %select_n3A_369 = arith.select %and3A_366, %sub3A_359, %broadcast_in_dim3A_368 : vector<16xi1>, vector<16xi32>
          %swap3A_370 = arith.constant 32 : index
          %swap3A_371 = tpu.vector_load %arg14[%swap3A_370] {strides = array<i32>} : memref<128xi32, #tpu.memory_space<vmem>>, vector<16xi32>,
          %swap3A_372 = vector.shape_cast %swap3A_371 : vector<16xi32> to vector<16xi32>
          %swap3A_373 = vector.shape_cast %select_n3A_369 : vector<16xi32> to vector<16xi32>
          tpu.vector_store %arg14[%swap3A_370], %swap3A_373 {strides = array<i32>} : memref<128xi32, #tpu.memory_space<vmem>>, vector<16xi32>,
          %get3A_374 = arith.constant 48 : index
          %get3A_375 = tpu.vector_load %arg14[%get3A_374] {strides = array<i32>} : memref<128xi32, #tpu.memory_space<vmem>>, vector<16xi32>,
          %get3A_376 = vector.shape_cast %get3A_375 : vector<16xi32> to vector<16xi32>
          %sub3A_377 = vector.broadcast %mul3A_0 : i32 to vector<16xi32>
          %sub3A_378 = arith.subi %get3A_376, %sub3A_377 : vector<16xi32>
          %ge3A_379 = arith.constant 0 : i32
          %ge3A_380 = vector.broadcast %ge3A_379 : i32 to vector<16xi32>
          %ge3A_381 = arith.cmpi sge, %sub3A_378, %ge3A_380 : vector<16xi32>
          %lt3A_382 = arith.constant 5000 : i32
          %lt3A_383 = vector.broadcast %lt3A_382 : i32 to vector<16xi32>
          %lt3A_384 = arith.cmpi slt, %sub3A_378, %lt3A_383 : vector<16xi32>
          %and3A_385 = arith.andi %ge3A_381, %lt3A_384 : vector<16xi1>
          %jit3A_386 = arith.constant 5000 : i32
          %broadcast_in_dim3A_387 = vector.broadcast %jit3A_386 : i32 to vector<16xi32>
          %select_n3A_388 = arith.select %and3A_385, %sub3A_378, %broadcast_in_dim3A_387 : vector<16xi1>, vector<16xi32>
          %swap3A_389 = arith.constant 48 : index
          %swap3A_390 = tpu.vector_load %arg14[%swap3A_389] {strides = array<i32>} : memref<128xi32, #tpu.memory_space<vmem>>, vector<16xi32>,
          %swap3A_391 = vector.shape_cast %swap3A_390 : vector<16xi32> to vector<16xi32>
          %swap3A_392 = vector.shape_cast %select_n3A_388 : vector<16xi32> to vector<16xi32>
          tpu.vector_store %arg14[%swap3A_389], %swap3A_392 {strides = array<i32>} : memref<128xi32, #tpu.memory_space<vmem>>, vector<16xi32>,
          %get3A_393 = arith.constant 64 : index
          %get3A_394 = tpu.vector_load %arg14[%get3A_393] {strides = array<i32>} : memref<128xi32, #tpu.memory_space<vmem>>, vector<16xi32>,
          %get3A_395 = vector.shape_cast %get3A_394 : vector<16xi32> to vector<16xi32>
          %sub3A_396 = vector.broadcast %mul3A_0 : i32 to vector<16xi32>
          %sub3A_397 = arith.subi %get3A_395, %sub3A_396 : vector<16xi32>
          %ge3A_398 = arith.constant 0 : i32
          %ge3A_399 = vector.broadcast %ge3A_398 : i32 to vector<16xi32>
          %ge3A_400 = arith.cmpi sge, %sub3A_397, %ge3A_399 : vector<16xi32>
          %lt3A_401 = arith.constant 5000 : i32
          %lt3A_402 = vector.broadcast %lt3A_401 : i32 to vector<16xi32>
          %lt3A_403 = arith.cmpi slt, %sub3A_397, %lt3A_402 : vector<16xi32>
          %and3A_404 = arith.andi %ge3A_400, %lt3A_403 : vector<16xi1>
          %jit3A_405 = arith.constant 5000 : i32
          %broadcast_in_dim3A_406 = vector.broadcast %jit3A_405 : i32 to vector<16xi32>
          %select_n3A_407 = arith.select %and3A_404, %sub3A_397, %broadcast_in_dim3A_406 : vector<16xi1>, vector<16xi32>
          %swap3A_408 = arith.constant 64 : index
          %swap3A_409 = tpu.vector_load %arg14[%swap3A_408] {strides = array<i32>} : memref<128xi32, #tpu.memory_space<vmem>>, vector<16xi32>,
          %swap3A_410 = vector.shape_cast %swap3A_409 : vector<16xi32> to vector<16xi32>
          %swap3A_411 = vector.shape_cast %select_n3A_407 : vector<16xi32> to vector<16xi32>
          tpu.vector_store %arg14[%swap3A_408], %swap3A_411 {strides = array<i32>} : memref<128xi32, #tpu.memory_space<vmem>>, vector<16xi32>,
          %get3A_412 = arith.constant 80 : index
          %get3A_413 = tpu.vector_load %arg14[%get3A_412] {strides = array<i32>} : memref<128xi32, #tpu.memory_space<vmem>>, vector<16xi32>,
          %get3A_414 = vector.shape_cast %get3A_413 : vector<16xi32> to vector<16xi32>
          %sub3A_415 = vector.broadcast %mul3A_0 : i32 to vector<16xi32>
          %sub3A_416 = arith.subi %get3A_414, %sub3A_415 : vector<16xi32>
          %ge3A_417 = arith.constant 0 : i32
          %ge3A_418 = vector.broadcast %ge3A_417 : i32 to vector<16xi32>
          %ge3A_419 = arith.cmpi sge, %sub3A_416, %ge3A_418 : vector<16xi32>
          %lt3A_420 = arith.constant 5000 : i32
          %lt3A_421 = vector.broadcast %lt3A_420 : i32 to vector<16xi32>
          %lt3A_422 = arith.cmpi slt, %sub3A_416, %lt3A_421 : vector<16xi32>
          %and3A_423 = arith.andi %ge3A_419, %lt3A_422 : vector<16xi1>
          %jit3A_424 = arith.constant 5000 : i32
          %broadcast_in_dim3A_425 = vector.broadcast %jit3A_424 : i32 to vector<16xi32>
          %select_n3A_426 = arith.select %and3A_423, %sub3A_416, %broadcast_in_dim3A_425 : vector<16xi1>, vector<16xi32>
          %swap3A_427 = arith.constant 80 : index
          %swap3A_428 = tpu.vector_load %arg14[%swap3A_427] {strides = array<i32>} : memref<128xi32, #tpu.memory_space<vmem>>, vector<16xi32>,
          %swap3A_429 = vector.shape_cast %swap3A_428 : vector<16xi32> to vector<16xi32>
          %swap3A_430 = vector.shape_cast %select_n3A_426 : vector<16xi32> to vector<16xi32>
          tpu.vector_store %arg14[%swap3A_427], %swap3A_430 {strides = array<i32>} : memref<128xi32, #tpu.memory_space<vmem>>, vector<16xi32>,
          %get3A_431 = arith.constant 96 : index
          %get3A_432 = tpu.vector_load %arg14[%get3A_431] {strides = array<i32>} : memref<128xi32, #tpu.memory_space<vmem>>, vector<16xi32>,
          %get3A_433 = vector.shape_cast %get3A_432 : vector<16xi32> to vector<16xi32>
          %sub3A_434 = vector.broadcast %mul3A_0 : i32 to vector<16xi32>
          %sub3A_435 = arith.subi %get3A_433, %sub3A_434 : vector<16xi32>
          %ge3A_436 = arith.constant 0 : i32
          %ge3A_437 = vector.broadcast %ge3A_436 : i32 to vector<16xi32>
          %ge3A_438 = arith.cmpi sge, %sub3A_435, %ge3A_437 : vector<16xi32>
          %lt3A_439 = arith.constant 5000 : i32
          %lt3A_440 = vector.broadcast %lt3A_439 : i32 to vector<16xi32>
          %lt3A_441 = arith.cmpi slt, %sub3A_435, %lt3A_440 : vector<16xi32>
          %and3A_442 = arith.andi %ge3A_438, %lt3A_441 : vector<16xi1>
          %jit3A_443 = arith.constant 5000 : i32
          %broadcast_in_dim3A_444 = vector.broadcast %jit3A_443 : i32 to vector<16xi32>
          %select_n3A_445 = arith.select %and3A_442, %sub3A_435, %broadcast_in_dim3A_444 : vector<16xi1>, vector<16xi32>
          %swap3A_446 = arith.constant 96 : index
          %swap3A_447 = tpu.vector_load %arg14[%swap3A_446] {strides = array<i32>} : memref<128xi32, #tpu.memory_space<vmem>>, vector<16xi32>,
          %swap3A_448 = vector.shape_cast %swap3A_447 : vector<16xi32> to vector<16xi32>
          %swap3A_449 = vector.shape_cast %select_n3A_445 : vector<16xi32> to vector<16xi32>
          tpu.vector_store %arg14[%swap3A_446], %swap3A_449 {strides = array<i32>} : memref<128xi32, #tpu.memory_space<vmem>>, vector<16xi32>,
          %get3A_450 = arith.constant 112 : index
          %get3A_451 = tpu.vector_load %arg14[%get3A_450] {strides = array<i32>} : memref<128xi32, #tpu.memory_space<vmem>>, vector<16xi32>,
          %get3A_452 = vector.shape_cast %get3A_451 : vector<16xi32> to vector<16xi32>
          %sub3A_453 = vector.broadcast %mul3A_0 : i32 to vector<16xi32>
          %sub3A_454 = arith.subi %get3A_452, %sub3A_453 : vector<16xi32>
          %ge3A_455 = arith.constant 0 : i32
          %ge3A_456 = vector.broadcast %ge3A_455 : i32 to vector<16xi32>
          %ge3A_457 = arith.cmpi sge, %sub3A_454, %ge3A_456 : vector<16xi32>
          %lt3A_458 = arith.constant 5000 : i32
          %lt3A_459 = vector.broadcast %lt3A_458 : i32 to vector<16xi32>
          %lt3A_460 = arith.cmpi slt, %sub3A_454, %lt3A_459 : vector<16xi32>
          %and3A_461 = arith.andi %ge3A_457, %lt3A_460 : vector<16xi1>
          %jit3A_462 = arith.constant 5000 : i32
          %broadcast_in_dim3A_463 = vector.broadcast %jit3A_462 : i32 to vector<16xi32>
          %select_n3A_464 = arith.select %and3A_461, %sub3A_454, %broadcast_in_dim3A_463 : vector<16xi1>, vector<16xi32>
          %swap3A_465 = arith.constant 112 : index
          %swap3A_466 = tpu.vector_load %arg14[%swap3A_465] {strides = array<i32>} : memref<128xi32, #tpu.memory_space<vmem>>, vector<16xi32>,
          %swap3A_467 = vector.shape_cast %swap3A_466 : vector<16xi32> to vector<16xi32>
          %swap3A_468 = vector.shape_cast %select_n3A_464 : vector<16xi32> to vector<16xi32>
          tpu.vector_store %arg14[%swap3A_465], %swap3A_468 {strides = array<i32>} : memref<128xi32, #tpu.memory_space<vmem>>, vector<16xi32>,
          "tpu.region"() ({
            %run_scoped3A = tpu.sem_alloc : memref<!tpu.dma_semaphore, #tpu.memory_space<semaphore_mem>>
            %dma_start3A = arith.constant 0 : i32
            %dma_start3A_469 = arith.constant 0 : i32
            %dma_start3A_470 = tpu.memref_slice %arg8[%dma_start3A, %dma_start3A_469] : memref<5120x128xf32, #tpu.memory_space<vmem_shared>> -> memref<5120x128xf32, #tpu.memory_space<vmem_shared>>
            tpu.enqueue_indirect_dma source(%arg13 : memref<128x128xf32, #tpu.memory_space<vmem>>) target(%dma_start3A_470 : memref<5120x128xf32, #tpu.memory_space<vmem_shared>>) offsets(%arg14 : memref<128xi32, #tpu.memory_space<vmem>>) semaphore(%run_scoped3A : memref<!tpu.dma_semaphore, #tpu.memory_space<semaphore_mem>>) {add = true}
            %dma_wait3A_471 = arith.constant 0 : i32
            %dma_wait3A_472 = arith.constant 0 : i32
            %dma_wait3A_473 = tpu.memref_slice %arg8[%dma_wait3A_471, %dma_wait3A_472] : memref<5120x128xf32, #tpu.memory_space<vmem_shared>> -> memref<5120x128xf32, #tpu.memory_space<vmem_shared>>
            tpu.wait_indirect_dma semaphore(%run_scoped3A : memref<!tpu.dma_semaphore, #tpu.memory_space<semaphore_mem>>) src(%arg13 : memref<128x128xf32, #tpu.memory_space<vmem>>) dst(%dma_wait3A_473 : memref<5120x128xf32, #tpu.memory_space<vmem_shared>>)
            tpu.yield
          }) : () -> ()
        } else {
        }
      } else {
      }
      %while3A_302 = arith.constant 0 : i32
      scf.yield %while3A_302 : i32
    }
    %while3A_188 = arith.constant 1 : i32
    %while3A_189 = scf.for %while3A_252 = %while3A_185 to %while3A_181 step %while3A_188 iter_args(%while3A_253 = %while3A_187) -> (i32)  : i32 {
      %mul3A_254 = arith.constant 16 : i32
      %mul3A_255 = arith.muli %while3A_252, %mul3A_254 : i32
      %add3A_256 = arith.addi %select_n3A_55, %mul3A_255 : i32
      %add3A_257 = arith.addi %add3A_256, %arg1 : i32
      %add3A_258 = arith.constant 16 : i32
      %add3A_259 = arith.addi %add3A_257, %add3A_258 : i32
      %jit3A_260 = arith.constant 2 : i32
      %eq3A_261 = arith.constant 0 : i32
      %eq3A_262 = arith.cmpi eq, %jit3A_260, %eq3A_261 : i32
      %jit3A_263 = arith.constant 1 : i32
      %select_n3A_264 = arith.select %eq3A_262, %jit3A_263, %jit3A_260 : i32
      %rem3A_265 = arith.remsi %while3A_252, %select_n3A_264 : i32
      %ne3A_266 = arith.constant 0 : i32
      %ne3A_267 = arith.cmpi ne, %rem3A_265, %ne3A_266 : i32
      %lt3A_268 = arith.constant 0 : i32
      %lt3A_269 = arith.cmpi slt, %rem3A_265, %lt3A_268 : i32
      %lt3A_270 = arith.constant 0 : i32
      %lt3A_271 = arith.cmpi slt, %select_n3A_264, %lt3A_270 : i32
      %ne3A_272 = arith.xori %lt3A_269, %lt3A_271 : i1
      %and3A_273 = arith.andi %ne3A_272, %ne3A_267 : i1
      %add3A_274 = arith.addi %rem3A_265, %select_n3A_264 : i32
      %select_n3A_275 = arith.select %and3A_273, %add3A_274, %rem3A_265 : i32
      %eq3A_276 = arith.constant 0 : i32
      %eq3A_277 = arith.cmpi eq, %select_n3A_275, %eq3A_276 : i32
      %convert_element_type3A_278 = arith.extui %eq3A_277 : i1 to i32
      %cond3A_279 = arith.constant 0 : i32
      %cond3A_280 = arith.cmpi ne, %convert_element_type3A_278, %cond3A_279 : i32
      scf.if %cond3A_280 {
        %lt3A_303 = arith.cmpi slt, %add3A_259, %select_n3A_87 : i32
        %convert_element_type3A_304 = arith.extui %lt3A_303 : i1 to i32
        %cond3A_305 = arith.constant 0 : i32
        %cond3A_306 = arith.cmpi ne, %convert_element_type3A_304, %cond3A_305 : i32
        scf.if %cond3A_306 {
          %mul3A_311 = arith.constant 128 : i32
          %mul3A_312 = arith.muli %add3A_259, %mul3A_311 : i32
          %dma_start3A = arith.constant 0 : i32
          %dma_start3A_313 = tpu.memref_slice %arg2[%mul3A_312, %dma_start3A] : memref<320000x128xf32, #tpu.memory_space<hbm>> -> memref<128x128xf32, #tpu.memory_space<hbm>>
          %dma_start3A_314 = arith.constant 0 : i32
          %dma_start3A_315 = tpu.memref_slice %arg2[%mul3A_312, %dma_start3A_314] : memref<320000x128xf32, #tpu.memory_space<hbm>> -> memref<128x128xf32, #tpu.memory_space<hbm>>
          tpu.enqueue_dma source(%dma_start3A_315 : memref<128x128xf32, #tpu.memory_space<hbm>>) target(%arg13 : memref<128x128xf32, #tpu.memory_space<vmem>>) target_semaphore(%arg16 : memref<!tpu.dma_semaphore, #tpu.memory_space<semaphore_mem>>)
          %mul3A_316 = arith.constant 128 : i32
          %mul3A_317 = arith.muli %add3A_259, %mul3A_316 : i32
          %dma_start3A_318 = tpu.memref_slice %arg3[%mul3A_317] : memref<320000xi32, #tpu.memory_space<hbm>> -> memref<128xi32, #tpu.memory_space<hbm>>
          %dma_start3A_319 = tpu.memref_slice %arg3[%mul3A_317] : memref<320000xi32, #tpu.memory_space<hbm>> -> memref<128xi32, #tpu.memory_space<hbm>>
          tpu.enqueue_dma source(%dma_start3A_319 : memref<128xi32, #tpu.memory_space<hbm>>) target(%arg14 : memref<128xi32, #tpu.memory_space<vmem>>) target_semaphore(%arg16 : memref<!tpu.dma_semaphore, #tpu.memory_space<semaphore_mem>>)
        } else {
        }
        %lt3A_307 = arith.cmpi slt, %add3A_257, %select_n3A_87 : i32
        %convert_element_type3A_308 = arith.extui %lt3A_307 : i1 to i32
        %cond3A_309 = arith.constant 0 : i32
        %cond3A_310 = arith.cmpi ne, %convert_element_type3A_308, %cond3A_309 : i32
        scf.if %cond3A_310 {
          %mul3A_311 = arith.constant 128 : i32
          %mul3A_312 = arith.muli %add3A_257, %mul3A_311 : i32
          %dma_wait3A = arith.constant 0 : i32
          %dma_wait3A_313 = tpu.memref_slice %arg2[%mul3A_312, %dma_wait3A] : memref<320000x128xf32, #tpu.memory_space<hbm>> -> memref<128x128xf32, #tpu.memory_space<hbm>>
          %dma_wait3A_314 = arith.constant 0 : i32
          %dma_wait3A_315 = tpu.memref_slice %arg2[%mul3A_312, %dma_wait3A_314] : memref<320000x128xf32, #tpu.memory_space<hbm>> -> memref<128x128xf32, #tpu.memory_space<hbm>>
          tpu.wait_dma2 semaphore(%arg15 : memref<!tpu.dma_semaphore, #tpu.memory_space<semaphore_mem>>) src(%dma_wait3A_315 : memref<128x128xf32, #tpu.memory_space<hbm>>) dst(%arg11 : memref<128x128xf32, #tpu.memory_space<vmem>>)
          %mul3A_316 = arith.constant 128 : i32
          %mul3A_317 = arith.muli %add3A_257, %mul3A_316 : i32
          %dma_wait3A_318 = tpu.memref_slice %arg3[%mul3A_317] : memref<320000xi32, #tpu.memory_space<hbm>> -> memref<128xi32, #tpu.memory_space<hbm>>
          %dma_wait3A_319 = tpu.memref_slice %arg3[%mul3A_317] : memref<320000xi32, #tpu.memory_space<hbm>> -> memref<128xi32, #tpu.memory_space<hbm>>
          tpu.wait_dma2 semaphore(%arg15 : memref<!tpu.dma_semaphore, #tpu.memory_space<semaphore_mem>>) src(%dma_wait3A_319 : memref<128xi32, #tpu.memory_space<hbm>>) dst(%arg12 : memref<128xi32, #tpu.memory_space<vmem>>)
          %get3A_320 = arith.constant 0 : index
          %get3A_321 = tpu.vector_load %arg12[%get3A_320] {strides = array<i32>} : memref<128xi32, #tpu.memory_space<vmem>>, vector<16xi32>,
          %get3A_322 = vector.shape_cast %get3A_321 : vector<16xi32> to vector<16xi32>
          %sub3A_323 = vector.broadcast %mul3A_0 : i32 to vector<16xi32>
          %sub3A_324 = arith.subi %get3A_322, %sub3A_323 : vector<16xi32>
          %ge3A = arith.constant 0 : i32
          %ge3A_325 = vector.broadcast %ge3A : i32 to vector<16xi32>
          %ge3A_326 = arith.cmpi sge, %sub3A_324, %ge3A_325 : vector<16xi32>
          %lt3A_327 = arith.constant 5000 : i32
          %lt3A_328 = vector.broadcast %lt3A_327 : i32 to vector<16xi32>
          %lt3A_329 = arith.cmpi slt, %sub3A_324, %lt3A_328 : vector<16xi32>
          %and3A_330 = arith.andi %ge3A_326, %lt3A_329 : vector<16xi1>
          %jit3A_331 = arith.constant 5000 : i32
          %broadcast_in_dim3A = vector.broadcast %jit3A_331 : i32 to vector<16xi32>
          %select_n3A_332 = arith.select %and3A_330, %sub3A_324, %broadcast_in_dim3A : vector<16xi1>, vector<16xi32>
          %swap3A = arith.constant 0 : index
          %swap3A_333 = tpu.vector_load %arg12[%swap3A] {strides = array<i32>} : memref<128xi32, #tpu.memory_space<vmem>>, vector<16xi32>,
          %swap3A_334 = vector.shape_cast %swap3A_333 : vector<16xi32> to vector<16xi32>
          %swap3A_335 = vector.shape_cast %select_n3A_332 : vector<16xi32> to vector<16xi32>
          tpu.vector_store %arg12[%swap3A], %swap3A_335 {strides = array<i32>} : memref<128xi32, #tpu.memory_space<vmem>>, vector<16xi32>,
          %get3A_336 = arith.constant 16 : index
          %get3A_337 = tpu.vector_load %arg12[%get3A_336] {strides = array<i32>} : memref<128xi32, #tpu.memory_space<vmem>>, vector<16xi32>,
          %get3A_338 = vector.shape_cast %get3A_337 : vector<16xi32> to vector<16xi32>
          %sub3A_339 = vector.broadcast %mul3A_0 : i32 to vector<16xi32>
          %sub3A_340 = arith.subi %get3A_338, %sub3A_339 : vector<16xi32>
          %ge3A_341 = arith.constant 0 : i32
          %ge3A_342 = vector.broadcast %ge3A_341 : i32 to vector<16xi32>
          %ge3A_343 = arith.cmpi sge, %sub3A_340, %ge3A_342 : vector<16xi32>
          %lt3A_344 = arith.constant 5000 : i32
          %lt3A_345 = vector.broadcast %lt3A_344 : i32 to vector<16xi32>
          %lt3A_346 = arith.cmpi slt, %sub3A_340, %lt3A_345 : vector<16xi32>
          %and3A_347 = arith.andi %ge3A_343, %lt3A_346 : vector<16xi1>
          %jit3A_348 = arith.constant 5000 : i32
          %broadcast_in_dim3A_349 = vector.broadcast %jit3A_348 : i32 to vector<16xi32>
          %select_n3A_350 = arith.select %and3A_347, %sub3A_340, %broadcast_in_dim3A_349 : vector<16xi1>, vector<16xi32>
          %swap3A_351 = arith.constant 16 : index
          %swap3A_352 = tpu.vector_load %arg12[%swap3A_351] {strides = array<i32>} : memref<128xi32, #tpu.memory_space<vmem>>, vector<16xi32>,
          %swap3A_353 = vector.shape_cast %swap3A_352 : vector<16xi32> to vector<16xi32>
          %swap3A_354 = vector.shape_cast %select_n3A_350 : vector<16xi32> to vector<16xi32>
          tpu.vector_store %arg12[%swap3A_351], %swap3A_354 {strides = array<i32>} : memref<128xi32, #tpu.memory_space<vmem>>, vector<16xi32>,
          %get3A_355 = arith.constant 32 : index
          %get3A_356 = tpu.vector_load %arg12[%get3A_355] {strides = array<i32>} : memref<128xi32, #tpu.memory_space<vmem>>, vector<16xi32>,
          %get3A_357 = vector.shape_cast %get3A_356 : vector<16xi32> to vector<16xi32>
          %sub3A_358 = vector.broadcast %mul3A_0 : i32 to vector<16xi32>
          %sub3A_359 = arith.subi %get3A_357, %sub3A_358 : vector<16xi32>
          %ge3A_360 = arith.constant 0 : i32
          %ge3A_361 = vector.broadcast %ge3A_360 : i32 to vector<16xi32>
          %ge3A_362 = arith.cmpi sge, %sub3A_359, %ge3A_361 : vector<16xi32>
          %lt3A_363 = arith.constant 5000 : i32
          %lt3A_364 = vector.broadcast %lt3A_363 : i32 to vector<16xi32>
          %lt3A_365 = arith.cmpi slt, %sub3A_359, %lt3A_364 : vector<16xi32>
          %and3A_366 = arith.andi %ge3A_362, %lt3A_365 : vector<16xi1>
          %jit3A_367 = arith.constant 5000 : i32
          %broadcast_in_dim3A_368 = vector.broadcast %jit3A_367 : i32 to vector<16xi32>
          %select_n3A_369 = arith.select %and3A_366, %sub3A_359, %broadcast_in_dim3A_368 : vector<16xi1>, vector<16xi32>
          %swap3A_370 = arith.constant 32 : index
          %swap3A_371 = tpu.vector_load %arg12[%swap3A_370] {strides = array<i32>} : memref<128xi32, #tpu.memory_space<vmem>>, vector<16xi32>,
          %swap3A_372 = vector.shape_cast %swap3A_371 : vector<16xi32> to vector<16xi32>
          %swap3A_373 = vector.shape_cast %select_n3A_369 : vector<16xi32> to vector<16xi32>
          tpu.vector_store %arg12[%swap3A_370], %swap3A_373 {strides = array<i32>} : memref<128xi32, #tpu.memory_space<vmem>>, vector<16xi32>,
          %get3A_374 = arith.constant 48 : index
          %get3A_375 = tpu.vector_load %arg12[%get3A_374] {strides = array<i32>} : memref<128xi32, #tpu.memory_space<vmem>>, vector<16xi32>,
          %get3A_376 = vector.shape_cast %get3A_375 : vector<16xi32> to vector<16xi32>
          %sub3A_377 = vector.broadcast %mul3A_0 : i32 to vector<16xi32>
          %sub3A_378 = arith.subi %get3A_376, %sub3A_377 : vector<16xi32>
          %ge3A_379 = arith.constant 0 : i32
          %ge3A_380 = vector.broadcast %ge3A_379 : i32 to vector<16xi32>
          %ge3A_381 = arith.cmpi sge, %sub3A_378, %ge3A_380 : vector<16xi32>
          %lt3A_382 = arith.constant 5000 : i32
          %lt3A_383 = vector.broadcast %lt3A_382 : i32 to vector<16xi32>
          %lt3A_384 = arith.cmpi slt, %sub3A_378, %lt3A_383 : vector<16xi32>
          %and3A_385 = arith.andi %ge3A_381, %lt3A_384 : vector<16xi1>
          %jit3A_386 = arith.constant 5000 : i32
          %broadcast_in_dim3A_387 = vector.broadcast %jit3A_386 : i32 to vector<16xi32>
          %select_n3A_388 = arith.select %and3A_385, %sub3A_378, %broadcast_in_dim3A_387 : vector<16xi1>, vector<16xi32>
          %swap3A_389 = arith.constant 48 : index
          %swap3A_390 = tpu.vector_load %arg12[%swap3A_389] {strides = array<i32>} : memref<128xi32, #tpu.memory_space<vmem>>, vector<16xi32>,
          %swap3A_391 = vector.shape_cast %swap3A_390 : vector<16xi32> to vector<16xi32>
          %swap3A_392 = vector.shape_cast %select_n3A_388 : vector<16xi32> to vector<16xi32>
          tpu.vector_store %arg12[%swap3A_389], %swap3A_392 {strides = array<i32>} : memref<128xi32, #tpu.memory_space<vmem>>, vector<16xi32>,
          %get3A_393 = arith.constant 64 : index
          %get3A_394 = tpu.vector_load %arg12[%get3A_393] {strides = array<i32>} : memref<128xi32, #tpu.memory_space<vmem>>, vector<16xi32>,
          %get3A_395 = vector.shape_cast %get3A_394 : vector<16xi32> to vector<16xi32>
          %sub3A_396 = vector.broadcast %mul3A_0 : i32 to vector<16xi32>
          %sub3A_397 = arith.subi %get3A_395, %sub3A_396 : vector<16xi32>
          %ge3A_398 = arith.constant 0 : i32
          %ge3A_399 = vector.broadcast %ge3A_398 : i32 to vector<16xi32>
          %ge3A_400 = arith.cmpi sge, %sub3A_397, %ge3A_399 : vector<16xi32>
          %lt3A_401 = arith.constant 5000 : i32
          %lt3A_402 = vector.broadcast %lt3A_401 : i32 to vector<16xi32>
          %lt3A_403 = arith.cmpi slt, %sub3A_397, %lt3A_402 : vector<16xi32>
          %and3A_404 = arith.andi %ge3A_400, %lt3A_403 : vector<16xi1>
          %jit3A_405 = arith.constant 5000 : i32
          %broadcast_in_dim3A_406 = vector.broadcast %jit3A_405 : i32 to vector<16xi32>
          %select_n3A_407 = arith.select %and3A_404, %sub3A_397, %broadcast_in_dim3A_406 : vector<16xi1>, vector<16xi32>
          %swap3A_408 = arith.constant 64 : index
          %swap3A_409 = tpu.vector_load %arg12[%swap3A_408] {strides = array<i32>} : memref<128xi32, #tpu.memory_space<vmem>>, vector<16xi32>,
          %swap3A_410 = vector.shape_cast %swap3A_409 : vector<16xi32> to vector<16xi32>
          %swap3A_411 = vector.shape_cast %select_n3A_407 : vector<16xi32> to vector<16xi32>
          tpu.vector_store %arg12[%swap3A_408], %swap3A_411 {strides = array<i32>} : memref<128xi32, #tpu.memory_space<vmem>>, vector<16xi32>,
          %get3A_412 = arith.constant 80 : index
          %get3A_413 = tpu.vector_load %arg12[%get3A_412] {strides = array<i32>} : memref<128xi32, #tpu.memory_space<vmem>>, vector<16xi32>,
          %get3A_414 = vector.shape_cast %get3A_413 : vector<16xi32> to vector<16xi32>
          %sub3A_415 = vector.broadcast %mul3A_0 : i32 to vector<16xi32>
          %sub3A_416 = arith.subi %get3A_414, %sub3A_415 : vector<16xi32>
          %ge3A_417 = arith.constant 0 : i32
          %ge3A_418 = vector.broadcast %ge3A_417 : i32 to vector<16xi32>
          %ge3A_419 = arith.cmpi sge, %sub3A_416, %ge3A_418 : vector<16xi32>
          %lt3A_420 = arith.constant 5000 : i32
          %lt3A_421 = vector.broadcast %lt3A_420 : i32 to vector<16xi32>
          %lt3A_422 = arith.cmpi slt, %sub3A_416, %lt3A_421 : vector<16xi32>
          %and3A_423 = arith.andi %ge3A_419, %lt3A_422 : vector<16xi1>
          %jit3A_424 = arith.constant 5000 : i32
          %broadcast_in_dim3A_425 = vector.broadcast %jit3A_424 : i32 to vector<16xi32>
          %select_n3A_426 = arith.select %and3A_423, %sub3A_416, %broadcast_in_dim3A_425 : vector<16xi1>, vector<16xi32>
          %swap3A_427 = arith.constant 80 : index
          %swap3A_428 = tpu.vector_load %arg12[%swap3A_427] {strides = array<i32>} : memref<128xi32, #tpu.memory_space<vmem>>, vector<16xi32>,
          %swap3A_429 = vector.shape_cast %swap3A_428 : vector<16xi32> to vector<16xi32>
          %swap3A_430 = vector.shape_cast %select_n3A_426 : vector<16xi32> to vector<16xi32>
          tpu.vector_store %arg12[%swap3A_427], %swap3A_430 {strides = array<i32>} : memref<128xi32, #tpu.memory_space<vmem>>, vector<16xi32>,
          %get3A_431 = arith.constant 96 : index
          %get3A_432 = tpu.vector_load %arg12[%get3A_431] {strides = array<i32>} : memref<128xi32, #tpu.memory_space<vmem>>, vector<16xi32>,
          %get3A_433 = vector.shape_cast %get3A_432 : vector<16xi32> to vector<16xi32>
          %sub3A_434 = vector.broadcast %mul3A_0 : i32 to vector<16xi32>
          %sub3A_435 = arith.subi %get3A_433, %sub3A_434 : vector<16xi32>
          %ge3A_436 = arith.constant 0 : i32
          %ge3A_437 = vector.broadcast %ge3A_436 : i32 to vector<16xi32>
          %ge3A_438 = arith.cmpi sge, %sub3A_435, %ge3A_437 : vector<16xi32>
          %lt3A_439 = arith.constant 5000 : i32
          %lt3A_440 = vector.broadcast %lt3A_439 : i32 to vector<16xi32>
          %lt3A_441 = arith.cmpi slt, %sub3A_435, %lt3A_440 : vector<16xi32>
          %and3A_442 = arith.andi %ge3A_438, %lt3A_441 : vector<16xi1>
          %jit3A_443 = arith.constant 5000 : i32
          %broadcast_in_dim3A_444 = vector.broadcast %jit3A_443 : i32 to vector<16xi32>
          %select_n3A_445 = arith.select %and3A_442, %sub3A_435, %broadcast_in_dim3A_444 : vector<16xi1>, vector<16xi32>
          %swap3A_446 = arith.constant 96 : index
          %swap3A_447 = tpu.vector_load %arg12[%swap3A_446] {strides = array<i32>} : memref<128xi32, #tpu.memory_space<vmem>>, vector<16xi32>,
          %swap3A_448 = vector.shape_cast %swap3A_447 : vector<16xi32> to vector<16xi32>
          %swap3A_449 = vector.shape_cast %select_n3A_445 : vector<16xi32> to vector<16xi32>
          tpu.vector_store %arg12[%swap3A_446], %swap3A_449 {strides = array<i32>} : memref<128xi32, #tpu.memory_space<vmem>>, vector<16xi32>,
          %get3A_450 = arith.constant 112 : index
          %get3A_451 = tpu.vector_load %arg12[%get3A_450] {strides = array<i32>} : memref<128xi32, #tpu.memory_space<vmem>>, vector<16xi32>,
          %get3A_452 = vector.shape_cast %get3A_451 : vector<16xi32> to vector<16xi32>
          %sub3A_453 = vector.broadcast %mul3A_0 : i32 to vector<16xi32>
          %sub3A_454 = arith.subi %get3A_452, %sub3A_453 : vector<16xi32>
          %ge3A_455 = arith.constant 0 : i32
          %ge3A_456 = vector.broadcast %ge3A_455 : i32 to vector<16xi32>
          %ge3A_457 = arith.cmpi sge, %sub3A_454, %ge3A_456 : vector<16xi32>
          %lt3A_458 = arith.constant 5000 : i32
          %lt3A_459 = vector.broadcast %lt3A_458 : i32 to vector<16xi32>
          %lt3A_460 = arith.cmpi slt, %sub3A_454, %lt3A_459 : vector<16xi32>
          %and3A_461 = arith.andi %ge3A_457, %lt3A_460 : vector<16xi1>
          %jit3A_462 = arith.constant 5000 : i32
          %broadcast_in_dim3A_463 = vector.broadcast %jit3A_462 : i32 to vector<16xi32>
          %select_n3A_464 = arith.select %and3A_461, %sub3A_454, %broadcast_in_dim3A_463 : vector<16xi1>, vector<16xi32>
          %swap3A_465 = arith.constant 112 : index
          %swap3A_466 = tpu.vector_load %arg12[%swap3A_465] {strides = array<i32>} : memref<128xi32, #tpu.memory_space<vmem>>, vector<16xi32>,
          %swap3A_467 = vector.shape_cast %swap3A_466 : vector<16xi32> to vector<16xi32>
          %swap3A_468 = vector.shape_cast %select_n3A_464 : vector<16xi32> to vector<16xi32>
          tpu.vector_store %arg12[%swap3A_465], %swap3A_468 {strides = array<i32>} : memref<128xi32, #tpu.memory_space<vmem>>, vector<16xi32>,
          "tpu.region"() ({
            %run_scoped3A = tpu.sem_alloc : memref<!tpu.dma_semaphore, #tpu.memory_space<semaphore_mem>>
            %dma_start3A = arith.constant 0 : i32
            %dma_start3A_469 = arith.constant 0 : i32
            %dma_start3A_470 = tpu.memref_slice %arg8[%dma_start3A, %dma_start3A_469] : memref<5120x128xf32, #tpu.memory_space<vmem_shared>> -> memref<5120x128xf32, #tpu.memory_space<vmem_shared>>
            tpu.enqueue_indirect_dma source(%arg11 : memref<128x128xf32, #tpu.memory_space<vmem>>) target(%dma_start3A_470 : memref<5120x128xf32, #tpu.memory_space<vmem_shared>>) offsets(%arg12 : memref<128xi32, #tpu.memory_space<vmem>>) semaphore(%run_scoped3A : memref<!tpu.dma_semaphore, #tpu.memory_space<semaphore_mem>>) {add = true}
            %dma_wait3A_471 = arith.constant 0 : i32
            %dma_wait3A_472 = arith.constant 0 : i32
            %dma_wait3A_473 = tpu.memref_slice %arg8[%dma_wait3A_471, %dma_wait3A_472] : memref<5120x128xf32, #tpu.memory_space<vmem_shared>> -> memref<5120x128xf32, #tpu.memory_space<vmem_shared>>
            tpu.wait_indirect_dma semaphore(%run_scoped3A : memref<!tpu.dma_semaphore, #tpu.memory_space<semaphore_mem>>) src(%arg11 : memref<128x128xf32, #tpu.memory_space<vmem>>) dst(%dma_wait3A_473 : memref<5120x128xf32, #tpu.memory_space<vmem_shared>>)
            tpu.yield
          }) : () -> ()
        } else {
        }
      } else {
      }
      %jit3A_281 = arith.constant 2 : i32
      %eq3A_282 = arith.constant 0 : i32
      %eq3A_283 = arith.cmpi eq, %jit3A_281, %eq3A_282 : i32
      %jit3A_284 = arith.constant 1 : i32
      %select_n3A_285 = arith.select %eq3A_283, %jit3A_284, %jit3A_281 : i32
      %rem3A_286 = arith.remsi %while3A_252, %select_n3A_285 : i32
      %ne3A_287 = arith.constant 0 : i32
      %ne3A_288 = arith.cmpi ne, %rem3A_286, %ne3A_287 : i32
      %lt3A_289 = arith.constant 0 : i32
      %lt3A_290 = arith.cmpi slt, %rem3A_286, %lt3A_289 : i32
      %lt3A_291 = arith.constant 0 : i32
      %lt3A_292 = arith.cmpi slt, %select_n3A_285, %lt3A_291 : i32
      %ne3A_293 = arith.xori %lt3A_290, %lt3A_292 : i1
      %and3A_294 = arith.andi %ne3A_293, %ne3A_288 : i1
      %add3A_295 = arith.addi %rem3A_286, %select_n3A_285 : i32
      %select_n3A_296 = arith.select %and3A_294, %add3A_295, %rem3A_286 : i32
      %eq3A_297 = arith.constant 1 : i32
      %eq3A_298 = arith.cmpi eq, %select_n3A_296, %eq3A_297 : i32
      %convert_element_type3A_299 = arith.extui %eq3A_298 : i1 to i32
      %cond3A_300 = arith.constant 0 : i32
      %cond3A_301 = arith.cmpi ne, %convert_element_type3A_299, %cond3A_300 : i32
      scf.if %cond3A_301 {
        %lt3A_303 = arith.cmpi slt, %add3A_259, %select_n3A_87 : i32
        %convert_element_type3A_304 = arith.extui %lt3A_303 : i1 to i32
        %cond3A_305 = arith.constant 0 : i32
        %cond3A_306 = arith.cmpi ne, %convert_element_type3A_304, %cond3A_305 : i32
        scf.if %cond3A_306 {
          %mul3A_311 = arith.constant 128 : i32
          %mul3A_312 = arith.muli %add3A_259, %mul3A_311 : i32
          %dma_start3A = arith.constant 0 : i32
          %dma_start3A_313 = tpu.memref_slice %arg2[%mul3A_312, %dma_start3A] : memref<320000x128xf32, #tpu.memory_space<hbm>> -> memref<128x128xf32, #tpu.memory_space<hbm>>
          %dma_start3A_314 = arith.constant 0 : i32
          %dma_start3A_315 = tpu.memref_slice %arg2[%mul3A_312, %dma_start3A_314] : memref<320000x128xf32, #tpu.memory_space<hbm>> -> memref<128x128xf32, #tpu.memory_space<hbm>>
          tpu.enqueue_dma source(%dma_start3A_315 : memref<128x128xf32, #tpu.memory_space<hbm>>) target(%arg11 : memref<128x128xf32, #tpu.memory_space<vmem>>) target_semaphore(%arg15 : memref<!tpu.dma_semaphore, #tpu.memory_space<semaphore_mem>>)
          %mul3A_316 = arith.constant 128 : i32
          %mul3A_317 = arith.muli %add3A_259, %mul3A_316 : i32
          %dma_start3A_318 = tpu.memref_slice %arg3[%mul3A_317] : memref<320000xi32, #tpu.memory_space<hbm>> -> memref<128xi32, #tpu.memory_space<hbm>>
          %dma_start3A_319 = tpu.memref_slice %arg3[%mul3A_317] : memref<320000xi32, #tpu.memory_space<hbm>> -> memref<128xi32, #tpu.memory_space<hbm>>
          tpu.enqueue_dma source(%dma_start3A_319 : memref<128xi32, #tpu.memory_space<hbm>>) target(%arg12 : memref<128xi32, #tpu.memory_space<vmem>>) target_semaphore(%arg15 : memref<!tpu.dma_semaphore, #tpu.memory_space<semaphore_mem>>)
        } else {
        }
        %lt3A_307 = arith.cmpi slt, %add3A_257, %select_n3A_87 : i32
        %convert_element_type3A_308 = arith.extui %lt3A_307 : i1 to i32
        %cond3A_309 = arith.constant 0 : i32
        %cond3A_310 = arith.cmpi ne, %convert_element_type3A_308, %cond3A_309 : i32
        scf.if %cond3A_310 {
          %mul3A_311 = arith.constant 128 : i32
          %mul3A_312 = arith.muli %add3A_257, %mul3A_311 : i32
          %dma_wait3A = arith.constant 0 : i32
          %dma_wait3A_313 = tpu.memref_slice %arg2[%mul3A_312, %dma_wait3A] : memref<320000x128xf32, #tpu.memory_space<hbm>> -> memref<128x128xf32, #tpu.memory_space<hbm>>
          %dma_wait3A_314 = arith.constant 0 : i32
          %dma_wait3A_315 = tpu.memref_slice %arg2[%mul3A_312, %dma_wait3A_314] : memref<320000x128xf32, #tpu.memory_space<hbm>> -> memref<128x128xf32, #tpu.memory_space<hbm>>
          tpu.wait_dma2 semaphore(%arg16 : memref<!tpu.dma_semaphore, #tpu.memory_space<semaphore_mem>>) src(%dma_wait3A_315 : memref<128x128xf32, #tpu.memory_space<hbm>>) dst(%arg13 : memref<128x128xf32, #tpu.memory_space<vmem>>)
          %mul3A_316 = arith.constant 128 : i32
          %mul3A_317 = arith.muli %add3A_257, %mul3A_316 : i32
          %dma_wait3A_318 = tpu.memref_slice %arg3[%mul3A_317] : memref<320000xi32, #tpu.memory_space<hbm>> -> memref<128xi32, #tpu.memory_space<hbm>>
          %dma_wait3A_319 = tpu.memref_slice %arg3[%mul3A_317] : memref<320000xi32, #tpu.memory_space<hbm>> -> memref<128xi32, #tpu.memory_space<hbm>>
          tpu.wait_dma2 semaphore(%arg16 : memref<!tpu.dma_semaphore, #tpu.memory_space<semaphore_mem>>) src(%dma_wait3A_319 : memref<128xi32, #tpu.memory_space<hbm>>) dst(%arg14 : memref<128xi32, #tpu.memory_space<vmem>>)
          %get3A_320 = arith.constant 0 : index
          %get3A_321 = tpu.vector_load %arg14[%get3A_320] {strides = array<i32>} : memref<128xi32, #tpu.memory_space<vmem>>, vector<16xi32>,
          %get3A_322 = vector.shape_cast %get3A_321 : vector<16xi32> to vector<16xi32>
          %sub3A_323 = vector.broadcast %mul3A_0 : i32 to vector<16xi32>
          %sub3A_324 = arith.subi %get3A_322, %sub3A_323 : vector<16xi32>
          %ge3A = arith.constant 0 : i32
          %ge3A_325 = vector.broadcast %ge3A : i32 to vector<16xi32>
          %ge3A_326 = arith.cmpi sge, %sub3A_324, %ge3A_325 : vector<16xi32>
          %lt3A_327 = arith.constant 5000 : i32
          %lt3A_328 = vector.broadcast %lt3A_327 : i32 to vector<16xi32>
          %lt3A_329 = arith.cmpi slt, %sub3A_324, %lt3A_328 : vector<16xi32>
          %and3A_330 = arith.andi %ge3A_326, %lt3A_329 : vector<16xi1>
          %jit3A_331 = arith.constant 5000 : i32
          %broadcast_in_dim3A = vector.broadcast %jit3A_331 : i32 to vector<16xi32>
          %select_n3A_332 = arith.select %and3A_330, %sub3A_324, %broadcast_in_dim3A : vector<16xi1>, vector<16xi32>
          %swap3A = arith.constant 0 : index
          %swap3A_333 = tpu.vector_load %arg14[%swap3A] {strides = array<i32>} : memref<128xi32, #tpu.memory_space<vmem>>, vector<16xi32>,
          %swap3A_334 = vector.shape_cast %swap3A_333 : vector<16xi32> to vector<16xi32>
          %swap3A_335 = vector.shape_cast %select_n3A_332 : vector<16xi32> to vector<16xi32>
          tpu.vector_store %arg14[%swap3A], %swap3A_335 {strides = array<i32>} : memref<128xi32, #tpu.memory_space<vmem>>, vector<16xi32>,
          %get3A_336 = arith.constant 16 : index
          %get3A_337 = tpu.vector_load %arg14[%get3A_336] {strides = array<i32>} : memref<128xi32, #tpu.memory_space<vmem>>, vector<16xi32>,
          %get3A_338 = vector.shape_cast %get3A_337 : vector<16xi32> to vector<16xi32>
          %sub3A_339 = vector.broadcast %mul3A_0 : i32 to vector<16xi32>
          %sub3A_340 = arith.subi %get3A_338, %sub3A_339 : vector<16xi32>
          %ge3A_341 = arith.constant 0 : i32
          %ge3A_342 = vector.broadcast %ge3A_341 : i32 to vector<16xi32>
          %ge3A_343 = arith.cmpi sge, %sub3A_340, %ge3A_342 : vector<16xi32>
          %lt3A_344 = arith.constant 5000 : i32
          %lt3A_345 = vector.broadcast %lt3A_344 : i32 to vector<16xi32>
          %lt3A_346 = arith.cmpi slt, %sub3A_340, %lt3A_345 : vector<16xi32>
          %and3A_347 = arith.andi %ge3A_343, %lt3A_346 : vector<16xi1>
          %jit3A_348 = arith.constant 5000 : i32
          %broadcast_in_dim3A_349 = vector.broadcast %jit3A_348 : i32 to vector<16xi32>
          %select_n3A_350 = arith.select %and3A_347, %sub3A_340, %broadcast_in_dim3A_349 : vector<16xi1>, vector<16xi32>
          %swap3A_351 = arith.constant 16 : index
          %swap3A_352 = tpu.vector_load %arg14[%swap3A_351] {strides = array<i32>} : memref<128xi32, #tpu.memory_space<vmem>>, vector<16xi32>,
          %swap3A_353 = vector.shape_cast %swap3A_352 : vector<16xi32> to vector<16xi32>
          %swap3A_354 = vector.shape_cast %select_n3A_350 : vector<16xi32> to vector<16xi32>
          tpu.vector_store %arg14[%swap3A_351], %swap3A_354 {strides = array<i32>} : memref<128xi32, #tpu.memory_space<vmem>>, vector<16xi32>,
          %get3A_355 = arith.constant 32 : index
          %get3A_356 = tpu.vector_load %arg14[%get3A_355] {strides = array<i32>} : memref<128xi32, #tpu.memory_space<vmem>>, vector<16xi32>,
          %get3A_357 = vector.shape_cast %get3A_356 : vector<16xi32> to vector<16xi32>
          %sub3A_358 = vector.broadcast %mul3A_0 : i32 to vector<16xi32>
          %sub3A_359 = arith.subi %get3A_357, %sub3A_358 : vector<16xi32>
          %ge3A_360 = arith.constant 0 : i32
          %ge3A_361 = vector.broadcast %ge3A_360 : i32 to vector<16xi32>
          %ge3A_362 = arith.cmpi sge, %sub3A_359, %ge3A_361 : vector<16xi32>
          %lt3A_363 = arith.constant 5000 : i32
          %lt3A_364 = vector.broadcast %lt3A_363 : i32 to vector<16xi32>
          %lt3A_365 = arith.cmpi slt, %sub3A_359, %lt3A_364 : vector<16xi32>
          %and3A_366 = arith.andi %ge3A_362, %lt3A_365 : vector<16xi1>
          %jit3A_367 = arith.constant 5000 : i32
          %broadcast_in_dim3A_368 = vector.broadcast %jit3A_367 : i32 to vector<16xi32>
          %select_n3A_369 = arith.select %and3A_366, %sub3A_359, %broadcast_in_dim3A_368 : vector<16xi1>, vector<16xi32>
          %swap3A_370 = arith.constant 32 : index
          %swap3A_371 = tpu.vector_load %arg14[%swap3A_370] {strides = array<i32>} : memref<128xi32, #tpu.memory_space<vmem>>, vector<16xi32>,
          %swap3A_372 = vector.shape_cast %swap3A_371 : vector<16xi32> to vector<16xi32>
          %swap3A_373 = vector.shape_cast %select_n3A_369 : vector<16xi32> to vector<16xi32>
          tpu.vector_store %arg14[%swap3A_370], %swap3A_373 {strides = array<i32>} : memref<128xi32, #tpu.memory_space<vmem>>, vector<16xi32>,
          %get3A_374 = arith.constant 48 : index
          %get3A_375 = tpu.vector_load %arg14[%get3A_374] {strides = array<i32>} : memref<128xi32, #tpu.memory_space<vmem>>, vector<16xi32>,
          %get3A_376 = vector.shape_cast %get3A_375 : vector<16xi32> to vector<16xi32>
          %sub3A_377 = vector.broadcast %mul3A_0 : i32 to vector<16xi32>
          %sub3A_378 = arith.subi %get3A_376, %sub3A_377 : vector<16xi32>
          %ge3A_379 = arith.constant 0 : i32
          %ge3A_380 = vector.broadcast %ge3A_379 : i32 to vector<16xi32>
          %ge3A_381 = arith.cmpi sge, %sub3A_378, %ge3A_380 : vector<16xi32>
          %lt3A_382 = arith.constant 5000 : i32
          %lt3A_383 = vector.broadcast %lt3A_382 : i32 to vector<16xi32>
          %lt3A_384 = arith.cmpi slt, %sub3A_378, %lt3A_383 : vector<16xi32>
          %and3A_385 = arith.andi %ge3A_381, %lt3A_384 : vector<16xi1>
          %jit3A_386 = arith.constant 5000 : i32
          %broadcast_in_dim3A_387 = vector.broadcast %jit3A_386 : i32 to vector<16xi32>
          %select_n3A_388 = arith.select %and3A_385, %sub3A_378, %broadcast_in_dim3A_387 : vector<16xi1>, vector<16xi32>
          %swap3A_389 = arith.constant 48 : index
          %swap3A_390 = tpu.vector_load %arg14[%swap3A_389] {strides = array<i32>} : memref<128xi32, #tpu.memory_space<vmem>>, vector<16xi32>,
          %swap3A_391 = vector.shape_cast %swap3A_390 : vector<16xi32> to vector<16xi32>
          %swap3A_392 = vector.shape_cast %select_n3A_388 : vector<16xi32> to vector<16xi32>
          tpu.vector_store %arg14[%swap3A_389], %swap3A_392 {strides = array<i32>} : memref<128xi32, #tpu.memory_space<vmem>>, vector<16xi32>,
          %get3A_393 = arith.constant 64 : index
          %get3A_394 = tpu.vector_load %arg14[%get3A_393] {strides = array<i32>} : memref<128xi32, #tpu.memory_space<vmem>>, vector<16xi32>,
          %get3A_395 = vector.shape_cast %get3A_394 : vector<16xi32> to vector<16xi32>
          %sub3A_396 = vector.broadcast %mul3A_0 : i32 to vector<16xi32>
          %sub3A_397 = arith.subi %get3A_395, %sub3A_396 : vector<16xi32>
          %ge3A_398 = arith.constant 0 : i32
          %ge3A_399 = vector.broadcast %ge3A_398 : i32 to vector<16xi32>
          %ge3A_400 = arith.cmpi sge, %sub3A_397, %ge3A_399 : vector<16xi32>
          %lt3A_401 = arith.constant 5000 : i32
          %lt3A_402 = vector.broadcast %lt3A_401 : i32 to vector<16xi32>
          %lt3A_403 = arith.cmpi slt, %sub3A_397, %lt3A_402 : vector<16xi32>
          %and3A_404 = arith.andi %ge3A_400, %lt3A_403 : vector<16xi1>
          %jit3A_405 = arith.constant 5000 : i32
          %broadcast_in_dim3A_406 = vector.broadcast %jit3A_405 : i32 to vector<16xi32>
          %select_n3A_407 = arith.select %and3A_404, %sub3A_397, %broadcast_in_dim3A_406 : vector<16xi1>, vector<16xi32>
          %swap3A_408 = arith.constant 64 : index
          %swap3A_409 = tpu.vector_load %arg14[%swap3A_408] {strides = array<i32>} : memref<128xi32, #tpu.memory_space<vmem>>, vector<16xi32>,
          %swap3A_410 = vector.shape_cast %swap3A_409 : vector<16xi32> to vector<16xi32>
          %swap3A_411 = vector.shape_cast %select_n3A_407 : vector<16xi32> to vector<16xi32>
          tpu.vector_store %arg14[%swap3A_408], %swap3A_411 {strides = array<i32>} : memref<128xi32, #tpu.memory_space<vmem>>, vector<16xi32>,
          %get3A_412 = arith.constant 80 : index
          %get3A_413 = tpu.vector_load %arg14[%get3A_412] {strides = array<i32>} : memref<128xi32, #tpu.memory_space<vmem>>, vector<16xi32>,
          %get3A_414 = vector.shape_cast %get3A_413 : vector<16xi32> to vector<16xi32>
          %sub3A_415 = vector.broadcast %mul3A_0 : i32 to vector<16xi32>
          %sub3A_416 = arith.subi %get3A_414, %sub3A_415 : vector<16xi32>
          %ge3A_417 = arith.constant 0 : i32
          %ge3A_418 = vector.broadcast %ge3A_417 : i32 to vector<16xi32>
          %ge3A_419 = arith.cmpi sge, %sub3A_416, %ge3A_418 : vector<16xi32>
          %lt3A_420 = arith.constant 5000 : i32
          %lt3A_421 = vector.broadcast %lt3A_420 : i32 to vector<16xi32>
          %lt3A_422 = arith.cmpi slt, %sub3A_416, %lt3A_421 : vector<16xi32>
          %and3A_423 = arith.andi %ge3A_419, %lt3A_422 : vector<16xi1>
          %jit3A_424 = arith.constant 5000 : i32
          %broadcast_in_dim3A_425 = vector.broadcast %jit3A_424 : i32 to vector<16xi32>
          %select_n3A_426 = arith.select %and3A_423, %sub3A_416, %broadcast_in_dim3A_425 : vector<16xi1>, vector<16xi32>
          %swap3A_427 = arith.constant 80 : index
          %swap3A_428 = tpu.vector_load %arg14[%swap3A_427] {strides = array<i32>} : memref<128xi32, #tpu.memory_space<vmem>>, vector<16xi32>,
          %swap3A_429 = vector.shape_cast %swap3A_428 : vector<16xi32> to vector<16xi32>
          %swap3A_430 = vector.shape_cast %select_n3A_426 : vector<16xi32> to vector<16xi32>
          tpu.vector_store %arg14[%swap3A_427], %swap3A_430 {strides = array<i32>} : memref<128xi32, #tpu.memory_space<vmem>>, vector<16xi32>,
          %get3A_431 = arith.constant 96 : index
          %get3A_432 = tpu.vector_load %arg14[%get3A_431] {strides = array<i32>} : memref<128xi32, #tpu.memory_space<vmem>>, vector<16xi32>,
          %get3A_433 = vector.shape_cast %get3A_432 : vector<16xi32> to vector<16xi32>
          %sub3A_434 = vector.broadcast %mul3A_0 : i32 to vector<16xi32>
          %sub3A_435 = arith.subi %get3A_433, %sub3A_434 : vector<16xi32>
          %ge3A_436 = arith.constant 0 : i32
          %ge3A_437 = vector.broadcast %ge3A_436 : i32 to vector<16xi32>
          %ge3A_438 = arith.cmpi sge, %sub3A_435, %ge3A_437 : vector<16xi32>
          %lt3A_439 = arith.constant 5000 : i32
          %lt3A_440 = vector.broadcast %lt3A_439 : i32 to vector<16xi32>
          %lt3A_441 = arith.cmpi slt, %sub3A_435, %lt3A_440 : vector<16xi32>
          %and3A_442 = arith.andi %ge3A_438, %lt3A_441 : vector<16xi1>
          %jit3A_443 = arith.constant 5000 : i32
          %broadcast_in_dim3A_444 = vector.broadcast %jit3A_443 : i32 to vector<16xi32>
          %select_n3A_445 = arith.select %and3A_442, %sub3A_435, %broadcast_in_dim3A_444 : vector<16xi1>, vector<16xi32>
          %swap3A_446 = arith.constant 96 : index
          %swap3A_447 = tpu.vector_load %arg14[%swap3A_446] {strides = array<i32>} : memref<128xi32, #tpu.memory_space<vmem>>, vector<16xi32>,
          %swap3A_448 = vector.shape_cast %swap3A_447 : vector<16xi32> to vector<16xi32>
          %swap3A_449 = vector.shape_cast %select_n3A_445 : vector<16xi32> to vector<16xi32>
          tpu.vector_store %arg14[%swap3A_446], %swap3A_449 {strides = array<i32>} : memref<128xi32, #tpu.memory_space<vmem>>, vector<16xi32>,
          %get3A_450 = arith.constant 112 : index
          %get3A_451 = tpu.vector_load %arg14[%get3A_450] {strides = array<i32>} : memref<128xi32, #tpu.memory_space<vmem>>, vector<16xi32>,
          %get3A_452 = vector.shape_cast %get3A_451 : vector<16xi32> to vector<16xi32>
          %sub3A_453 = vector.broadcast %mul3A_0 : i32 to vector<16xi32>
          %sub3A_454 = arith.subi %get3A_452, %sub3A_453 : vector<16xi32>
          %ge3A_455 = arith.constant 0 : i32
          %ge3A_456 = vector.broadcast %ge3A_455 : i32 to vector<16xi32>
          %ge3A_457 = arith.cmpi sge, %sub3A_454, %ge3A_456 : vector<16xi32>
          %lt3A_458 = arith.constant 5000 : i32
          %lt3A_459 = vector.broadcast %lt3A_458 : i32 to vector<16xi32>
          %lt3A_460 = arith.cmpi slt, %sub3A_454, %lt3A_459 : vector<16xi32>
          %and3A_461 = arith.andi %ge3A_457, %lt3A_460 : vector<16xi1>
          %jit3A_462 = arith.constant 5000 : i32
          %broadcast_in_dim3A_463 = vector.broadcast %jit3A_462 : i32 to vector<16xi32>
          %select_n3A_464 = arith.select %and3A_461, %sub3A_454, %broadcast_in_dim3A_463 : vector<16xi1>, vector<16xi32>
          %swap3A_465 = arith.constant 112 : index
          %swap3A_466 = tpu.vector_load %arg14[%swap3A_465] {strides = array<i32>} : memref<128xi32, #tpu.memory_space<vmem>>, vector<16xi32>,
          %swap3A_467 = vector.shape_cast %swap3A_466 : vector<16xi32> to vector<16xi32>
          %swap3A_468 = vector.shape_cast %select_n3A_464 : vector<16xi32> to vector<16xi32>
          tpu.vector_store %arg14[%swap3A_465], %swap3A_468 {strides = array<i32>} : memref<128xi32, #tpu.memory_space<vmem>>, vector<16xi32>,
          "tpu.region"() ({
            %run_scoped3A = tpu.sem_alloc : memref<!tpu.dma_semaphore, #tpu.memory_space<semaphore_mem>>
            %dma_start3A = arith.constant 0 : i32
            %dma_start3A_469 = arith.constant 0 : i32
            %dma_start3A_470 = tpu.memref_slice %arg8[%dma_start3A, %dma_start3A_469] : memref<5120x128xf32, #tpu.memory_space<vmem_shared>> -> memref<5120x128xf32, #tpu.memory_space<vmem_shared>>
            tpu.enqueue_indirect_dma source(%arg13 : memref<128x128xf32, #tpu.memory_space<vmem>>) target(%dma_start3A_470 : memref<5120x128xf32, #tpu.memory_space<vmem_shared>>) offsets(%arg14 : memref<128xi32, #tpu.memory_space<vmem>>) semaphore(%run_scoped3A : memref<!tpu.dma_semaphore, #tpu.memory_space<semaphore_mem>>) {add = true}
            %dma_wait3A_471 = arith.constant 0 : i32
            %dma_wait3A_472 = arith.constant 0 : i32
            %dma_wait3A_473 = tpu.memref_slice %arg8[%dma_wait3A_471, %dma_wait3A_472] : memref<5120x128xf32, #tpu.memory_space<vmem_shared>> -> memref<5120x128xf32, #tpu.memory_space<vmem_shared>>
            tpu.wait_indirect_dma semaphore(%run_scoped3A : memref<!tpu.dma_semaphore, #tpu.memory_space<semaphore_mem>>) src(%arg13 : memref<128x128xf32, #tpu.memory_space<vmem>>) dst(%dma_wait3A_473 : memref<5120x128xf32, #tpu.memory_space<vmem_shared>>)
            tpu.yield
          }) : () -> ()
        } else {
        }
      } else {
      }
      %while3A_302 = arith.constant 0 : i32
      scf.yield %while3A_302 : i32
    }
    %add3A_190 = arith.addi %select_n3A_115, %arg1 : i32
    %lt3A_191 = arith.cmpi slt, %add3A_190, %select_n3A_147 : i32
    %convert_element_type3A_192 = arith.extui %lt3A_191 : i1 to i32
    %cond3A_193 = arith.constant 0 : i32
    %cond3A_194 = arith.cmpi ne, %convert_element_type3A_192, %cond3A_193 : i32
    scf.if %cond3A_194 {
      %mul3A_252 = arith.constant 128 : i32
      %mul3A_253 = arith.muli %add3A_190, %mul3A_252 : i32
      %dma_start3A = arith.constant 0 : i32
      %dma_start3A_254 = tpu.memref_slice %arg4[%mul3A_253, %dma_start3A] : memref<100000x128xf32, #tpu.memory_space<hbm>> -> memref<128x128xf32, #tpu.memory_space<hbm>>
      %dma_start3A_255 = arith.constant 0 : i32
      %dma_start3A_256 = tpu.memref_slice %arg4[%mul3A_253, %dma_start3A_255] : memref<100000x128xf32, #tpu.memory_space<hbm>> -> memref<128x128xf32, #tpu.memory_space<hbm>>
      tpu.enqueue_dma source(%dma_start3A_256 : memref<128x128xf32, #tpu.memory_space<hbm>>) target(%arg11 : memref<128x128xf32, #tpu.memory_space<vmem>>) target_semaphore(%arg15 : memref<!tpu.dma_semaphore, #tpu.memory_space<semaphore_mem>>)
      %mul3A_257 = arith.constant 128 : i32
      %mul3A_258 = arith.muli %add3A_190, %mul3A_257 : i32
      %dma_start3A_259 = tpu.memref_slice %arg5[%mul3A_258] : memref<100000xi32, #tpu.memory_space<hbm>> -> memref<128xi32, #tpu.memory_space<hbm>>
      %dma_start3A_260 = tpu.memref_slice %arg5[%mul3A_258] : memref<100000xi32, #tpu.memory_space<hbm>> -> memref<128xi32, #tpu.memory_space<hbm>>
      tpu.enqueue_dma source(%dma_start3A_260 : memref<128xi32, #tpu.memory_space<hbm>>) target(%arg12 : memref<128xi32, #tpu.memory_space<vmem>>) target_semaphore(%arg15 : memref<!tpu.dma_semaphore, #tpu.memory_space<semaphore_mem>>)
    } else {
    }
    %sub3A_195 = arith.subi %select_n3A_147, %select_n3A_115 : i32
    %add3A_196 = arith.constant 16 : i32
    %add3A_197 = arith.addi %sub3A_195, %add3A_196 : i32
    %sub3A_198 = arith.constant 1 : i32
    %sub3A_199 = arith.subi %add3A_197, %sub3A_198 : i32
    %jit3A_200 = arith.constant 16 : i32
    %div3A_201 = arith.divsi %sub3A_199, %jit3A_200 : i32
    %sign3A_202 = arith.constant 0 : i32
    %sign3A_203 = arith.cmpi sgt, %sub3A_199, %sign3A_202 : i32
    %sign3A_204 = arith.extui %sign3A_203 : i1 to i32
    %sign3A_205 = arith.constant 0 : i32
    %sign3A_206 = arith.cmpi slt, %sub3A_199, %sign3A_205 : i32
    %sign3A_207 = arith.extui %sign3A_206 : i1 to i32
    %sign3A_208 = arith.subi %sign3A_204, %sign3A_207 : i32
    %sign3A_209 = arith.constant 0 : i32
    %sign3A_210 = arith.cmpi sgt, %jit3A_200, %sign3A_209 : i32
    %sign3A_211 = arith.extui %sign3A_210 : i1 to i32
    %sign3A_212 = arith.constant 0 : i32
    %sign3A_213 = arith.cmpi slt, %jit3A_200, %sign3A_212 : i32
    %sign3A_214 = arith.extui %sign3A_213 : i1 to i32
    %sign3A_215 = arith.subi %sign3A_211, %sign3A_214 : i32
    %ne3A_216 = arith.cmpi ne, %sign3A_208, %sign3A_215 : i32
    %rem3A_217 = arith.remsi %sub3A_199, %jit3A_200 : i32
    %ne3A_218 = arith.constant 0 : i32
    %ne3A_219 = arith.cmpi ne, %rem3A_217, %ne3A_218 : i32
    %and3A_220 = arith.andi %ne3A_216, %ne3A_219 : i1
    %sub3A_221 = arith.constant 1 : i32
    %sub3A_222 = arith.subi %div3A_201, %sub3A_221 : i32
    %select_n3A_223 = arith.select %and3A_220, %sub3A_222, %div3A_201 : i32
    %while3A_224 = arith.constant 0 : i32
    %while3A_225 = arith.constant 0 : i32
    %while3A_226 = arith.subi %select_n3A_223, %while3A_224 : i32
    %while3A_227 = arith.addi %while3A_224, %while3A_226 : i32
    %while3A_228 = arith.constant 1 : i32
    %while3A_229 = arith.divsi %while3A_226, %while3A_228 : i32
    %while3A_230 = arith.muli %while3A_229, %while3A_228 : i32
    %while3A_231 = arith.addi %while3A_224, %while3A_230 : i32
    %while3A_232 = arith.constant 1 : i32
    %while3A_233 = scf.for %while3A_252 = %while3A_224 to %while3A_231 step %while3A_232 iter_args(%while3A_253 = %while3A_225) -> (i32)  : i32 {
      %mul3A_254 = arith.constant 16 : i32
      %mul3A_255 = arith.muli %while3A_252, %mul3A_254 : i32
      %add3A_256 = arith.addi %select_n3A_115, %mul3A_255 : i32
      %add3A_257 = arith.addi %add3A_256, %arg1 : i32
      %add3A_258 = arith.constant 16 : i32
      %add3A_259 = arith.addi %add3A_257, %add3A_258 : i32
      %jit3A_260 = arith.constant 2 : i32
      %eq3A_261 = arith.constant 0 : i32
      %eq3A_262 = arith.cmpi eq, %jit3A_260, %eq3A_261 : i32
      %jit3A_263 = arith.constant 1 : i32
      %select_n3A_264 = arith.select %eq3A_262, %jit3A_263, %jit3A_260 : i32
      %rem3A_265 = arith.remsi %while3A_252, %select_n3A_264 : i32
      %ne3A_266 = arith.constant 0 : i32
      %ne3A_267 = arith.cmpi ne, %rem3A_265, %ne3A_266 : i32
      %lt3A_268 = arith.constant 0 : i32
      %lt3A_269 = arith.cmpi slt, %rem3A_265, %lt3A_268 : i32
      %lt3A_270 = arith.constant 0 : i32
      %lt3A_271 = arith.cmpi slt, %select_n3A_264, %lt3A_270 : i32
      %ne3A_272 = arith.xori %lt3A_269, %lt3A_271 : i1
      %and3A_273 = arith.andi %ne3A_272, %ne3A_267 : i1
      %add3A_274 = arith.addi %rem3A_265, %select_n3A_264 : i32
      %select_n3A_275 = arith.select %and3A_273, %add3A_274, %rem3A_265 : i32
      %eq3A_276 = arith.constant 0 : i32
      %eq3A_277 = arith.cmpi eq, %select_n3A_275, %eq3A_276 : i32
      %convert_element_type3A_278 = arith.extui %eq3A_277 : i1 to i32
      %cond3A_279 = arith.constant 0 : i32
      %cond3A_280 = arith.cmpi ne, %convert_element_type3A_278, %cond3A_279 : i32
      scf.if %cond3A_280 {
        %lt3A_303 = arith.cmpi slt, %add3A_259, %select_n3A_147 : i32
        %convert_element_type3A_304 = arith.extui %lt3A_303 : i1 to i32
        %cond3A_305 = arith.constant 0 : i32
        %cond3A_306 = arith.cmpi ne, %convert_element_type3A_304, %cond3A_305 : i32
        scf.if %cond3A_306 {
          %mul3A_311 = arith.constant 128 : i32
          %mul3A_312 = arith.muli %add3A_259, %mul3A_311 : i32
          %dma_start3A = arith.constant 0 : i32
          %dma_start3A_313 = tpu.memref_slice %arg4[%mul3A_312, %dma_start3A] : memref<100000x128xf32, #tpu.memory_space<hbm>> -> memref<128x128xf32, #tpu.memory_space<hbm>>
          %dma_start3A_314 = arith.constant 0 : i32
          %dma_start3A_315 = tpu.memref_slice %arg4[%mul3A_312, %dma_start3A_314] : memref<100000x128xf32, #tpu.memory_space<hbm>> -> memref<128x128xf32, #tpu.memory_space<hbm>>
          tpu.enqueue_dma source(%dma_start3A_315 : memref<128x128xf32, #tpu.memory_space<hbm>>) target(%arg13 : memref<128x128xf32, #tpu.memory_space<vmem>>) target_semaphore(%arg16 : memref<!tpu.dma_semaphore, #tpu.memory_space<semaphore_mem>>)
          %mul3A_316 = arith.constant 128 : i32
          %mul3A_317 = arith.muli %add3A_259, %mul3A_316 : i32
          %dma_start3A_318 = tpu.memref_slice %arg5[%mul3A_317] : memref<100000xi32, #tpu.memory_space<hbm>> -> memref<128xi32, #tpu.memory_space<hbm>>
          %dma_start3A_319 = tpu.memref_slice %arg5[%mul3A_317] : memref<100000xi32, #tpu.memory_space<hbm>> -> memref<128xi32, #tpu.memory_space<hbm>>
          tpu.enqueue_dma source(%dma_start3A_319 : memref<128xi32, #tpu.memory_space<hbm>>) target(%arg14 : memref<128xi32, #tpu.memory_space<vmem>>) target_semaphore(%arg16 : memref<!tpu.dma_semaphore, #tpu.memory_space<semaphore_mem>>)
        } else {
        }
        %lt3A_307 = arith.cmpi slt, %add3A_257, %select_n3A_147 : i32
        %convert_element_type3A_308 = arith.extui %lt3A_307 : i1 to i32
        %cond3A_309 = arith.constant 0 : i32
        %cond3A_310 = arith.cmpi ne, %convert_element_type3A_308, %cond3A_309 : i32
        scf.if %cond3A_310 {
          %mul3A_311 = arith.constant 128 : i32
          %mul3A_312 = arith.muli %add3A_257, %mul3A_311 : i32
          %dma_wait3A = arith.constant 0 : i32
          %dma_wait3A_313 = tpu.memref_slice %arg4[%mul3A_312, %dma_wait3A] : memref<100000x128xf32, #tpu.memory_space<hbm>> -> memref<128x128xf32, #tpu.memory_space<hbm>>
          %dma_wait3A_314 = arith.constant 0 : i32
          %dma_wait3A_315 = tpu.memref_slice %arg4[%mul3A_312, %dma_wait3A_314] : memref<100000x128xf32, #tpu.memory_space<hbm>> -> memref<128x128xf32, #tpu.memory_space<hbm>>
          tpu.wait_dma2 semaphore(%arg15 : memref<!tpu.dma_semaphore, #tpu.memory_space<semaphore_mem>>) src(%dma_wait3A_315 : memref<128x128xf32, #tpu.memory_space<hbm>>) dst(%arg11 : memref<128x128xf32, #tpu.memory_space<vmem>>)
          %mul3A_316 = arith.constant 128 : i32
          %mul3A_317 = arith.muli %add3A_257, %mul3A_316 : i32
          %dma_wait3A_318 = tpu.memref_slice %arg5[%mul3A_317] : memref<100000xi32, #tpu.memory_space<hbm>> -> memref<128xi32, #tpu.memory_space<hbm>>
          %dma_wait3A_319 = tpu.memref_slice %arg5[%mul3A_317] : memref<100000xi32, #tpu.memory_space<hbm>> -> memref<128xi32, #tpu.memory_space<hbm>>
          tpu.wait_dma2 semaphore(%arg15 : memref<!tpu.dma_semaphore, #tpu.memory_space<semaphore_mem>>) src(%dma_wait3A_319 : memref<128xi32, #tpu.memory_space<hbm>>) dst(%arg12 : memref<128xi32, #tpu.memory_space<vmem>>)
          %get3A_320 = arith.constant 0 : index
          %get3A_321 = tpu.vector_load %arg12[%get3A_320] {strides = array<i32>} : memref<128xi32, #tpu.memory_space<vmem>>, vector<16xi32>,
          %get3A_322 = vector.shape_cast %get3A_321 : vector<16xi32> to vector<16xi32>
          %sub3A_323 = vector.broadcast %mul3A_0 : i32 to vector<16xi32>
          %sub3A_324 = arith.subi %get3A_322, %sub3A_323 : vector<16xi32>
          %ge3A = arith.constant 0 : i32
          %ge3A_325 = vector.broadcast %ge3A : i32 to vector<16xi32>
          %ge3A_326 = arith.cmpi sge, %sub3A_324, %ge3A_325 : vector<16xi32>
          %lt3A_327 = arith.constant 5000 : i32
          %lt3A_328 = vector.broadcast %lt3A_327 : i32 to vector<16xi32>
          %lt3A_329 = arith.cmpi slt, %sub3A_324, %lt3A_328 : vector<16xi32>
          %and3A_330 = arith.andi %ge3A_326, %lt3A_329 : vector<16xi1>
          %jit3A_331 = arith.constant 5000 : i32
          %broadcast_in_dim3A = vector.broadcast %jit3A_331 : i32 to vector<16xi32>
          %select_n3A_332 = arith.select %and3A_330, %sub3A_324, %broadcast_in_dim3A : vector<16xi1>, vector<16xi32>
          %swap3A = arith.constant 0 : index
          %swap3A_333 = tpu.vector_load %arg12[%swap3A] {strides = array<i32>} : memref<128xi32, #tpu.memory_space<vmem>>, vector<16xi32>,
          %swap3A_334 = vector.shape_cast %swap3A_333 : vector<16xi32> to vector<16xi32>
          %swap3A_335 = vector.shape_cast %select_n3A_332 : vector<16xi32> to vector<16xi32>
          tpu.vector_store %arg12[%swap3A], %swap3A_335 {strides = array<i32>} : memref<128xi32, #tpu.memory_space<vmem>>, vector<16xi32>,
          %get3A_336 = arith.constant 16 : index
          %get3A_337 = tpu.vector_load %arg12[%get3A_336] {strides = array<i32>} : memref<128xi32, #tpu.memory_space<vmem>>, vector<16xi32>,
          %get3A_338 = vector.shape_cast %get3A_337 : vector<16xi32> to vector<16xi32>
          %sub3A_339 = vector.broadcast %mul3A_0 : i32 to vector<16xi32>
          %sub3A_340 = arith.subi %get3A_338, %sub3A_339 : vector<16xi32>
          %ge3A_341 = arith.constant 0 : i32
          %ge3A_342 = vector.broadcast %ge3A_341 : i32 to vector<16xi32>
          %ge3A_343 = arith.cmpi sge, %sub3A_340, %ge3A_342 : vector<16xi32>
          %lt3A_344 = arith.constant 5000 : i32
          %lt3A_345 = vector.broadcast %lt3A_344 : i32 to vector<16xi32>
          %lt3A_346 = arith.cmpi slt, %sub3A_340, %lt3A_345 : vector<16xi32>
          %and3A_347 = arith.andi %ge3A_343, %lt3A_346 : vector<16xi1>
          %jit3A_348 = arith.constant 5000 : i32
          %broadcast_in_dim3A_349 = vector.broadcast %jit3A_348 : i32 to vector<16xi32>
          %select_n3A_350 = arith.select %and3A_347, %sub3A_340, %broadcast_in_dim3A_349 : vector<16xi1>, vector<16xi32>
          %swap3A_351 = arith.constant 16 : index
          %swap3A_352 = tpu.vector_load %arg12[%swap3A_351] {strides = array<i32>} : memref<128xi32, #tpu.memory_space<vmem>>, vector<16xi32>,
          %swap3A_353 = vector.shape_cast %swap3A_352 : vector<16xi32> to vector<16xi32>
          %swap3A_354 = vector.shape_cast %select_n3A_350 : vector<16xi32> to vector<16xi32>
          tpu.vector_store %arg12[%swap3A_351], %swap3A_354 {strides = array<i32>} : memref<128xi32, #tpu.memory_space<vmem>>, vector<16xi32>,
          %get3A_355 = arith.constant 32 : index
          %get3A_356 = tpu.vector_load %arg12[%get3A_355] {strides = array<i32>} : memref<128xi32, #tpu.memory_space<vmem>>, vector<16xi32>,
          %get3A_357 = vector.shape_cast %get3A_356 : vector<16xi32> to vector<16xi32>
          %sub3A_358 = vector.broadcast %mul3A_0 : i32 to vector<16xi32>
          %sub3A_359 = arith.subi %get3A_357, %sub3A_358 : vector<16xi32>
          %ge3A_360 = arith.constant 0 : i32
          %ge3A_361 = vector.broadcast %ge3A_360 : i32 to vector<16xi32>
          %ge3A_362 = arith.cmpi sge, %sub3A_359, %ge3A_361 : vector<16xi32>
          %lt3A_363 = arith.constant 5000 : i32
          %lt3A_364 = vector.broadcast %lt3A_363 : i32 to vector<16xi32>
          %lt3A_365 = arith.cmpi slt, %sub3A_359, %lt3A_364 : vector<16xi32>
          %and3A_366 = arith.andi %ge3A_362, %lt3A_365 : vector<16xi1>
          %jit3A_367 = arith.constant 5000 : i32
          %broadcast_in_dim3A_368 = vector.broadcast %jit3A_367 : i32 to vector<16xi32>
          %select_n3A_369 = arith.select %and3A_366, %sub3A_359, %broadcast_in_dim3A_368 : vector<16xi1>, vector<16xi32>
          %swap3A_370 = arith.constant 32 : index
          %swap3A_371 = tpu.vector_load %arg12[%swap3A_370] {strides = array<i32>} : memref<128xi32, #tpu.memory_space<vmem>>, vector<16xi32>,
          %swap3A_372 = vector.shape_cast %swap3A_371 : vector<16xi32> to vector<16xi32>
          %swap3A_373 = vector.shape_cast %select_n3A_369 : vector<16xi32> to vector<16xi32>
          tpu.vector_store %arg12[%swap3A_370], %swap3A_373 {strides = array<i32>} : memref<128xi32, #tpu.memory_space<vmem>>, vector<16xi32>,
          %get3A_374 = arith.constant 48 : index
          %get3A_375 = tpu.vector_load %arg12[%get3A_374] {strides = array<i32>} : memref<128xi32, #tpu.memory_space<vmem>>, vector<16xi32>,
          %get3A_376 = vector.shape_cast %get3A_375 : vector<16xi32> to vector<16xi32>
          %sub3A_377 = vector.broadcast %mul3A_0 : i32 to vector<16xi32>
          %sub3A_378 = arith.subi %get3A_376, %sub3A_377 : vector<16xi32>
          %ge3A_379 = arith.constant 0 : i32
          %ge3A_380 = vector.broadcast %ge3A_379 : i32 to vector<16xi32>
          %ge3A_381 = arith.cmpi sge, %sub3A_378, %ge3A_380 : vector<16xi32>
          %lt3A_382 = arith.constant 5000 : i32
          %lt3A_383 = vector.broadcast %lt3A_382 : i32 to vector<16xi32>
          %lt3A_384 = arith.cmpi slt, %sub3A_378, %lt3A_383 : vector<16xi32>
          %and3A_385 = arith.andi %ge3A_381, %lt3A_384 : vector<16xi1>
          %jit3A_386 = arith.constant 5000 : i32
          %broadcast_in_dim3A_387 = vector.broadcast %jit3A_386 : i32 to vector<16xi32>
          %select_n3A_388 = arith.select %and3A_385, %sub3A_378, %broadcast_in_dim3A_387 : vector<16xi1>, vector<16xi32>
          %swap3A_389 = arith.constant 48 : index
          %swap3A_390 = tpu.vector_load %arg12[%swap3A_389] {strides = array<i32>} : memref<128xi32, #tpu.memory_space<vmem>>, vector<16xi32>,
          %swap3A_391 = vector.shape_cast %swap3A_390 : vector<16xi32> to vector<16xi32>
          %swap3A_392 = vector.shape_cast %select_n3A_388 : vector<16xi32> to vector<16xi32>
          tpu.vector_store %arg12[%swap3A_389], %swap3A_392 {strides = array<i32>} : memref<128xi32, #tpu.memory_space<vmem>>, vector<16xi32>,
          %get3A_393 = arith.constant 64 : index
          %get3A_394 = tpu.vector_load %arg12[%get3A_393] {strides = array<i32>} : memref<128xi32, #tpu.memory_space<vmem>>, vector<16xi32>,
          %get3A_395 = vector.shape_cast %get3A_394 : vector<16xi32> to vector<16xi32>
          %sub3A_396 = vector.broadcast %mul3A_0 : i32 to vector<16xi32>
          %sub3A_397 = arith.subi %get3A_395, %sub3A_396 : vector<16xi32>
          %ge3A_398 = arith.constant 0 : i32
          %ge3A_399 = vector.broadcast %ge3A_398 : i32 to vector<16xi32>
          %ge3A_400 = arith.cmpi sge, %sub3A_397, %ge3A_399 : vector<16xi32>
          %lt3A_401 = arith.constant 5000 : i32
          %lt3A_402 = vector.broadcast %lt3A_401 : i32 to vector<16xi32>
          %lt3A_403 = arith.cmpi slt, %sub3A_397, %lt3A_402 : vector<16xi32>
          %and3A_404 = arith.andi %ge3A_400, %lt3A_403 : vector<16xi1>
          %jit3A_405 = arith.constant 5000 : i32
          %broadcast_in_dim3A_406 = vector.broadcast %jit3A_405 : i32 to vector<16xi32>
          %select_n3A_407 = arith.select %and3A_404, %sub3A_397, %broadcast_in_dim3A_406 : vector<16xi1>, vector<16xi32>
          %swap3A_408 = arith.constant 64 : index
          %swap3A_409 = tpu.vector_load %arg12[%swap3A_408] {strides = array<i32>} : memref<128xi32, #tpu.memory_space<vmem>>, vector<16xi32>,
          %swap3A_410 = vector.shape_cast %swap3A_409 : vector<16xi32> to vector<16xi32>
          %swap3A_411 = vector.shape_cast %select_n3A_407 : vector<16xi32> to vector<16xi32>
          tpu.vector_store %arg12[%swap3A_408], %swap3A_411 {strides = array<i32>} : memref<128xi32, #tpu.memory_space<vmem>>, vector<16xi32>,
          %get3A_412 = arith.constant 80 : index
          %get3A_413 = tpu.vector_load %arg12[%get3A_412] {strides = array<i32>} : memref<128xi32, #tpu.memory_space<vmem>>, vector<16xi32>,
          %get3A_414 = vector.shape_cast %get3A_413 : vector<16xi32> to vector<16xi32>
          %sub3A_415 = vector.broadcast %mul3A_0 : i32 to vector<16xi32>
          %sub3A_416 = arith.subi %get3A_414, %sub3A_415 : vector<16xi32>
          %ge3A_417 = arith.constant 0 : i32
          %ge3A_418 = vector.broadcast %ge3A_417 : i32 to vector<16xi32>
          %ge3A_419 = arith.cmpi sge, %sub3A_416, %ge3A_418 : vector<16xi32>
          %lt3A_420 = arith.constant 5000 : i32
          %lt3A_421 = vector.broadcast %lt3A_420 : i32 to vector<16xi32>
          %lt3A_422 = arith.cmpi slt, %sub3A_416, %lt3A_421 : vector<16xi32>
          %and3A_423 = arith.andi %ge3A_419, %lt3A_422 : vector<16xi1>
          %jit3A_424 = arith.constant 5000 : i32
          %broadcast_in_dim3A_425 = vector.broadcast %jit3A_424 : i32 to vector<16xi32>
          %select_n3A_426 = arith.select %and3A_423, %sub3A_416, %broadcast_in_dim3A_425 : vector<16xi1>, vector<16xi32>
          %swap3A_427 = arith.constant 80 : index
          %swap3A_428 = tpu.vector_load %arg12[%swap3A_427] {strides = array<i32>} : memref<128xi32, #tpu.memory_space<vmem>>, vector<16xi32>,
          %swap3A_429 = vector.shape_cast %swap3A_428 : vector<16xi32> to vector<16xi32>
          %swap3A_430 = vector.shape_cast %select_n3A_426 : vector<16xi32> to vector<16xi32>
          tpu.vector_store %arg12[%swap3A_427], %swap3A_430 {strides = array<i32>} : memref<128xi32, #tpu.memory_space<vmem>>, vector<16xi32>,
          %get3A_431 = arith.constant 96 : index
          %get3A_432 = tpu.vector_load %arg12[%get3A_431] {strides = array<i32>} : memref<128xi32, #tpu.memory_space<vmem>>, vector<16xi32>,
          %get3A_433 = vector.shape_cast %get3A_432 : vector<16xi32> to vector<16xi32>
          %sub3A_434 = vector.broadcast %mul3A_0 : i32 to vector<16xi32>
          %sub3A_435 = arith.subi %get3A_433, %sub3A_434 : vector<16xi32>
          %ge3A_436 = arith.constant 0 : i32
          %ge3A_437 = vector.broadcast %ge3A_436 : i32 to vector<16xi32>
          %ge3A_438 = arith.cmpi sge, %sub3A_435, %ge3A_437 : vector<16xi32>
          %lt3A_439 = arith.constant 5000 : i32
          %lt3A_440 = vector.broadcast %lt3A_439 : i32 to vector<16xi32>
          %lt3A_441 = arith.cmpi slt, %sub3A_435, %lt3A_440 : vector<16xi32>
          %and3A_442 = arith.andi %ge3A_438, %lt3A_441 : vector<16xi1>
          %jit3A_443 = arith.constant 5000 : i32
          %broadcast_in_dim3A_444 = vector.broadcast %jit3A_443 : i32 to vector<16xi32>
          %select_n3A_445 = arith.select %and3A_442, %sub3A_435, %broadcast_in_dim3A_444 : vector<16xi1>, vector<16xi32>
          %swap3A_446 = arith.constant 96 : index
          %swap3A_447 = tpu.vector_load %arg12[%swap3A_446] {strides = array<i32>} : memref<128xi32, #tpu.memory_space<vmem>>, vector<16xi32>,
          %swap3A_448 = vector.shape_cast %swap3A_447 : vector<16xi32> to vector<16xi32>
          %swap3A_449 = vector.shape_cast %select_n3A_445 : vector<16xi32> to vector<16xi32>
          tpu.vector_store %arg12[%swap3A_446], %swap3A_449 {strides = array<i32>} : memref<128xi32, #tpu.memory_space<vmem>>, vector<16xi32>,
          %get3A_450 = arith.constant 112 : index
          %get3A_451 = tpu.vector_load %arg12[%get3A_450] {strides = array<i32>} : memref<128xi32, #tpu.memory_space<vmem>>, vector<16xi32>,
          %get3A_452 = vector.shape_cast %get3A_451 : vector<16xi32> to vector<16xi32>
          %sub3A_453 = vector.broadcast %mul3A_0 : i32 to vector<16xi32>
          %sub3A_454 = arith.subi %get3A_452, %sub3A_453 : vector<16xi32>
          %ge3A_455 = arith.constant 0 : i32
          %ge3A_456 = vector.broadcast %ge3A_455 : i32 to vector<16xi32>
          %ge3A_457 = arith.cmpi sge, %sub3A_454, %ge3A_456 : vector<16xi32>
          %lt3A_458 = arith.constant 5000 : i32
          %lt3A_459 = vector.broadcast %lt3A_458 : i32 to vector<16xi32>
          %lt3A_460 = arith.cmpi slt, %sub3A_454, %lt3A_459 : vector<16xi32>
          %and3A_461 = arith.andi %ge3A_457, %lt3A_460 : vector<16xi1>
          %jit3A_462 = arith.constant 5000 : i32
          %broadcast_in_dim3A_463 = vector.broadcast %jit3A_462 : i32 to vector<16xi32>
          %select_n3A_464 = arith.select %and3A_461, %sub3A_454, %broadcast_in_dim3A_463 : vector<16xi1>, vector<16xi32>
          %swap3A_465 = arith.constant 112 : index
          %swap3A_466 = tpu.vector_load %arg12[%swap3A_465] {strides = array<i32>} : memref<128xi32, #tpu.memory_space<vmem>>, vector<16xi32>,
          %swap3A_467 = vector.shape_cast %swap3A_466 : vector<16xi32> to vector<16xi32>
          %swap3A_468 = vector.shape_cast %select_n3A_464 : vector<16xi32> to vector<16xi32>
          tpu.vector_store %arg12[%swap3A_465], %swap3A_468 {strides = array<i32>} : memref<128xi32, #tpu.memory_space<vmem>>, vector<16xi32>,
          "tpu.region"() ({
            %run_scoped3A = tpu.sem_alloc : memref<!tpu.dma_semaphore, #tpu.memory_space<semaphore_mem>>
            %dma_start3A = arith.constant 0 : i32
            %dma_start3A_469 = arith.constant 0 : i32
            %dma_start3A_470 = tpu.memref_slice %arg9[%dma_start3A, %dma_start3A_469] : memref<5120x128xf32, #tpu.memory_space<vmem_shared>> -> memref<5120x128xf32, #tpu.memory_space<vmem_shared>>
            tpu.enqueue_indirect_dma source(%arg11 : memref<128x128xf32, #tpu.memory_space<vmem>>) target(%dma_start3A_470 : memref<5120x128xf32, #tpu.memory_space<vmem_shared>>) offsets(%arg12 : memref<128xi32, #tpu.memory_space<vmem>>) semaphore(%run_scoped3A : memref<!tpu.dma_semaphore, #tpu.memory_space<semaphore_mem>>) {add = true}
            %dma_wait3A_471 = arith.constant 0 : i32
            %dma_wait3A_472 = arith.constant 0 : i32
            %dma_wait3A_473 = tpu.memref_slice %arg9[%dma_wait3A_471, %dma_wait3A_472] : memref<5120x128xf32, #tpu.memory_space<vmem_shared>> -> memref<5120x128xf32, #tpu.memory_space<vmem_shared>>
            tpu.wait_indirect_dma semaphore(%run_scoped3A : memref<!tpu.dma_semaphore, #tpu.memory_space<semaphore_mem>>) src(%arg11 : memref<128x128xf32, #tpu.memory_space<vmem>>) dst(%dma_wait3A_473 : memref<5120x128xf32, #tpu.memory_space<vmem_shared>>)
            tpu.yield
          }) : () -> ()
        } else {
        }
      } else {
      }
      %jit3A_281 = arith.constant 2 : i32
      %eq3A_282 = arith.constant 0 : i32
      %eq3A_283 = arith.cmpi eq, %jit3A_281, %eq3A_282 : i32
      %jit3A_284 = arith.constant 1 : i32
      %select_n3A_285 = arith.select %eq3A_283, %jit3A_284, %jit3A_281 : i32
      %rem3A_286 = arith.remsi %while3A_252, %select_n3A_285 : i32
      %ne3A_287 = arith.constant 0 : i32
      %ne3A_288 = arith.cmpi ne, %rem3A_286, %ne3A_287 : i32
      %lt3A_289 = arith.constant 0 : i32
      %lt3A_290 = arith.cmpi slt, %rem3A_286, %lt3A_289 : i32
      %lt3A_291 = arith.constant 0 : i32
      %lt3A_292 = arith.cmpi slt, %select_n3A_285, %lt3A_291 : i32
      %ne3A_293 = arith.xori %lt3A_290, %lt3A_292 : i1
      %and3A_294 = arith.andi %ne3A_293, %ne3A_288 : i1
      %add3A_295 = arith.addi %rem3A_286, %select_n3A_285 : i32
      %select_n3A_296 = arith.select %and3A_294, %add3A_295, %rem3A_286 : i32
      %eq3A_297 = arith.constant 1 : i32
      %eq3A_298 = arith.cmpi eq, %select_n3A_296, %eq3A_297 : i32
      %convert_element_type3A_299 = arith.extui %eq3A_298 : i1 to i32
      %cond3A_300 = arith.constant 0 : i32
      %cond3A_301 = arith.cmpi ne, %convert_element_type3A_299, %cond3A_300 : i32
      scf.if %cond3A_301 {
        %lt3A_303 = arith.cmpi slt, %add3A_259, %select_n3A_147 : i32
        %convert_element_type3A_304 = arith.extui %lt3A_303 : i1 to i32
        %cond3A_305 = arith.constant 0 : i32
        %cond3A_306 = arith.cmpi ne, %convert_element_type3A_304, %cond3A_305 : i32
        scf.if %cond3A_306 {
          %mul3A_311 = arith.constant 128 : i32
          %mul3A_312 = arith.muli %add3A_259, %mul3A_311 : i32
          %dma_start3A = arith.constant 0 : i32
          %dma_start3A_313 = tpu.memref_slice %arg4[%mul3A_312, %dma_start3A] : memref<100000x128xf32, #tpu.memory_space<hbm>> -> memref<128x128xf32, #tpu.memory_space<hbm>>
          %dma_start3A_314 = arith.constant 0 : i32
          %dma_start3A_315 = tpu.memref_slice %arg4[%mul3A_312, %dma_start3A_314] : memref<100000x128xf32, #tpu.memory_space<hbm>> -> memref<128x128xf32, #tpu.memory_space<hbm>>
          tpu.enqueue_dma source(%dma_start3A_315 : memref<128x128xf32, #tpu.memory_space<hbm>>) target(%arg11 : memref<128x128xf32, #tpu.memory_space<vmem>>) target_semaphore(%arg15 : memref<!tpu.dma_semaphore, #tpu.memory_space<semaphore_mem>>)
          %mul3A_316 = arith.constant 128 : i32
          %mul3A_317 = arith.muli %add3A_259, %mul3A_316 : i32
          %dma_start3A_318 = tpu.memref_slice %arg5[%mul3A_317] : memref<100000xi32, #tpu.memory_space<hbm>> -> memref<128xi32, #tpu.memory_space<hbm>>
          %dma_start3A_319 = tpu.memref_slice %arg5[%mul3A_317] : memref<100000xi32, #tpu.memory_space<hbm>> -> memref<128xi32, #tpu.memory_space<hbm>>
          tpu.enqueue_dma source(%dma_start3A_319 : memref<128xi32, #tpu.memory_space<hbm>>) target(%arg12 : memref<128xi32, #tpu.memory_space<vmem>>) target_semaphore(%arg15 : memref<!tpu.dma_semaphore, #tpu.memory_space<semaphore_mem>>)
        } else {
        }
        %lt3A_307 = arith.cmpi slt, %add3A_257, %select_n3A_147 : i32
        %convert_element_type3A_308 = arith.extui %lt3A_307 : i1 to i32
        %cond3A_309 = arith.constant 0 : i32
        %cond3A_310 = arith.cmpi ne, %convert_element_type3A_308, %cond3A_309 : i32
        scf.if %cond3A_310 {
          %mul3A_311 = arith.constant 128 : i32
          %mul3A_312 = arith.muli %add3A_257, %mul3A_311 : i32
          %dma_wait3A = arith.constant 0 : i32
          %dma_wait3A_313 = tpu.memref_slice %arg4[%mul3A_312, %dma_wait3A] : memref<100000x128xf32, #tpu.memory_space<hbm>> -> memref<128x128xf32, #tpu.memory_space<hbm>>
          %dma_wait3A_314 = arith.constant 0 : i32
          %dma_wait3A_315 = tpu.memref_slice %arg4[%mul3A_312, %dma_wait3A_314] : memref<100000x128xf32, #tpu.memory_space<hbm>> -> memref<128x128xf32, #tpu.memory_space<hbm>>
          tpu.wait_dma2 semaphore(%arg16 : memref<!tpu.dma_semaphore, #tpu.memory_space<semaphore_mem>>) src(%dma_wait3A_315 : memref<128x128xf32, #tpu.memory_space<hbm>>) dst(%arg13 : memref<128x128xf32, #tpu.memory_space<vmem>>)
          %mul3A_316 = arith.constant 128 : i32
          %mul3A_317 = arith.muli %add3A_257, %mul3A_316 : i32
          %dma_wait3A_318 = tpu.memref_slice %arg5[%mul3A_317] : memref<100000xi32, #tpu.memory_space<hbm>> -> memref<128xi32, #tpu.memory_space<hbm>>
          %dma_wait3A_319 = tpu.memref_slice %arg5[%mul3A_317] : memref<100000xi32, #tpu.memory_space<hbm>> -> memref<128xi32, #tpu.memory_space<hbm>>
          tpu.wait_dma2 semaphore(%arg16 : memref<!tpu.dma_semaphore, #tpu.memory_space<semaphore_mem>>) src(%dma_wait3A_319 : memref<128xi32, #tpu.memory_space<hbm>>) dst(%arg14 : memref<128xi32, #tpu.memory_space<vmem>>)
          %get3A_320 = arith.constant 0 : index
          %get3A_321 = tpu.vector_load %arg14[%get3A_320] {strides = array<i32>} : memref<128xi32, #tpu.memory_space<vmem>>, vector<16xi32>,
          %get3A_322 = vector.shape_cast %get3A_321 : vector<16xi32> to vector<16xi32>
          %sub3A_323 = vector.broadcast %mul3A_0 : i32 to vector<16xi32>
          %sub3A_324 = arith.subi %get3A_322, %sub3A_323 : vector<16xi32>
          %ge3A = arith.constant 0 : i32
          %ge3A_325 = vector.broadcast %ge3A : i32 to vector<16xi32>
          %ge3A_326 = arith.cmpi sge, %sub3A_324, %ge3A_325 : vector<16xi32>
          %lt3A_327 = arith.constant 5000 : i32
          %lt3A_328 = vector.broadcast %lt3A_327 : i32 to vector<16xi32>
          %lt3A_329 = arith.cmpi slt, %sub3A_324, %lt3A_328 : vector<16xi32>
          %and3A_330 = arith.andi %ge3A_326, %lt3A_329 : vector<16xi1>
          %jit3A_331 = arith.constant 5000 : i32
          %broadcast_in_dim3A = vector.broadcast %jit3A_331 : i32 to vector<16xi32>
          %select_n3A_332 = arith.select %and3A_330, %sub3A_324, %broadcast_in_dim3A : vector<16xi1>, vector<16xi32>
          %swap3A = arith.constant 0 : index
          %swap3A_333 = tpu.vector_load %arg14[%swap3A] {strides = array<i32>} : memref<128xi32, #tpu.memory_space<vmem>>, vector<16xi32>,
          %swap3A_334 = vector.shape_cast %swap3A_333 : vector<16xi32> to vector<16xi32>
          %swap3A_335 = vector.shape_cast %select_n3A_332 : vector<16xi32> to vector<16xi32>
          tpu.vector_store %arg14[%swap3A], %swap3A_335 {strides = array<i32>} : memref<128xi32, #tpu.memory_space<vmem>>, vector<16xi32>,
          %get3A_336 = arith.constant 16 : index
          %get3A_337 = tpu.vector_load %arg14[%get3A_336] {strides = array<i32>} : memref<128xi32, #tpu.memory_space<vmem>>, vector<16xi32>,
          %get3A_338 = vector.shape_cast %get3A_337 : vector<16xi32> to vector<16xi32>
          %sub3A_339 = vector.broadcast %mul3A_0 : i32 to vector<16xi32>
          %sub3A_340 = arith.subi %get3A_338, %sub3A_339 : vector<16xi32>
          %ge3A_341 = arith.constant 0 : i32
          %ge3A_342 = vector.broadcast %ge3A_341 : i32 to vector<16xi32>
          %ge3A_343 = arith.cmpi sge, %sub3A_340, %ge3A_342 : vector<16xi32>
          %lt3A_344 = arith.constant 5000 : i32
          %lt3A_345 = vector.broadcast %lt3A_344 : i32 to vector<16xi32>
          %lt3A_346 = arith.cmpi slt, %sub3A_340, %lt3A_345 : vector<16xi32>
          %and3A_347 = arith.andi %ge3A_343, %lt3A_346 : vector<16xi1>
          %jit3A_348 = arith.constant 5000 : i32
          %broadcast_in_dim3A_349 = vector.broadcast %jit3A_348 : i32 to vector<16xi32>
          %select_n3A_350 = arith.select %and3A_347, %sub3A_340, %broadcast_in_dim3A_349 : vector<16xi1>, vector<16xi32>
          %swap3A_351 = arith.constant 16 : index
          %swap3A_352 = tpu.vector_load %arg14[%swap3A_351] {strides = array<i32>} : memref<128xi32, #tpu.memory_space<vmem>>, vector<16xi32>,
          %swap3A_353 = vector.shape_cast %swap3A_352 : vector<16xi32> to vector<16xi32>
          %swap3A_354 = vector.shape_cast %select_n3A_350 : vector<16xi32> to vector<16xi32>
          tpu.vector_store %arg14[%swap3A_351], %swap3A_354 {strides = array<i32>} : memref<128xi32, #tpu.memory_space<vmem>>, vector<16xi32>,
          %get3A_355 = arith.constant 32 : index
          %get3A_356 = tpu.vector_load %arg14[%get3A_355] {strides = array<i32>} : memref<128xi32, #tpu.memory_space<vmem>>, vector<16xi32>,
          %get3A_357 = vector.shape_cast %get3A_356 : vector<16xi32> to vector<16xi32>
          %sub3A_358 = vector.broadcast %mul3A_0 : i32 to vector<16xi32>
          %sub3A_359 = arith.subi %get3A_357, %sub3A_358 : vector<16xi32>
          %ge3A_360 = arith.constant 0 : i32
          %ge3A_361 = vector.broadcast %ge3A_360 : i32 to vector<16xi32>
          %ge3A_362 = arith.cmpi sge, %sub3A_359, %ge3A_361 : vector<16xi32>
          %lt3A_363 = arith.constant 5000 : i32
          %lt3A_364 = vector.broadcast %lt3A_363 : i32 to vector<16xi32>
          %lt3A_365 = arith.cmpi slt, %sub3A_359, %lt3A_364 : vector<16xi32>
          %and3A_366 = arith.andi %ge3A_362, %lt3A_365 : vector<16xi1>
          %jit3A_367 = arith.constant 5000 : i32
          %broadcast_in_dim3A_368 = vector.broadcast %jit3A_367 : i32 to vector<16xi32>
          %select_n3A_369 = arith.select %and3A_366, %sub3A_359, %broadcast_in_dim3A_368 : vector<16xi1>, vector<16xi32>
          %swap3A_370 = arith.constant 32 : index
          %swap3A_371 = tpu.vector_load %arg14[%swap3A_370] {strides = array<i32>} : memref<128xi32, #tpu.memory_space<vmem>>, vector<16xi32>,
          %swap3A_372 = vector.shape_cast %swap3A_371 : vector<16xi32> to vector<16xi32>
          %swap3A_373 = vector.shape_cast %select_n3A_369 : vector<16xi32> to vector<16xi32>
          tpu.vector_store %arg14[%swap3A_370], %swap3A_373 {strides = array<i32>} : memref<128xi32, #tpu.memory_space<vmem>>, vector<16xi32>,
          %get3A_374 = arith.constant 48 : index
          %get3A_375 = tpu.vector_load %arg14[%get3A_374] {strides = array<i32>} : memref<128xi32, #tpu.memory_space<vmem>>, vector<16xi32>,
          %get3A_376 = vector.shape_cast %get3A_375 : vector<16xi32> to vector<16xi32>
          %sub3A_377 = vector.broadcast %mul3A_0 : i32 to vector<16xi32>
          %sub3A_378 = arith.subi %get3A_376, %sub3A_377 : vector<16xi32>
          %ge3A_379 = arith.constant 0 : i32
          %ge3A_380 = vector.broadcast %ge3A_379 : i32 to vector<16xi32>
          %ge3A_381 = arith.cmpi sge, %sub3A_378, %ge3A_380 : vector<16xi32>
          %lt3A_382 = arith.constant 5000 : i32
          %lt3A_383 = vector.broadcast %lt3A_382 : i32 to vector<16xi32>
          %lt3A_384 = arith.cmpi slt, %sub3A_378, %lt3A_383 : vector<16xi32>
          %and3A_385 = arith.andi %ge3A_381, %lt3A_384 : vector<16xi1>
          %jit3A_386 = arith.constant 5000 : i32
          %broadcast_in_dim3A_387 = vector.broadcast %jit3A_386 : i32 to vector<16xi32>
          %select_n3A_388 = arith.select %and3A_385, %sub3A_378, %broadcast_in_dim3A_387 : vector<16xi1>, vector<16xi32>
          %swap3A_389 = arith.constant 48 : index
          %swap3A_390 = tpu.vector_load %arg14[%swap3A_389] {strides = array<i32>} : memref<128xi32, #tpu.memory_space<vmem>>, vector<16xi32>,
          %swap3A_391 = vector.shape_cast %swap3A_390 : vector<16xi32> to vector<16xi32>
          %swap3A_392 = vector.shape_cast %select_n3A_388 : vector<16xi32> to vector<16xi32>
          tpu.vector_store %arg14[%swap3A_389], %swap3A_392 {strides = array<i32>} : memref<128xi32, #tpu.memory_space<vmem>>, vector<16xi32>,
          %get3A_393 = arith.constant 64 : index
          %get3A_394 = tpu.vector_load %arg14[%get3A_393] {strides = array<i32>} : memref<128xi32, #tpu.memory_space<vmem>>, vector<16xi32>,
          %get3A_395 = vector.shape_cast %get3A_394 : vector<16xi32> to vector<16xi32>
          %sub3A_396 = vector.broadcast %mul3A_0 : i32 to vector<16xi32>
          %sub3A_397 = arith.subi %get3A_395, %sub3A_396 : vector<16xi32>
          %ge3A_398 = arith.constant 0 : i32
          %ge3A_399 = vector.broadcast %ge3A_398 : i32 to vector<16xi32>
          %ge3A_400 = arith.cmpi sge, %sub3A_397, %ge3A_399 : vector<16xi32>
          %lt3A_401 = arith.constant 5000 : i32
          %lt3A_402 = vector.broadcast %lt3A_401 : i32 to vector<16xi32>
          %lt3A_403 = arith.cmpi slt, %sub3A_397, %lt3A_402 : vector<16xi32>
          %and3A_404 = arith.andi %ge3A_400, %lt3A_403 : vector<16xi1>
          %jit3A_405 = arith.constant 5000 : i32
          %broadcast_in_dim3A_406 = vector.broadcast %jit3A_405 : i32 to vector<16xi32>
          %select_n3A_407 = arith.select %and3A_404, %sub3A_397, %broadcast_in_dim3A_406 : vector<16xi1>, vector<16xi32>
          %swap3A_408 = arith.constant 64 : index
          %swap3A_409 = tpu.vector_load %arg14[%swap3A_408] {strides = array<i32>} : memref<128xi32, #tpu.memory_space<vmem>>, vector<16xi32>,
          %swap3A_410 = vector.shape_cast %swap3A_409 : vector<16xi32> to vector<16xi32>
          %swap3A_411 = vector.shape_cast %select_n3A_407 : vector<16xi32> to vector<16xi32>
          tpu.vector_store %arg14[%swap3A_408], %swap3A_411 {strides = array<i32>} : memref<128xi32, #tpu.memory_space<vmem>>, vector<16xi32>,
          %get3A_412 = arith.constant 80 : index
          %get3A_413 = tpu.vector_load %arg14[%get3A_412] {strides = array<i32>} : memref<128xi32, #tpu.memory_space<vmem>>, vector<16xi32>,
          %get3A_414 = vector.shape_cast %get3A_413 : vector<16xi32> to vector<16xi32>
          %sub3A_415 = vector.broadcast %mul3A_0 : i32 to vector<16xi32>
          %sub3A_416 = arith.subi %get3A_414, %sub3A_415 : vector<16xi32>
          %ge3A_417 = arith.constant 0 : i32
          %ge3A_418 = vector.broadcast %ge3A_417 : i32 to vector<16xi32>
          %ge3A_419 = arith.cmpi sge, %sub3A_416, %ge3A_418 : vector<16xi32>
          %lt3A_420 = arith.constant 5000 : i32
          %lt3A_421 = vector.broadcast %lt3A_420 : i32 to vector<16xi32>
          %lt3A_422 = arith.cmpi slt, %sub3A_416, %lt3A_421 : vector<16xi32>
          %and3A_423 = arith.andi %ge3A_419, %lt3A_422 : vector<16xi1>
          %jit3A_424 = arith.constant 5000 : i32
          %broadcast_in_dim3A_425 = vector.broadcast %jit3A_424 : i32 to vector<16xi32>
          %select_n3A_426 = arith.select %and3A_423, %sub3A_416, %broadcast_in_dim3A_425 : vector<16xi1>, vector<16xi32>
          %swap3A_427 = arith.constant 80 : index
          %swap3A_428 = tpu.vector_load %arg14[%swap3A_427] {strides = array<i32>} : memref<128xi32, #tpu.memory_space<vmem>>, vector<16xi32>,
          %swap3A_429 = vector.shape_cast %swap3A_428 : vector<16xi32> to vector<16xi32>
          %swap3A_430 = vector.shape_cast %select_n3A_426 : vector<16xi32> to vector<16xi32>
          tpu.vector_store %arg14[%swap3A_427], %swap3A_430 {strides = array<i32>} : memref<128xi32, #tpu.memory_space<vmem>>, vector<16xi32>,
          %get3A_431 = arith.constant 96 : index
          %get3A_432 = tpu.vector_load %arg14[%get3A_431] {strides = array<i32>} : memref<128xi32, #tpu.memory_space<vmem>>, vector<16xi32>,
          %get3A_433 = vector.shape_cast %get3A_432 : vector<16xi32> to vector<16xi32>
          %sub3A_434 = vector.broadcast %mul3A_0 : i32 to vector<16xi32>
          %sub3A_435 = arith.subi %get3A_433, %sub3A_434 : vector<16xi32>
          %ge3A_436 = arith.constant 0 : i32
          %ge3A_437 = vector.broadcast %ge3A_436 : i32 to vector<16xi32>
          %ge3A_438 = arith.cmpi sge, %sub3A_435, %ge3A_437 : vector<16xi32>
          %lt3A_439 = arith.constant 5000 : i32
          %lt3A_440 = vector.broadcast %lt3A_439 : i32 to vector<16xi32>
          %lt3A_441 = arith.cmpi slt, %sub3A_435, %lt3A_440 : vector<16xi32>
          %and3A_442 = arith.andi %ge3A_438, %lt3A_441 : vector<16xi1>
          %jit3A_443 = arith.constant 5000 : i32
          %broadcast_in_dim3A_444 = vector.broadcast %jit3A_443 : i32 to vector<16xi32>
          %select_n3A_445 = arith.select %and3A_442, %sub3A_435, %broadcast_in_dim3A_444 : vector<16xi1>, vector<16xi32>
          %swap3A_446 = arith.constant 96 : index
          %swap3A_447 = tpu.vector_load %arg14[%swap3A_446] {strides = array<i32>} : memref<128xi32, #tpu.memory_space<vmem>>, vector<16xi32>,
          %swap3A_448 = vector.shape_cast %swap3A_447 : vector<16xi32> to vector<16xi32>
          %swap3A_449 = vector.shape_cast %select_n3A_445 : vector<16xi32> to vector<16xi32>
          tpu.vector_store %arg14[%swap3A_446], %swap3A_449 {strides = array<i32>} : memref<128xi32, #tpu.memory_space<vmem>>, vector<16xi32>,
          %get3A_450 = arith.constant 112 : index
          %get3A_451 = tpu.vector_load %arg14[%get3A_450] {strides = array<i32>} : memref<128xi32, #tpu.memory_space<vmem>>, vector<16xi32>,
          %get3A_452 = vector.shape_cast %get3A_451 : vector<16xi32> to vector<16xi32>
          %sub3A_453 = vector.broadcast %mul3A_0 : i32 to vector<16xi32>
          %sub3A_454 = arith.subi %get3A_452, %sub3A_453 : vector<16xi32>
          %ge3A_455 = arith.constant 0 : i32
          %ge3A_456 = vector.broadcast %ge3A_455 : i32 to vector<16xi32>
          %ge3A_457 = arith.cmpi sge, %sub3A_454, %ge3A_456 : vector<16xi32>
          %lt3A_458 = arith.constant 5000 : i32
          %lt3A_459 = vector.broadcast %lt3A_458 : i32 to vector<16xi32>
          %lt3A_460 = arith.cmpi slt, %sub3A_454, %lt3A_459 : vector<16xi32>
          %and3A_461 = arith.andi %ge3A_457, %lt3A_460 : vector<16xi1>
          %jit3A_462 = arith.constant 5000 : i32
          %broadcast_in_dim3A_463 = vector.broadcast %jit3A_462 : i32 to vector<16xi32>
          %select_n3A_464 = arith.select %and3A_461, %sub3A_454, %broadcast_in_dim3A_463 : vector<16xi1>, vector<16xi32>
          %swap3A_465 = arith.constant 112 : index
          %swap3A_466 = tpu.vector_load %arg14[%swap3A_465] {strides = array<i32>} : memref<128xi32, #tpu.memory_space<vmem>>, vector<16xi32>,
          %swap3A_467 = vector.shape_cast %swap3A_466 : vector<16xi32> to vector<16xi32>
          %swap3A_468 = vector.shape_cast %select_n3A_464 : vector<16xi32> to vector<16xi32>
          tpu.vector_store %arg14[%swap3A_465], %swap3A_468 {strides = array<i32>} : memref<128xi32, #tpu.memory_space<vmem>>, vector<16xi32>,
          "tpu.region"() ({
            %run_scoped3A = tpu.sem_alloc : memref<!tpu.dma_semaphore, #tpu.memory_space<semaphore_mem>>
            %dma_start3A = arith.constant 0 : i32
            %dma_start3A_469 = arith.constant 0 : i32
            %dma_start3A_470 = tpu.memref_slice %arg9[%dma_start3A, %dma_start3A_469] : memref<5120x128xf32, #tpu.memory_space<vmem_shared>> -> memref<5120x128xf32, #tpu.memory_space<vmem_shared>>
            tpu.enqueue_indirect_dma source(%arg13 : memref<128x128xf32, #tpu.memory_space<vmem>>) target(%dma_start3A_470 : memref<5120x128xf32, #tpu.memory_space<vmem_shared>>) offsets(%arg14 : memref<128xi32, #tpu.memory_space<vmem>>) semaphore(%run_scoped3A : memref<!tpu.dma_semaphore, #tpu.memory_space<semaphore_mem>>) {add = true}
            %dma_wait3A_471 = arith.constant 0 : i32
            %dma_wait3A_472 = arith.constant 0 : i32
            %dma_wait3A_473 = tpu.memref_slice %arg9[%dma_wait3A_471, %dma_wait3A_472] : memref<5120x128xf32, #tpu.memory_space<vmem_shared>> -> memref<5120x128xf32, #tpu.memory_space<vmem_shared>>
            tpu.wait_indirect_dma semaphore(%run_scoped3A : memref<!tpu.dma_semaphore, #tpu.memory_space<semaphore_mem>>) src(%arg13 : memref<128x128xf32, #tpu.memory_space<vmem>>) dst(%dma_wait3A_473 : memref<5120x128xf32, #tpu.memory_space<vmem_shared>>)
            tpu.yield
          }) : () -> ()
        } else {
        }
      } else {
      }
      %while3A_302 = arith.constant 0 : i32
      scf.yield %while3A_302 : i32
    }
    %while3A_234 = arith.constant 1 : i32
    %while3A_235 = scf.for %while3A_252 = %while3A_231 to %while3A_227 step %while3A_234 iter_args(%while3A_253 = %while3A_233) -> (i32)  : i32 {
      %mul3A_254 = arith.constant 16 : i32
      %mul3A_255 = arith.muli %while3A_252, %mul3A_254 : i32
      %add3A_256 = arith.addi %select_n3A_115, %mul3A_255 : i32
      %add3A_257 = arith.addi %add3A_256, %arg1 : i32
      %add3A_258 = arith.constant 16 : i32
      %add3A_259 = arith.addi %add3A_257, %add3A_258 : i32
      %jit3A_260 = arith.constant 2 : i32
      %eq3A_261 = arith.constant 0 : i32
      %eq3A_262 = arith.cmpi eq, %jit3A_260, %eq3A_261 : i32
      %jit3A_263 = arith.constant 1 : i32
      %select_n3A_264 = arith.select %eq3A_262, %jit3A_263, %jit3A_260 : i32
      %rem3A_265 = arith.remsi %while3A_252, %select_n3A_264 : i32
      %ne3A_266 = arith.constant 0 : i32
      %ne3A_267 = arith.cmpi ne, %rem3A_265, %ne3A_266 : i32
      %lt3A_268 = arith.constant 0 : i32
      %lt3A_269 = arith.cmpi slt, %rem3A_265, %lt3A_268 : i32
      %lt3A_270 = arith.constant 0 : i32
      %lt3A_271 = arith.cmpi slt, %select_n3A_264, %lt3A_270 : i32
      %ne3A_272 = arith.xori %lt3A_269, %lt3A_271 : i1
      %and3A_273 = arith.andi %ne3A_272, %ne3A_267 : i1
      %add3A_274 = arith.addi %rem3A_265, %select_n3A_264 : i32
      %select_n3A_275 = arith.select %and3A_273, %add3A_274, %rem3A_265 : i32
      %eq3A_276 = arith.constant 0 : i32
      %eq3A_277 = arith.cmpi eq, %select_n3A_275, %eq3A_276 : i32
      %convert_element_type3A_278 = arith.extui %eq3A_277 : i1 to i32
      %cond3A_279 = arith.constant 0 : i32
      %cond3A_280 = arith.cmpi ne, %convert_element_type3A_278, %cond3A_279 : i32
      scf.if %cond3A_280 {
        %lt3A_303 = arith.cmpi slt, %add3A_259, %select_n3A_147 : i32
        %convert_element_type3A_304 = arith.extui %lt3A_303 : i1 to i32
        %cond3A_305 = arith.constant 0 : i32
        %cond3A_306 = arith.cmpi ne, %convert_element_type3A_304, %cond3A_305 : i32
        scf.if %cond3A_306 {
          %mul3A_311 = arith.constant 128 : i32
          %mul3A_312 = arith.muli %add3A_259, %mul3A_311 : i32
          %dma_start3A = arith.constant 0 : i32
          %dma_start3A_313 = tpu.memref_slice %arg4[%mul3A_312, %dma_start3A] : memref<100000x128xf32, #tpu.memory_space<hbm>> -> memref<128x128xf32, #tpu.memory_space<hbm>>
          %dma_start3A_314 = arith.constant 0 : i32
          %dma_start3A_315 = tpu.memref_slice %arg4[%mul3A_312, %dma_start3A_314] : memref<100000x128xf32, #tpu.memory_space<hbm>> -> memref<128x128xf32, #tpu.memory_space<hbm>>
          tpu.enqueue_dma source(%dma_start3A_315 : memref<128x128xf32, #tpu.memory_space<hbm>>) target(%arg13 : memref<128x128xf32, #tpu.memory_space<vmem>>) target_semaphore(%arg16 : memref<!tpu.dma_semaphore, #tpu.memory_space<semaphore_mem>>)
          %mul3A_316 = arith.constant 128 : i32
          %mul3A_317 = arith.muli %add3A_259, %mul3A_316 : i32
          %dma_start3A_318 = tpu.memref_slice %arg5[%mul3A_317] : memref<100000xi32, #tpu.memory_space<hbm>> -> memref<128xi32, #tpu.memory_space<hbm>>
          %dma_start3A_319 = tpu.memref_slice %arg5[%mul3A_317] : memref<100000xi32, #tpu.memory_space<hbm>> -> memref<128xi32, #tpu.memory_space<hbm>>
          tpu.enqueue_dma source(%dma_start3A_319 : memref<128xi32, #tpu.memory_space<hbm>>) target(%arg14 : memref<128xi32, #tpu.memory_space<vmem>>) target_semaphore(%arg16 : memref<!tpu.dma_semaphore, #tpu.memory_space<semaphore_mem>>)
        } else {
        }
        %lt3A_307 = arith.cmpi slt, %add3A_257, %select_n3A_147 : i32
        %convert_element_type3A_308 = arith.extui %lt3A_307 : i1 to i32
        %cond3A_309 = arith.constant 0 : i32
        %cond3A_310 = arith.cmpi ne, %convert_element_type3A_308, %cond3A_309 : i32
        scf.if %cond3A_310 {
          %mul3A_311 = arith.constant 128 : i32
          %mul3A_312 = arith.muli %add3A_257, %mul3A_311 : i32
          %dma_wait3A = arith.constant 0 : i32
          %dma_wait3A_313 = tpu.memref_slice %arg4[%mul3A_312, %dma_wait3A] : memref<100000x128xf32, #tpu.memory_space<hbm>> -> memref<128x128xf32, #tpu.memory_space<hbm>>
          %dma_wait3A_314 = arith.constant 0 : i32
          %dma_wait3A_315 = tpu.memref_slice %arg4[%mul3A_312, %dma_wait3A_314] : memref<100000x128xf32, #tpu.memory_space<hbm>> -> memref<128x128xf32, #tpu.memory_space<hbm>>
          tpu.wait_dma2 semaphore(%arg15 : memref<!tpu.dma_semaphore, #tpu.memory_space<semaphore_mem>>) src(%dma_wait3A_315 : memref<128x128xf32, #tpu.memory_space<hbm>>) dst(%arg11 : memref<128x128xf32, #tpu.memory_space<vmem>>)
          %mul3A_316 = arith.constant 128 : i32
          %mul3A_317 = arith.muli %add3A_257, %mul3A_316 : i32
          %dma_wait3A_318 = tpu.memref_slice %arg5[%mul3A_317] : memref<100000xi32, #tpu.memory_space<hbm>> -> memref<128xi32, #tpu.memory_space<hbm>>
          %dma_wait3A_319 = tpu.memref_slice %arg5[%mul3A_317] : memref<100000xi32, #tpu.memory_space<hbm>> -> memref<128xi32, #tpu.memory_space<hbm>>
          tpu.wait_dma2 semaphore(%arg15 : memref<!tpu.dma_semaphore, #tpu.memory_space<semaphore_mem>>) src(%dma_wait3A_319 : memref<128xi32, #tpu.memory_space<hbm>>) dst(%arg12 : memref<128xi32, #tpu.memory_space<vmem>>)
          %get3A_320 = arith.constant 0 : index
          %get3A_321 = tpu.vector_load %arg12[%get3A_320] {strides = array<i32>} : memref<128xi32, #tpu.memory_space<vmem>>, vector<16xi32>,
          %get3A_322 = vector.shape_cast %get3A_321 : vector<16xi32> to vector<16xi32>
          %sub3A_323 = vector.broadcast %mul3A_0 : i32 to vector<16xi32>
          %sub3A_324 = arith.subi %get3A_322, %sub3A_323 : vector<16xi32>
          %ge3A = arith.constant 0 : i32
          %ge3A_325 = vector.broadcast %ge3A : i32 to vector<16xi32>
          %ge3A_326 = arith.cmpi sge, %sub3A_324, %ge3A_325 : vector<16xi32>
          %lt3A_327 = arith.constant 5000 : i32
          %lt3A_328 = vector.broadcast %lt3A_327 : i32 to vector<16xi32>
          %lt3A_329 = arith.cmpi slt, %sub3A_324, %lt3A_328 : vector<16xi32>
          %and3A_330 = arith.andi %ge3A_326, %lt3A_329 : vector<16xi1>
          %jit3A_331 = arith.constant 5000 : i32
          %broadcast_in_dim3A = vector.broadcast %jit3A_331 : i32 to vector<16xi32>
          %select_n3A_332 = arith.select %and3A_330, %sub3A_324, %broadcast_in_dim3A : vector<16xi1>, vector<16xi32>
          %swap3A = arith.constant 0 : index
          %swap3A_333 = tpu.vector_load %arg12[%swap3A] {strides = array<i32>} : memref<128xi32, #tpu.memory_space<vmem>>, vector<16xi32>,
          %swap3A_334 = vector.shape_cast %swap3A_333 : vector<16xi32> to vector<16xi32>
          %swap3A_335 = vector.shape_cast %select_n3A_332 : vector<16xi32> to vector<16xi32>
          tpu.vector_store %arg12[%swap3A], %swap3A_335 {strides = array<i32>} : memref<128xi32, #tpu.memory_space<vmem>>, vector<16xi32>,
          %get3A_336 = arith.constant 16 : index
          %get3A_337 = tpu.vector_load %arg12[%get3A_336] {strides = array<i32>} : memref<128xi32, #tpu.memory_space<vmem>>, vector<16xi32>,
          %get3A_338 = vector.shape_cast %get3A_337 : vector<16xi32> to vector<16xi32>
          %sub3A_339 = vector.broadcast %mul3A_0 : i32 to vector<16xi32>
          %sub3A_340 = arith.subi %get3A_338, %sub3A_339 : vector<16xi32>
          %ge3A_341 = arith.constant 0 : i32
          %ge3A_342 = vector.broadcast %ge3A_341 : i32 to vector<16xi32>
          %ge3A_343 = arith.cmpi sge, %sub3A_340, %ge3A_342 : vector<16xi32>
          %lt3A_344 = arith.constant 5000 : i32
          %lt3A_345 = vector.broadcast %lt3A_344 : i32 to vector<16xi32>
          %lt3A_346 = arith.cmpi slt, %sub3A_340, %lt3A_345 : vector<16xi32>
          %and3A_347 = arith.andi %ge3A_343, %lt3A_346 : vector<16xi1>
          %jit3A_348 = arith.constant 5000 : i32
          %broadcast_in_dim3A_349 = vector.broadcast %jit3A_348 : i32 to vector<16xi32>
          %select_n3A_350 = arith.select %and3A_347, %sub3A_340, %broadcast_in_dim3A_349 : vector<16xi1>, vector<16xi32>
          %swap3A_351 = arith.constant 16 : index
          %swap3A_352 = tpu.vector_load %arg12[%swap3A_351] {strides = array<i32>} : memref<128xi32, #tpu.memory_space<vmem>>, vector<16xi32>,
          %swap3A_353 = vector.shape_cast %swap3A_352 : vector<16xi32> to vector<16xi32>
          %swap3A_354 = vector.shape_cast %select_n3A_350 : vector<16xi32> to vector<16xi32>
          tpu.vector_store %arg12[%swap3A_351], %swap3A_354 {strides = array<i32>} : memref<128xi32, #tpu.memory_space<vmem>>, vector<16xi32>,
          %get3A_355 = arith.constant 32 : index
          %get3A_356 = tpu.vector_load %arg12[%get3A_355] {strides = array<i32>} : memref<128xi32, #tpu.memory_space<vmem>>, vector<16xi32>,
          %get3A_357 = vector.shape_cast %get3A_356 : vector<16xi32> to vector<16xi32>
          %sub3A_358 = vector.broadcast %mul3A_0 : i32 to vector<16xi32>
          %sub3A_359 = arith.subi %get3A_357, %sub3A_358 : vector<16xi32>
          %ge3A_360 = arith.constant 0 : i32
          %ge3A_361 = vector.broadcast %ge3A_360 : i32 to vector<16xi32>
          %ge3A_362 = arith.cmpi sge, %sub3A_359, %ge3A_361 : vector<16xi32>
          %lt3A_363 = arith.constant 5000 : i32
          %lt3A_364 = vector.broadcast %lt3A_363 : i32 to vector<16xi32>
          %lt3A_365 = arith.cmpi slt, %sub3A_359, %lt3A_364 : vector<16xi32>
          %and3A_366 = arith.andi %ge3A_362, %lt3A_365 : vector<16xi1>
          %jit3A_367 = arith.constant 5000 : i32
          %broadcast_in_dim3A_368 = vector.broadcast %jit3A_367 : i32 to vector<16xi32>
          %select_n3A_369 = arith.select %and3A_366, %sub3A_359, %broadcast_in_dim3A_368 : vector<16xi1>, vector<16xi32>
          %swap3A_370 = arith.constant 32 : index
          %swap3A_371 = tpu.vector_load %arg12[%swap3A_370] {strides = array<i32>} : memref<128xi32, #tpu.memory_space<vmem>>, vector<16xi32>,
          %swap3A_372 = vector.shape_cast %swap3A_371 : vector<16xi32> to vector<16xi32>
          %swap3A_373 = vector.shape_cast %select_n3A_369 : vector<16xi32> to vector<16xi32>
          tpu.vector_store %arg12[%swap3A_370], %swap3A_373 {strides = array<i32>} : memref<128xi32, #tpu.memory_space<vmem>>, vector<16xi32>,
          %get3A_374 = arith.constant 48 : index
          %get3A_375 = tpu.vector_load %arg12[%get3A_374] {strides = array<i32>} : memref<128xi32, #tpu.memory_space<vmem>>, vector<16xi32>,
          %get3A_376 = vector.shape_cast %get3A_375 : vector<16xi32> to vector<16xi32>
          %sub3A_377 = vector.broadcast %mul3A_0 : i32 to vector<16xi32>
          %sub3A_378 = arith.subi %get3A_376, %sub3A_377 : vector<16xi32>
          %ge3A_379 = arith.constant 0 : i32
          %ge3A_380 = vector.broadcast %ge3A_379 : i32 to vector<16xi32>
          %ge3A_381 = arith.cmpi sge, %sub3A_378, %ge3A_380 : vector<16xi32>
          %lt3A_382 = arith.constant 5000 : i32
          %lt3A_383 = vector.broadcast %lt3A_382 : i32 to vector<16xi32>
          %lt3A_384 = arith.cmpi slt, %sub3A_378, %lt3A_383 : vector<16xi32>
          %and3A_385 = arith.andi %ge3A_381, %lt3A_384 : vector<16xi1>
          %jit3A_386 = arith.constant 5000 : i32
          %broadcast_in_dim3A_387 = vector.broadcast %jit3A_386 : i32 to vector<16xi32>
          %select_n3A_388 = arith.select %and3A_385, %sub3A_378, %broadcast_in_dim3A_387 : vector<16xi1>, vector<16xi32>
          %swap3A_389 = arith.constant 48 : index
          %swap3A_390 = tpu.vector_load %arg12[%swap3A_389] {strides = array<i32>} : memref<128xi32, #tpu.memory_space<vmem>>, vector<16xi32>,
          %swap3A_391 = vector.shape_cast %swap3A_390 : vector<16xi32> to vector<16xi32>
          %swap3A_392 = vector.shape_cast %select_n3A_388 : vector<16xi32> to vector<16xi32>
          tpu.vector_store %arg12[%swap3A_389], %swap3A_392 {strides = array<i32>} : memref<128xi32, #tpu.memory_space<vmem>>, vector<16xi32>,
          %get3A_393 = arith.constant 64 : index
          %get3A_394 = tpu.vector_load %arg12[%get3A_393] {strides = array<i32>} : memref<128xi32, #tpu.memory_space<vmem>>, vector<16xi32>,
          %get3A_395 = vector.shape_cast %get3A_394 : vector<16xi32> to vector<16xi32>
          %sub3A_396 = vector.broadcast %mul3A_0 : i32 to vector<16xi32>
          %sub3A_397 = arith.subi %get3A_395, %sub3A_396 : vector<16xi32>
          %ge3A_398 = arith.constant 0 : i32
          %ge3A_399 = vector.broadcast %ge3A_398 : i32 to vector<16xi32>
          %ge3A_400 = arith.cmpi sge, %sub3A_397, %ge3A_399 : vector<16xi32>
          %lt3A_401 = arith.constant 5000 : i32
          %lt3A_402 = vector.broadcast %lt3A_401 : i32 to vector<16xi32>
          %lt3A_403 = arith.cmpi slt, %sub3A_397, %lt3A_402 : vector<16xi32>
          %and3A_404 = arith.andi %ge3A_400, %lt3A_403 : vector<16xi1>
          %jit3A_405 = arith.constant 5000 : i32
          %broadcast_in_dim3A_406 = vector.broadcast %jit3A_405 : i32 to vector<16xi32>
          %select_n3A_407 = arith.select %and3A_404, %sub3A_397, %broadcast_in_dim3A_406 : vector<16xi1>, vector<16xi32>
          %swap3A_408 = arith.constant 64 : index
          %swap3A_409 = tpu.vector_load %arg12[%swap3A_408] {strides = array<i32>} : memref<128xi32, #tpu.memory_space<vmem>>, vector<16xi32>,
          %swap3A_410 = vector.shape_cast %swap3A_409 : vector<16xi32> to vector<16xi32>
          %swap3A_411 = vector.shape_cast %select_n3A_407 : vector<16xi32> to vector<16xi32>
          tpu.vector_store %arg12[%swap3A_408], %swap3A_411 {strides = array<i32>} : memref<128xi32, #tpu.memory_space<vmem>>, vector<16xi32>,
          %get3A_412 = arith.constant 80 : index
          %get3A_413 = tpu.vector_load %arg12[%get3A_412] {strides = array<i32>} : memref<128xi32, #tpu.memory_space<vmem>>, vector<16xi32>,
          %get3A_414 = vector.shape_cast %get3A_413 : vector<16xi32> to vector<16xi32>
          %sub3A_415 = vector.broadcast %mul3A_0 : i32 to vector<16xi32>
          %sub3A_416 = arith.subi %get3A_414, %sub3A_415 : vector<16xi32>
          %ge3A_417 = arith.constant 0 : i32
          %ge3A_418 = vector.broadcast %ge3A_417 : i32 to vector<16xi32>
          %ge3A_419 = arith.cmpi sge, %sub3A_416, %ge3A_418 : vector<16xi32>
          %lt3A_420 = arith.constant 5000 : i32
          %lt3A_421 = vector.broadcast %lt3A_420 : i32 to vector<16xi32>
          %lt3A_422 = arith.cmpi slt, %sub3A_416, %lt3A_421 : vector<16xi32>
          %and3A_423 = arith.andi %ge3A_419, %lt3A_422 : vector<16xi1>
          %jit3A_424 = arith.constant 5000 : i32
          %broadcast_in_dim3A_425 = vector.broadcast %jit3A_424 : i32 to vector<16xi32>
          %select_n3A_426 = arith.select %and3A_423, %sub3A_416, %broadcast_in_dim3A_425 : vector<16xi1>, vector<16xi32>
          %swap3A_427 = arith.constant 80 : index
          %swap3A_428 = tpu.vector_load %arg12[%swap3A_427] {strides = array<i32>} : memref<128xi32, #tpu.memory_space<vmem>>, vector<16xi32>,
          %swap3A_429 = vector.shape_cast %swap3A_428 : vector<16xi32> to vector<16xi32>
          %swap3A_430 = vector.shape_cast %select_n3A_426 : vector<16xi32> to vector<16xi32>
          tpu.vector_store %arg12[%swap3A_427], %swap3A_430 {strides = array<i32>} : memref<128xi32, #tpu.memory_space<vmem>>, vector<16xi32>,
          %get3A_431 = arith.constant 96 : index
          %get3A_432 = tpu.vector_load %arg12[%get3A_431] {strides = array<i32>} : memref<128xi32, #tpu.memory_space<vmem>>, vector<16xi32>,
          %get3A_433 = vector.shape_cast %get3A_432 : vector<16xi32> to vector<16xi32>
          %sub3A_434 = vector.broadcast %mul3A_0 : i32 to vector<16xi32>
          %sub3A_435 = arith.subi %get3A_433, %sub3A_434 : vector<16xi32>
          %ge3A_436 = arith.constant 0 : i32
          %ge3A_437 = vector.broadcast %ge3A_436 : i32 to vector<16xi32>
          %ge3A_438 = arith.cmpi sge, %sub3A_435, %ge3A_437 : vector<16xi32>
          %lt3A_439 = arith.constant 5000 : i32
          %lt3A_440 = vector.broadcast %lt3A_439 : i32 to vector<16xi32>
          %lt3A_441 = arith.cmpi slt, %sub3A_435, %lt3A_440 : vector<16xi32>
          %and3A_442 = arith.andi %ge3A_438, %lt3A_441 : vector<16xi1>
          %jit3A_443 = arith.constant 5000 : i32
          %broadcast_in_dim3A_444 = vector.broadcast %jit3A_443 : i32 to vector<16xi32>
          %select_n3A_445 = arith.select %and3A_442, %sub3A_435, %broadcast_in_dim3A_444 : vector<16xi1>, vector<16xi32>
          %swap3A_446 = arith.constant 96 : index
          %swap3A_447 = tpu.vector_load %arg12[%swap3A_446] {strides = array<i32>} : memref<128xi32, #tpu.memory_space<vmem>>, vector<16xi32>,
          %swap3A_448 = vector.shape_cast %swap3A_447 : vector<16xi32> to vector<16xi32>
          %swap3A_449 = vector.shape_cast %select_n3A_445 : vector<16xi32> to vector<16xi32>
          tpu.vector_store %arg12[%swap3A_446], %swap3A_449 {strides = array<i32>} : memref<128xi32, #tpu.memory_space<vmem>>, vector<16xi32>,
          %get3A_450 = arith.constant 112 : index
          %get3A_451 = tpu.vector_load %arg12[%get3A_450] {strides = array<i32>} : memref<128xi32, #tpu.memory_space<vmem>>, vector<16xi32>,
          %get3A_452 = vector.shape_cast %get3A_451 : vector<16xi32> to vector<16xi32>
          %sub3A_453 = vector.broadcast %mul3A_0 : i32 to vector<16xi32>
          %sub3A_454 = arith.subi %get3A_452, %sub3A_453 : vector<16xi32>
          %ge3A_455 = arith.constant 0 : i32
          %ge3A_456 = vector.broadcast %ge3A_455 : i32 to vector<16xi32>
          %ge3A_457 = arith.cmpi sge, %sub3A_454, %ge3A_456 : vector<16xi32>
          %lt3A_458 = arith.constant 5000 : i32
          %lt3A_459 = vector.broadcast %lt3A_458 : i32 to vector<16xi32>
          %lt3A_460 = arith.cmpi slt, %sub3A_454, %lt3A_459 : vector<16xi32>
          %and3A_461 = arith.andi %ge3A_457, %lt3A_460 : vector<16xi1>
          %jit3A_462 = arith.constant 5000 : i32
          %broadcast_in_dim3A_463 = vector.broadcast %jit3A_462 : i32 to vector<16xi32>
          %select_n3A_464 = arith.select %and3A_461, %sub3A_454, %broadcast_in_dim3A_463 : vector<16xi1>, vector<16xi32>
          %swap3A_465 = arith.constant 112 : index
          %swap3A_466 = tpu.vector_load %arg12[%swap3A_465] {strides = array<i32>} : memref<128xi32, #tpu.memory_space<vmem>>, vector<16xi32>,
          %swap3A_467 = vector.shape_cast %swap3A_466 : vector<16xi32> to vector<16xi32>
          %swap3A_468 = vector.shape_cast %select_n3A_464 : vector<16xi32> to vector<16xi32>
          tpu.vector_store %arg12[%swap3A_465], %swap3A_468 {strides = array<i32>} : memref<128xi32, #tpu.memory_space<vmem>>, vector<16xi32>,
          "tpu.region"() ({
            %run_scoped3A = tpu.sem_alloc : memref<!tpu.dma_semaphore, #tpu.memory_space<semaphore_mem>>
            %dma_start3A = arith.constant 0 : i32
            %dma_start3A_469 = arith.constant 0 : i32
            %dma_start3A_470 = tpu.memref_slice %arg9[%dma_start3A, %dma_start3A_469] : memref<5120x128xf32, #tpu.memory_space<vmem_shared>> -> memref<5120x128xf32, #tpu.memory_space<vmem_shared>>
            tpu.enqueue_indirect_dma source(%arg11 : memref<128x128xf32, #tpu.memory_space<vmem>>) target(%dma_start3A_470 : memref<5120x128xf32, #tpu.memory_space<vmem_shared>>) offsets(%arg12 : memref<128xi32, #tpu.memory_space<vmem>>) semaphore(%run_scoped3A : memref<!tpu.dma_semaphore, #tpu.memory_space<semaphore_mem>>) {add = true}
            %dma_wait3A_471 = arith.constant 0 : i32
            %dma_wait3A_472 = arith.constant 0 : i32
            %dma_wait3A_473 = tpu.memref_slice %arg9[%dma_wait3A_471, %dma_wait3A_472] : memref<5120x128xf32, #tpu.memory_space<vmem_shared>> -> memref<5120x128xf32, #tpu.memory_space<vmem_shared>>
            tpu.wait_indirect_dma semaphore(%run_scoped3A : memref<!tpu.dma_semaphore, #tpu.memory_space<semaphore_mem>>) src(%arg11 : memref<128x128xf32, #tpu.memory_space<vmem>>) dst(%dma_wait3A_473 : memref<5120x128xf32, #tpu.memory_space<vmem_shared>>)
            tpu.yield
          }) : () -> ()
        } else {
        }
      } else {
      }
      %jit3A_281 = arith.constant 2 : i32
      %eq3A_282 = arith.constant 0 : i32
      %eq3A_283 = arith.cmpi eq, %jit3A_281, %eq3A_282 : i32
      %jit3A_284 = arith.constant 1 : i32
      %select_n3A_285 = arith.select %eq3A_283, %jit3A_284, %jit3A_281 : i32
      %rem3A_286 = arith.remsi %while3A_252, %select_n3A_285 : i32
      %ne3A_287 = arith.constant 0 : i32
      %ne3A_288 = arith.cmpi ne, %rem3A_286, %ne3A_287 : i32
      %lt3A_289 = arith.constant 0 : i32
      %lt3A_290 = arith.cmpi slt, %rem3A_286, %lt3A_289 : i32
      %lt3A_291 = arith.constant 0 : i32
      %lt3A_292 = arith.cmpi slt, %select_n3A_285, %lt3A_291 : i32
      %ne3A_293 = arith.xori %lt3A_290, %lt3A_292 : i1
      %and3A_294 = arith.andi %ne3A_293, %ne3A_288 : i1
      %add3A_295 = arith.addi %rem3A_286, %select_n3A_285 : i32
      %select_n3A_296 = arith.select %and3A_294, %add3A_295, %rem3A_286 : i32
      %eq3A_297 = arith.constant 1 : i32
      %eq3A_298 = arith.cmpi eq, %select_n3A_296, %eq3A_297 : i32
      %convert_element_type3A_299 = arith.extui %eq3A_298 : i1 to i32
      %cond3A_300 = arith.constant 0 : i32
      %cond3A_301 = arith.cmpi ne, %convert_element_type3A_299, %cond3A_300 : i32
      scf.if %cond3A_301 {
        %lt3A_303 = arith.cmpi slt, %add3A_259, %select_n3A_147 : i32
        %convert_element_type3A_304 = arith.extui %lt3A_303 : i1 to i32
        %cond3A_305 = arith.constant 0 : i32
        %cond3A_306 = arith.cmpi ne, %convert_element_type3A_304, %cond3A_305 : i32
        scf.if %cond3A_306 {
          %mul3A_311 = arith.constant 128 : i32
          %mul3A_312 = arith.muli %add3A_259, %mul3A_311 : i32
          %dma_start3A = arith.constant 0 : i32
          %dma_start3A_313 = tpu.memref_slice %arg4[%mul3A_312, %dma_start3A] : memref<100000x128xf32, #tpu.memory_space<hbm>> -> memref<128x128xf32, #tpu.memory_space<hbm>>
          %dma_start3A_314 = arith.constant 0 : i32
          %dma_start3A_315 = tpu.memref_slice %arg4[%mul3A_312, %dma_start3A_314] : memref<100000x128xf32, #tpu.memory_space<hbm>> -> memref<128x128xf32, #tpu.memory_space<hbm>>
          tpu.enqueue_dma source(%dma_start3A_315 : memref<128x128xf32, #tpu.memory_space<hbm>>) target(%arg11 : memref<128x128xf32, #tpu.memory_space<vmem>>) target_semaphore(%arg15 : memref<!tpu.dma_semaphore, #tpu.memory_space<semaphore_mem>>)
          %mul3A_316 = arith.constant 128 : i32
          %mul3A_317 = arith.muli %add3A_259, %mul3A_316 : i32
          %dma_start3A_318 = tpu.memref_slice %arg5[%mul3A_317] : memref<100000xi32, #tpu.memory_space<hbm>> -> memref<128xi32, #tpu.memory_space<hbm>>
          %dma_start3A_319 = tpu.memref_slice %arg5[%mul3A_317] : memref<100000xi32, #tpu.memory_space<hbm>> -> memref<128xi32, #tpu.memory_space<hbm>>
          tpu.enqueue_dma source(%dma_start3A_319 : memref<128xi32, #tpu.memory_space<hbm>>) target(%arg12 : memref<128xi32, #tpu.memory_space<vmem>>) target_semaphore(%arg15 : memref<!tpu.dma_semaphore, #tpu.memory_space<semaphore_mem>>)
        } else {
        }
        %lt3A_307 = arith.cmpi slt, %add3A_257, %select_n3A_147 : i32
        %convert_element_type3A_308 = arith.extui %lt3A_307 : i1 to i32
        %cond3A_309 = arith.constant 0 : i32
        %cond3A_310 = arith.cmpi ne, %convert_element_type3A_308, %cond3A_309 : i32
        scf.if %cond3A_310 {
          %mul3A_311 = arith.constant 128 : i32
          %mul3A_312 = arith.muli %add3A_257, %mul3A_311 : i32
          %dma_wait3A = arith.constant 0 : i32
          %dma_wait3A_313 = tpu.memref_slice %arg4[%mul3A_312, %dma_wait3A] : memref<100000x128xf32, #tpu.memory_space<hbm>> -> memref<128x128xf32, #tpu.memory_space<hbm>>
          %dma_wait3A_314 = arith.constant 0 : i32
          %dma_wait3A_315 = tpu.memref_slice %arg4[%mul3A_312, %dma_wait3A_314] : memref<100000x128xf32, #tpu.memory_space<hbm>> -> memref<128x128xf32, #tpu.memory_space<hbm>>
          tpu.wait_dma2 semaphore(%arg16 : memref<!tpu.dma_semaphore, #tpu.memory_space<semaphore_mem>>) src(%dma_wait3A_315 : memref<128x128xf32, #tpu.memory_space<hbm>>) dst(%arg13 : memref<128x128xf32, #tpu.memory_space<vmem>>)
          %mul3A_316 = arith.constant 128 : i32
          %mul3A_317 = arith.muli %add3A_257, %mul3A_316 : i32
          %dma_wait3A_318 = tpu.memref_slice %arg5[%mul3A_317] : memref<100000xi32, #tpu.memory_space<hbm>> -> memref<128xi32, #tpu.memory_space<hbm>>
          %dma_wait3A_319 = tpu.memref_slice %arg5[%mul3A_317] : memref<100000xi32, #tpu.memory_space<hbm>> -> memref<128xi32, #tpu.memory_space<hbm>>
          tpu.wait_dma2 semaphore(%arg16 : memref<!tpu.dma_semaphore, #tpu.memory_space<semaphore_mem>>) src(%dma_wait3A_319 : memref<128xi32, #tpu.memory_space<hbm>>) dst(%arg14 : memref<128xi32, #tpu.memory_space<vmem>>)
          %get3A_320 = arith.constant 0 : index
          %get3A_321 = tpu.vector_load %arg14[%get3A_320] {strides = array<i32>} : memref<128xi32, #tpu.memory_space<vmem>>, vector<16xi32>,
          %get3A_322 = vector.shape_cast %get3A_321 : vector<16xi32> to vector<16xi32>
          %sub3A_323 = vector.broadcast %mul3A_0 : i32 to vector<16xi32>
          %sub3A_324 = arith.subi %get3A_322, %sub3A_323 : vector<16xi32>
          %ge3A = arith.constant 0 : i32
          %ge3A_325 = vector.broadcast %ge3A : i32 to vector<16xi32>
          %ge3A_326 = arith.cmpi sge, %sub3A_324, %ge3A_325 : vector<16xi32>
          %lt3A_327 = arith.constant 5000 : i32
          %lt3A_328 = vector.broadcast %lt3A_327 : i32 to vector<16xi32>
          %lt3A_329 = arith.cmpi slt, %sub3A_324, %lt3A_328 : vector<16xi32>
          %and3A_330 = arith.andi %ge3A_326, %lt3A_329 : vector<16xi1>
          %jit3A_331 = arith.constant 5000 : i32
          %broadcast_in_dim3A = vector.broadcast %jit3A_331 : i32 to vector<16xi32>
          %select_n3A_332 = arith.select %and3A_330, %sub3A_324, %broadcast_in_dim3A : vector<16xi1>, vector<16xi32>
          %swap3A = arith.constant 0 : index
          %swap3A_333 = tpu.vector_load %arg14[%swap3A] {strides = array<i32>} : memref<128xi32, #tpu.memory_space<vmem>>, vector<16xi32>,
          %swap3A_334 = vector.shape_cast %swap3A_333 : vector<16xi32> to vector<16xi32>
          %swap3A_335 = vector.shape_cast %select_n3A_332 : vector<16xi32> to vector<16xi32>
          tpu.vector_store %arg14[%swap3A], %swap3A_335 {strides = array<i32>} : memref<128xi32, #tpu.memory_space<vmem>>, vector<16xi32>,
          %get3A_336 = arith.constant 16 : index
          %get3A_337 = tpu.vector_load %arg14[%get3A_336] {strides = array<i32>} : memref<128xi32, #tpu.memory_space<vmem>>, vector<16xi32>,
          %get3A_338 = vector.shape_cast %get3A_337 : vector<16xi32> to vector<16xi32>
          %sub3A_339 = vector.broadcast %mul3A_0 : i32 to vector<16xi32>
          %sub3A_340 = arith.subi %get3A_338, %sub3A_339 : vector<16xi32>
          %ge3A_341 = arith.constant 0 : i32
          %ge3A_342 = vector.broadcast %ge3A_341 : i32 to vector<16xi32>
          %ge3A_343 = arith.cmpi sge, %sub3A_340, %ge3A_342 : vector<16xi32>
          %lt3A_344 = arith.constant 5000 : i32
          %lt3A_345 = vector.broadcast %lt3A_344 : i32 to vector<16xi32>
          %lt3A_346 = arith.cmpi slt, %sub3A_340, %lt3A_345 : vector<16xi32>
          %and3A_347 = arith.andi %ge3A_343, %lt3A_346 : vector<16xi1>
          %jit3A_348 = arith.constant 5000 : i32
          %broadcast_in_dim3A_349 = vector.broadcast %jit3A_348 : i32 to vector<16xi32>
          %select_n3A_350 = arith.select %and3A_347, %sub3A_340, %broadcast_in_dim3A_349 : vector<16xi1>, vector<16xi32>
          %swap3A_351 = arith.constant 16 : index
          %swap3A_352 = tpu.vector_load %arg14[%swap3A_351] {strides = array<i32>} : memref<128xi32, #tpu.memory_space<vmem>>, vector<16xi32>,
          %swap3A_353 = vector.shape_cast %swap3A_352 : vector<16xi32> to vector<16xi32>
          %swap3A_354 = vector.shape_cast %select_n3A_350 : vector<16xi32> to vector<16xi32>
          tpu.vector_store %arg14[%swap3A_351], %swap3A_354 {strides = array<i32>} : memref<128xi32, #tpu.memory_space<vmem>>, vector<16xi32>,
          %get3A_355 = arith.constant 32 : index
          %get3A_356 = tpu.vector_load %arg14[%get3A_355] {strides = array<i32>} : memref<128xi32, #tpu.memory_space<vmem>>, vector<16xi32>,
          %get3A_357 = vector.shape_cast %get3A_356 : vector<16xi32> to vector<16xi32>
          %sub3A_358 = vector.broadcast %mul3A_0 : i32 to vector<16xi32>
          %sub3A_359 = arith.subi %get3A_357, %sub3A_358 : vector<16xi32>
          %ge3A_360 = arith.constant 0 : i32
          %ge3A_361 = vector.broadcast %ge3A_360 : i32 to vector<16xi32>
          %ge3A_362 = arith.cmpi sge, %sub3A_359, %ge3A_361 : vector<16xi32>
          %lt3A_363 = arith.constant 5000 : i32
          %lt3A_364 = vector.broadcast %lt3A_363 : i32 to vector<16xi32>
          %lt3A_365 = arith.cmpi slt, %sub3A_359, %lt3A_364 : vector<16xi32>
          %and3A_366 = arith.andi %ge3A_362, %lt3A_365 : vector<16xi1>
          %jit3A_367 = arith.constant 5000 : i32
          %broadcast_in_dim3A_368 = vector.broadcast %jit3A_367 : i32 to vector<16xi32>
          %select_n3A_369 = arith.select %and3A_366, %sub3A_359, %broadcast_in_dim3A_368 : vector<16xi1>, vector<16xi32>
          %swap3A_370 = arith.constant 32 : index
          %swap3A_371 = tpu.vector_load %arg14[%swap3A_370] {strides = array<i32>} : memref<128xi32, #tpu.memory_space<vmem>>, vector<16xi32>,
          %swap3A_372 = vector.shape_cast %swap3A_371 : vector<16xi32> to vector<16xi32>
          %swap3A_373 = vector.shape_cast %select_n3A_369 : vector<16xi32> to vector<16xi32>
          tpu.vector_store %arg14[%swap3A_370], %swap3A_373 {strides = array<i32>} : memref<128xi32, #tpu.memory_space<vmem>>, vector<16xi32>,
          %get3A_374 = arith.constant 48 : index
          %get3A_375 = tpu.vector_load %arg14[%get3A_374] {strides = array<i32>} : memref<128xi32, #tpu.memory_space<vmem>>, vector<16xi32>,
          %get3A_376 = vector.shape_cast %get3A_375 : vector<16xi32> to vector<16xi32>
          %sub3A_377 = vector.broadcast %mul3A_0 : i32 to vector<16xi32>
          %sub3A_378 = arith.subi %get3A_376, %sub3A_377 : vector<16xi32>
          %ge3A_379 = arith.constant 0 : i32
          %ge3A_380 = vector.broadcast %ge3A_379 : i32 to vector<16xi32>
          %ge3A_381 = arith.cmpi sge, %sub3A_378, %ge3A_380 : vector<16xi32>
          %lt3A_382 = arith.constant 5000 : i32
          %lt3A_383 = vector.broadcast %lt3A_382 : i32 to vector<16xi32>
          %lt3A_384 = arith.cmpi slt, %sub3A_378, %lt3A_383 : vector<16xi32>
          %and3A_385 = arith.andi %ge3A_381, %lt3A_384 : vector<16xi1>
          %jit3A_386 = arith.constant 5000 : i32
          %broadcast_in_dim3A_387 = vector.broadcast %jit3A_386 : i32 to vector<16xi32>
          %select_n3A_388 = arith.select %and3A_385, %sub3A_378, %broadcast_in_dim3A_387 : vector<16xi1>, vector<16xi32>
          %swap3A_389 = arith.constant 48 : index
          %swap3A_390 = tpu.vector_load %arg14[%swap3A_389] {strides = array<i32>} : memref<128xi32, #tpu.memory_space<vmem>>, vector<16xi32>,
          %swap3A_391 = vector.shape_cast %swap3A_390 : vector<16xi32> to vector<16xi32>
          %swap3A_392 = vector.shape_cast %select_n3A_388 : vector<16xi32> to vector<16xi32>
          tpu.vector_store %arg14[%swap3A_389], %swap3A_392 {strides = array<i32>} : memref<128xi32, #tpu.memory_space<vmem>>, vector<16xi32>,
          %get3A_393 = arith.constant 64 : index
          %get3A_394 = tpu.vector_load %arg14[%get3A_393] {strides = array<i32>} : memref<128xi32, #tpu.memory_space<vmem>>, vector<16xi32>,
          %get3A_395 = vector.shape_cast %get3A_394 : vector<16xi32> to vector<16xi32>
          %sub3A_396 = vector.broadcast %mul3A_0 : i32 to vector<16xi32>
          %sub3A_397 = arith.subi %get3A_395, %sub3A_396 : vector<16xi32>
          %ge3A_398 = arith.constant 0 : i32
          %ge3A_399 = vector.broadcast %ge3A_398 : i32 to vector<16xi32>
          %ge3A_400 = arith.cmpi sge, %sub3A_397, %ge3A_399 : vector<16xi32>
          %lt3A_401 = arith.constant 5000 : i32
          %lt3A_402 = vector.broadcast %lt3A_401 : i32 to vector<16xi32>
          %lt3A_403 = arith.cmpi slt, %sub3A_397, %lt3A_402 : vector<16xi32>
          %and3A_404 = arith.andi %ge3A_400, %lt3A_403 : vector<16xi1>
          %jit3A_405 = arith.constant 5000 : i32
          %broadcast_in_dim3A_406 = vector.broadcast %jit3A_405 : i32 to vector<16xi32>
          %select_n3A_407 = arith.select %and3A_404, %sub3A_397, %broadcast_in_dim3A_406 : vector<16xi1>, vector<16xi32>
          %swap3A_408 = arith.constant 64 : index
          %swap3A_409 = tpu.vector_load %arg14[%swap3A_408] {strides = array<i32>} : memref<128xi32, #tpu.memory_space<vmem>>, vector<16xi32>,
          %swap3A_410 = vector.shape_cast %swap3A_409 : vector<16xi32> to vector<16xi32>
          %swap3A_411 = vector.shape_cast %select_n3A_407 : vector<16xi32> to vector<16xi32>
          tpu.vector_store %arg14[%swap3A_408], %swap3A_411 {strides = array<i32>} : memref<128xi32, #tpu.memory_space<vmem>>, vector<16xi32>,
          %get3A_412 = arith.constant 80 : index
          %get3A_413 = tpu.vector_load %arg14[%get3A_412] {strides = array<i32>} : memref<128xi32, #tpu.memory_space<vmem>>, vector<16xi32>,
          %get3A_414 = vector.shape_cast %get3A_413 : vector<16xi32> to vector<16xi32>
          %sub3A_415 = vector.broadcast %mul3A_0 : i32 to vector<16xi32>
          %sub3A_416 = arith.subi %get3A_414, %sub3A_415 : vector<16xi32>
          %ge3A_417 = arith.constant 0 : i32
          %ge3A_418 = vector.broadcast %ge3A_417 : i32 to vector<16xi32>
          %ge3A_419 = arith.cmpi sge, %sub3A_416, %ge3A_418 : vector<16xi32>
          %lt3A_420 = arith.constant 5000 : i32
          %lt3A_421 = vector.broadcast %lt3A_420 : i32 to vector<16xi32>
          %lt3A_422 = arith.cmpi slt, %sub3A_416, %lt3A_421 : vector<16xi32>
          %and3A_423 = arith.andi %ge3A_419, %lt3A_422 : vector<16xi1>
          %jit3A_424 = arith.constant 5000 : i32
          %broadcast_in_dim3A_425 = vector.broadcast %jit3A_424 : i32 to vector<16xi32>
          %select_n3A_426 = arith.select %and3A_423, %sub3A_416, %broadcast_in_dim3A_425 : vector<16xi1>, vector<16xi32>
          %swap3A_427 = arith.constant 80 : index
          %swap3A_428 = tpu.vector_load %arg14[%swap3A_427] {strides = array<i32>} : memref<128xi32, #tpu.memory_space<vmem>>, vector<16xi32>,
          %swap3A_429 = vector.shape_cast %swap3A_428 : vector<16xi32> to vector<16xi32>
          %swap3A_430 = vector.shape_cast %select_n3A_426 : vector<16xi32> to vector<16xi32>
          tpu.vector_store %arg14[%swap3A_427], %swap3A_430 {strides = array<i32>} : memref<128xi32, #tpu.memory_space<vmem>>, vector<16xi32>,
          %get3A_431 = arith.constant 96 : index
          %get3A_432 = tpu.vector_load %arg14[%get3A_431] {strides = array<i32>} : memref<128xi32, #tpu.memory_space<vmem>>, vector<16xi32>,
          %get3A_433 = vector.shape_cast %get3A_432 : vector<16xi32> to vector<16xi32>
          %sub3A_434 = vector.broadcast %mul3A_0 : i32 to vector<16xi32>
          %sub3A_435 = arith.subi %get3A_433, %sub3A_434 : vector<16xi32>
          %ge3A_436 = arith.constant 0 : i32
          %ge3A_437 = vector.broadcast %ge3A_436 : i32 to vector<16xi32>
          %ge3A_438 = arith.cmpi sge, %sub3A_435, %ge3A_437 : vector<16xi32>
          %lt3A_439 = arith.constant 5000 : i32
          %lt3A_440 = vector.broadcast %lt3A_439 : i32 to vector<16xi32>
          %lt3A_441 = arith.cmpi slt, %sub3A_435, %lt3A_440 : vector<16xi32>
          %and3A_442 = arith.andi %ge3A_438, %lt3A_441 : vector<16xi1>
          %jit3A_443 = arith.constant 5000 : i32
          %broadcast_in_dim3A_444 = vector.broadcast %jit3A_443 : i32 to vector<16xi32>
          %select_n3A_445 = arith.select %and3A_442, %sub3A_435, %broadcast_in_dim3A_444 : vector<16xi1>, vector<16xi32>
          %swap3A_446 = arith.constant 96 : index
          %swap3A_447 = tpu.vector_load %arg14[%swap3A_446] {strides = array<i32>} : memref<128xi32, #tpu.memory_space<vmem>>, vector<16xi32>,
          %swap3A_448 = vector.shape_cast %swap3A_447 : vector<16xi32> to vector<16xi32>
          %swap3A_449 = vector.shape_cast %select_n3A_445 : vector<16xi32> to vector<16xi32>
          tpu.vector_store %arg14[%swap3A_446], %swap3A_449 {strides = array<i32>} : memref<128xi32, #tpu.memory_space<vmem>>, vector<16xi32>,
          %get3A_450 = arith.constant 112 : index
          %get3A_451 = tpu.vector_load %arg14[%get3A_450] {strides = array<i32>} : memref<128xi32, #tpu.memory_space<vmem>>, vector<16xi32>,
          %get3A_452 = vector.shape_cast %get3A_451 : vector<16xi32> to vector<16xi32>
          %sub3A_453 = vector.broadcast %mul3A_0 : i32 to vector<16xi32>
          %sub3A_454 = arith.subi %get3A_452, %sub3A_453 : vector<16xi32>
          %ge3A_455 = arith.constant 0 : i32
          %ge3A_456 = vector.broadcast %ge3A_455 : i32 to vector<16xi32>
          %ge3A_457 = arith.cmpi sge, %sub3A_454, %ge3A_456 : vector<16xi32>
          %lt3A_458 = arith.constant 5000 : i32
          %lt3A_459 = vector.broadcast %lt3A_458 : i32 to vector<16xi32>
          %lt3A_460 = arith.cmpi slt, %sub3A_454, %lt3A_459 : vector<16xi32>
          %and3A_461 = arith.andi %ge3A_457, %lt3A_460 : vector<16xi1>
          %jit3A_462 = arith.constant 5000 : i32
          %broadcast_in_dim3A_463 = vector.broadcast %jit3A_462 : i32 to vector<16xi32>
          %select_n3A_464 = arith.select %and3A_461, %sub3A_454, %broadcast_in_dim3A_463 : vector<16xi1>, vector<16xi32>
          %swap3A_465 = arith.constant 112 : index
          %swap3A_466 = tpu.vector_load %arg14[%swap3A_465] {strides = array<i32>} : memref<128xi32, #tpu.memory_space<vmem>>, vector<16xi32>,
          %swap3A_467 = vector.shape_cast %swap3A_466 : vector<16xi32> to vector<16xi32>
          %swap3A_468 = vector.shape_cast %select_n3A_464 : vector<16xi32> to vector<16xi32>
          tpu.vector_store %arg14[%swap3A_465], %swap3A_468 {strides = array<i32>} : memref<128xi32, #tpu.memory_space<vmem>>, vector<16xi32>,
          "tpu.region"() ({
            %run_scoped3A = tpu.sem_alloc : memref<!tpu.dma_semaphore, #tpu.memory_space<semaphore_mem>>
            %dma_start3A = arith.constant 0 : i32
            %dma_start3A_469 = arith.constant 0 : i32
            %dma_start3A_470 = tpu.memref_slice %arg9[%dma_start3A, %dma_start3A_469] : memref<5120x128xf32, #tpu.memory_space<vmem_shared>> -> memref<5120x128xf32, #tpu.memory_space<vmem_shared>>
            tpu.enqueue_indirect_dma source(%arg13 : memref<128x128xf32, #tpu.memory_space<vmem>>) target(%dma_start3A_470 : memref<5120x128xf32, #tpu.memory_space<vmem_shared>>) offsets(%arg14 : memref<128xi32, #tpu.memory_space<vmem>>) semaphore(%run_scoped3A : memref<!tpu.dma_semaphore, #tpu.memory_space<semaphore_mem>>) {add = true}
            %dma_wait3A_471 = arith.constant 0 : i32
            %dma_wait3A_472 = arith.constant 0 : i32
            %dma_wait3A_473 = tpu.memref_slice %arg9[%dma_wait3A_471, %dma_wait3A_472] : memref<5120x128xf32, #tpu.memory_space<vmem_shared>> -> memref<5120x128xf32, #tpu.memory_space<vmem_shared>>
            tpu.wait_indirect_dma semaphore(%run_scoped3A : memref<!tpu.dma_semaphore, #tpu.memory_space<semaphore_mem>>) src(%arg13 : memref<128x128xf32, #tpu.memory_space<vmem>>) dst(%dma_wait3A_473 : memref<5120x128xf32, #tpu.memory_space<vmem_shared>>)
            tpu.yield
          }) : () -> ()
        } else {
        }
      } else {
      }
      %while3A_302 = arith.constant 0 : i32
      scf.yield %while3A_302 : i32
    }
    %eq3A_236 = arith.constant 15 : i32
    %eq3A_237 = arith.cmpi eq, %arg1, %eq3A_236 : i32
    %convert_element_type3A_238 = arith.extui %eq3A_237 : i1 to i32
    %cond3A_239 = arith.constant 0 : i32
    %cond3A_240 = arith.cmpi ne, %convert_element_type3A_238, %cond3A_239 : i32
    scf.if %cond3A_240 {
      "tpu.region"() ({
        %run_scoped3A = tpu.sem_alloc : memref<!tpu.dma_semaphore, #tpu.memory_space<semaphore_mem>>
        %dma_start3A = arith.constant 99968 : i32
        %dma_start3A_287 = arith.constant 0 : i32
        %dma_start3A_288 = tpu.memref_slice %arg4[%dma_start3A, %dma_start3A_287] : memref<100000x128xf32, #tpu.memory_space<hbm>> -> memref<32x128xf32, #tpu.memory_space<hbm>>
        %dma_start3A_289 = arith.constant 99968 : i32
        %dma_start3A_290 = arith.constant 0 : i32
        %dma_start3A_291 = tpu.memref_slice %arg4[%dma_start3A_289, %dma_start3A_290] : memref<100000x128xf32, #tpu.memory_space<hbm>> -> memref<32x128xf32, #tpu.memory_space<hbm>>
        tpu.enqueue_dma source(%dma_start3A_291 : memref<32x128xf32, #tpu.memory_space<hbm>>) target(%arg17 : memref<32x128xf32, #tpu.memory_space<vmem>>) target_semaphore(%run_scoped3A : memref<!tpu.dma_semaphore, #tpu.memory_space<semaphore_mem>>)
        %dma_wait3A = arith.constant 99968 : i32
        %dma_wait3A_292 = arith.constant 0 : i32
        %dma_wait3A_293 = tpu.memref_slice %arg4[%dma_wait3A, %dma_wait3A_292] : memref<100000x128xf32, #tpu.memory_space<hbm>> -> memref<32x128xf32, #tpu.memory_space<hbm>>
        %dma_wait3A_294 = arith.constant 99968 : i32
        %dma_wait3A_295 = arith.constant 0 : i32
        %dma_wait3A_296 = tpu.memref_slice %arg4[%dma_wait3A_294, %dma_wait3A_295] : memref<100000x128xf32, #tpu.memory_space<hbm>> -> memref<32x128xf32, #tpu.memory_space<hbm>>
        tpu.wait_dma2 semaphore(%run_scoped3A : memref<!tpu.dma_semaphore, #tpu.memory_space<semaphore_mem>>) src(%dma_wait3A_296 : memref<32x128xf32, #tpu.memory_space<hbm>>) dst(%arg17 : memref<32x128xf32, #tpu.memory_space<vmem>>)
        tpu.yield
      }) : () -> ()
      "tpu.region"() ({
        %run_scoped3A = tpu.sem_alloc : memref<!tpu.dma_semaphore, #tpu.memory_space<semaphore_mem>>
        %dma_start3A = arith.constant 99968 : i32
        %dma_start3A_287 = tpu.memref_slice %arg5[%dma_start3A] : memref<100000xi32, #tpu.memory_space<hbm>> -> memref<32xi32, #tpu.memory_space<hbm>>
        %dma_start3A_288 = arith.constant 99968 : i32
        %dma_start3A_289 = tpu.memref_slice %arg5[%dma_start3A_288] : memref<100000xi32, #tpu.memory_space<hbm>> -> memref<32xi32, #tpu.memory_space<hbm>>
        tpu.enqueue_dma source(%dma_start3A_289 : memref<32xi32, #tpu.memory_space<hbm>>) target(%arg18 : memref<32xi32, #tpu.memory_space<vmem>>) target_semaphore(%run_scoped3A : memref<!tpu.dma_semaphore, #tpu.memory_space<semaphore_mem>>)
        %dma_wait3A = arith.constant 99968 : i32
        %dma_wait3A_290 = tpu.memref_slice %arg5[%dma_wait3A] : memref<100000xi32, #tpu.memory_space<hbm>> -> memref<32xi32, #tpu.memory_space<hbm>>
        %dma_wait3A_291 = arith.constant 99968 : i32
        %dma_wait3A_292 = tpu.memref_slice %arg5[%dma_wait3A_291] : memref<100000xi32, #tpu.memory_space<hbm>> -> memref<32xi32, #tpu.memory_space<hbm>>
        tpu.wait_dma2 semaphore(%run_scoped3A : memref<!tpu.dma_semaphore, #tpu.memory_space<semaphore_mem>>) src(%dma_wait3A_292 : memref<32xi32, #tpu.memory_space<hbm>>) dst(%arg18 : memref<32xi32, #tpu.memory_space<vmem>>)
        tpu.yield
      }) : () -> ()
      %get3A_252 = arith.constant 0 : index
      %get3A_253 = tpu.vector_load %arg18[%get3A_252] {strides = array<i32>} : memref<32xi32, #tpu.memory_space<vmem>>, vector<16xi32>,
      %get3A_254 = vector.shape_cast %get3A_253 : vector<16xi32> to vector<16xi32>
      %sub3A_255 = vector.broadcast %mul3A_0 : i32 to vector<16xi32>
      %sub3A_256 = arith.subi %get3A_254, %sub3A_255 : vector<16xi32>
      %ge3A = arith.constant 0 : i32
      %ge3A_257 = vector.broadcast %ge3A : i32 to vector<16xi32>
      %ge3A_258 = arith.cmpi sge, %sub3A_256, %ge3A_257 : vector<16xi32>
      %lt3A_259 = arith.constant 5000 : i32
      %lt3A_260 = vector.broadcast %lt3A_259 : i32 to vector<16xi32>
      %lt3A_261 = arith.cmpi slt, %sub3A_256, %lt3A_260 : vector<16xi32>
      %and3A_262 = arith.andi %ge3A_258, %lt3A_261 : vector<16xi1>
      %jit3A_263 = arith.constant 5000 : i32
      %broadcast_in_dim3A = vector.broadcast %jit3A_263 : i32 to vector<16xi32>
      %select_n3A_264 = arith.select %and3A_262, %sub3A_256, %broadcast_in_dim3A : vector<16xi1>, vector<16xi32>
      %swap3A = arith.constant 0 : index
      %swap3A_265 = tpu.vector_load %arg18[%swap3A] {strides = array<i32>} : memref<32xi32, #tpu.memory_space<vmem>>, vector<16xi32>,
      %swap3A_266 = vector.shape_cast %swap3A_265 : vector<16xi32> to vector<16xi32>
      %swap3A_267 = vector.shape_cast %select_n3A_264 : vector<16xi32> to vector<16xi32>
      tpu.vector_store %arg18[%swap3A], %swap3A_267 {strides = array<i32>} : memref<32xi32, #tpu.memory_space<vmem>>, vector<16xi32>,
      %get3A_268 = arith.constant 16 : index
      %get3A_269 = tpu.vector_load %arg18[%get3A_268] {strides = array<i32>} : memref<32xi32, #tpu.memory_space<vmem>>, vector<16xi32>,
      %get3A_270 = vector.shape_cast %get3A_269 : vector<16xi32> to vector<16xi32>
      %sub3A_271 = vector.broadcast %mul3A_0 : i32 to vector<16xi32>
      %sub3A_272 = arith.subi %get3A_270, %sub3A_271 : vector<16xi32>
      %ge3A_273 = arith.constant 0 : i32
      %ge3A_274 = vector.broadcast %ge3A_273 : i32 to vector<16xi32>
      %ge3A_275 = arith.cmpi sge, %sub3A_272, %ge3A_274 : vector<16xi32>
      %lt3A_276 = arith.constant 5000 : i32
      %lt3A_277 = vector.broadcast %lt3A_276 : i32 to vector<16xi32>
      %lt3A_278 = arith.cmpi slt, %sub3A_272, %lt3A_277 : vector<16xi32>
      %and3A_279 = arith.andi %ge3A_275, %lt3A_278 : vector<16xi1>
      %jit3A_280 = arith.constant 5000 : i32
      %broadcast_in_dim3A_281 = vector.broadcast %jit3A_280 : i32 to vector<16xi32>
      %select_n3A_282 = arith.select %and3A_279, %sub3A_272, %broadcast_in_dim3A_281 : vector<16xi1>, vector<16xi32>
      %swap3A_283 = arith.constant 16 : index
      %swap3A_284 = tpu.vector_load %arg18[%swap3A_283] {strides = array<i32>} : memref<32xi32, #tpu.memory_space<vmem>>, vector<16xi32>,
      %swap3A_285 = vector.shape_cast %swap3A_284 : vector<16xi32> to vector<16xi32>
      %swap3A_286 = vector.shape_cast %select_n3A_282 : vector<16xi32> to vector<16xi32>
      tpu.vector_store %arg18[%swap3A_283], %swap3A_286 {strides = array<i32>} : memref<32xi32, #tpu.memory_space<vmem>>, vector<16xi32>,
      "tpu.region"() ({
        %run_scoped3A = tpu.sem_alloc : memref<!tpu.dma_semaphore, #tpu.memory_space<semaphore_mem>>
        %dma_start3A = arith.constant 0 : i32
        %dma_start3A_287 = arith.constant 0 : i32
        %dma_start3A_288 = tpu.memref_slice %arg9[%dma_start3A, %dma_start3A_287] : memref<5120x128xf32, #tpu.memory_space<vmem_shared>> -> memref<5120x128xf32, #tpu.memory_space<vmem_shared>>
        tpu.enqueue_indirect_dma source(%arg17 : memref<32x128xf32, #tpu.memory_space<vmem>>) target(%dma_start3A_288 : memref<5120x128xf32, #tpu.memory_space<vmem_shared>>) offsets(%arg18 : memref<32xi32, #tpu.memory_space<vmem>>) semaphore(%run_scoped3A : memref<!tpu.dma_semaphore, #tpu.memory_space<semaphore_mem>>) {add = true}
        %dma_wait3A = arith.constant 0 : i32
        %dma_wait3A_289 = arith.constant 0 : i32
        %dma_wait3A_290 = tpu.memref_slice %arg9[%dma_wait3A, %dma_wait3A_289] : memref<5120x128xf32, #tpu.memory_space<vmem_shared>> -> memref<5120x128xf32, #tpu.memory_space<vmem_shared>>
        tpu.wait_indirect_dma semaphore(%run_scoped3A : memref<!tpu.dma_semaphore, #tpu.memory_space<semaphore_mem>>) src(%arg17 : memref<32x128xf32, #tpu.memory_space<vmem>>) dst(%dma_wait3A_290 : memref<5120x128xf32, #tpu.memory_space<vmem_shared>>)
        tpu.yield
      }) : () -> ()
    } else {
    }
    %barrier3A_241 = arith.constant 0 : index
    tpu.barrier barrier_id(%barrier3A_241)
    %mul3A_242 = arith.constant 312 : i32
    %mul3A_243 = arith.muli %arg1, %mul3A_242 : i32
    %mul3A_244 = arith.constant 5000 : i32
    %mul3A_245 = arith.muli %arg0, %mul3A_244 : i32
    %add3A_246 = arith.addi %mul3A_245, %mul3A_243 : i32
    "tpu.region"() ({
      %run_scoped3A = tpu.sem_alloc : memref<!tpu.dma_semaphore, #tpu.memory_space<semaphore_mem>>
      %dma_start3A = arith.constant 0 : i32
      %dma_start3A_252 = tpu.memref_slice %arg7[%add3A_246, %dma_start3A] : memref<10000x256xf32, #tpu.memory_space<hbm>> -> memref<312x128xf32, #tpu.memory_space<hbm>>
      %dma_start3A_253 = arith.constant 0 : i32
      %dma_start3A_254 = tpu.memref_slice %arg8[%mul3A_243, %dma_start3A_253] : memref<5120x128xf32, #tpu.memory_space<vmem_shared>> -> memref<312x128xf32, #tpu.memory_space<vmem_shared>>
      tpu.enqueue_dma source(%dma_start3A_254 : memref<312x128xf32, #tpu.memory_space<vmem_shared>>) target(%dma_start3A_252 : memref<312x128xf32, #tpu.memory_space<hbm>>) target_semaphore(%run_scoped3A : memref<!tpu.dma_semaphore, #tpu.memory_space<semaphore_mem>>)
      %dma_wait3A = arith.constant 0 : i32
      %dma_wait3A_255 = tpu.memref_slice %arg7[%add3A_246, %dma_wait3A] : memref<10000x256xf32, #tpu.memory_space<hbm>> -> memref<312x128xf32, #tpu.memory_space<hbm>>
      %dma_wait3A_256 = arith.constant 0 : i32
      %dma_wait3A_257 = tpu.memref_slice %arg8[%mul3A_243, %dma_wait3A_256] : memref<5120x128xf32, #tpu.memory_space<vmem_shared>> -> memref<312x128xf32, #tpu.memory_space<vmem_shared>>
      tpu.wait_dma2 semaphore(%run_scoped3A : memref<!tpu.dma_semaphore, #tpu.memory_space<semaphore_mem>>) src(%dma_wait3A_257 : memref<312x128xf32, #tpu.memory_space<vmem_shared>>) dst(%dma_wait3A_255 : memref<312x128xf32, #tpu.memory_space<hbm>>)
      tpu.yield
    }) : () -> ()
    "tpu.region"() ({
      %run_scoped3A = tpu.sem_alloc : memref<!tpu.dma_semaphore, #tpu.memory_space<semaphore_mem>>
      %dma_start3A = arith.constant 128 : i32
      %dma_start3A_252 = tpu.memref_slice %arg7[%add3A_246, %dma_start3A] : memref<10000x256xf32, #tpu.memory_space<hbm>> -> memref<312x128xf32, #tpu.memory_space<hbm>>
      %dma_start3A_253 = arith.constant 0 : i32
      %dma_start3A_254 = tpu.memref_slice %arg9[%mul3A_243, %dma_start3A_253] : memref<5120x128xf32, #tpu.memory_space<vmem_shared>> -> memref<312x128xf32, #tpu.memory_space<vmem_shared>>
      tpu.enqueue_dma source(%dma_start3A_254 : memref<312x128xf32, #tpu.memory_space<vmem_shared>>) target(%dma_start3A_252 : memref<312x128xf32, #tpu.memory_space<hbm>>) target_semaphore(%run_scoped3A : memref<!tpu.dma_semaphore, #tpu.memory_space<semaphore_mem>>)
      %dma_wait3A = arith.constant 128 : i32
      %dma_wait3A_255 = tpu.memref_slice %arg7[%add3A_246, %dma_wait3A] : memref<10000x256xf32, #tpu.memory_space<hbm>> -> memref<312x128xf32, #tpu.memory_space<hbm>>
      %dma_wait3A_256 = arith.constant 0 : i32
      %dma_wait3A_257 = tpu.memref_slice %arg9[%mul3A_243, %dma_wait3A_256] : memref<5120x128xf32, #tpu.memory_space<vmem_shared>> -> memref<312x128xf32, #tpu.memory_space<vmem_shared>>
      tpu.wait_dma2 semaphore(%run_scoped3A : memref<!tpu.dma_semaphore, #tpu.memory_space<semaphore_mem>>) src(%dma_wait3A_257 : memref<312x128xf32, #tpu.memory_space<vmem_shared>>) dst(%dma_wait3A_255 : memref<312x128xf32, #tpu.memory_space<hbm>>)
      tpu.yield
    }) : () -> ()
    %eq3A_247 = arith.constant 15 : i32
    %eq3A_248 = arith.cmpi eq, %arg1, %eq3A_247 : i32
    %convert_element_type3A_249 = arith.extui %eq3A_248 : i1 to i32
    %cond3A_250 = arith.constant 0 : i32
    %cond3A_251 = arith.cmpi ne, %convert_element_type3A_249, %cond3A_250 : i32
    scf.if %cond3A_251 {
      %mul3A_252 = arith.constant 5000 : i32
      %mul3A_253 = arith.muli %arg0, %mul3A_252 : i32
      %add3A_254 = arith.constant 4992 : i32
      %add3A_255 = arith.addi %mul3A_253, %add3A_254 : i32
      "tpu.region"() ({
        %run_scoped3A = tpu.sem_alloc : memref<!tpu.dma_semaphore, #tpu.memory_space<semaphore_mem>>
        %dma_start3A = arith.constant 0 : i32
        %dma_start3A_256 = tpu.memref_slice %arg7[%add3A_255, %dma_start3A] : memref<10000x256xf32, #tpu.memory_space<hbm>> -> memref<8x128xf32, #tpu.memory_space<hbm>>
        %dma_start3A_257 = arith.constant 4992 : i32
        %dma_start3A_258 = arith.constant 0 : i32
        %dma_start3A_259 = tpu.memref_slice %arg8[%dma_start3A_257, %dma_start3A_258] : memref<5120x128xf32, #tpu.memory_space<vmem_shared>> -> memref<8x128xf32, #tpu.memory_space<vmem_shared>>
        tpu.enqueue_dma source(%dma_start3A_259 : memref<8x128xf32, #tpu.memory_space<vmem_shared>>) target(%dma_start3A_256 : memref<8x128xf32, #tpu.memory_space<hbm>>) target_semaphore(%run_scoped3A : memref<!tpu.dma_semaphore, #tpu.memory_space<semaphore_mem>>)
        %dma_wait3A = arith.constant 0 : i32
        %dma_wait3A_260 = tpu.memref_slice %arg7[%add3A_255, %dma_wait3A] : memref<10000x256xf32, #tpu.memory_space<hbm>> -> memref<8x128xf32, #tpu.memory_space<hbm>>
        %dma_wait3A_261 = arith.constant 4992 : i32
        %dma_wait3A_262 = arith.constant 0 : i32
        %dma_wait3A_263 = tpu.memref_slice %arg8[%dma_wait3A_261, %dma_wait3A_262] : memref<5120x128xf32, #tpu.memory_space<vmem_shared>> -> memref<8x128xf32, #tpu.memory_space<vmem_shared>>
        tpu.wait_dma2 semaphore(%run_scoped3A : memref<!tpu.dma_semaphore, #tpu.memory_space<semaphore_mem>>) src(%dma_wait3A_263 : memref<8x128xf32, #tpu.memory_space<vmem_shared>>) dst(%dma_wait3A_260 : memref<8x128xf32, #tpu.memory_space<hbm>>)
        tpu.yield
      }) : () -> ()
      "tpu.region"() ({
        %run_scoped3A = tpu.sem_alloc : memref<!tpu.dma_semaphore, #tpu.memory_space<semaphore_mem>>
        %dma_start3A = arith.constant 128 : i32
        %dma_start3A_256 = tpu.memref_slice %arg7[%add3A_255, %dma_start3A] : memref<10000x256xf32, #tpu.memory_space<hbm>> -> memref<8x128xf32, #tpu.memory_space<hbm>>
        %dma_start3A_257 = arith.constant 4992 : i32
        %dma_start3A_258 = arith.constant 0 : i32
        %dma_start3A_259 = tpu.memref_slice %arg9[%dma_start3A_257, %dma_start3A_258] : memref<5120x128xf32, #tpu.memory_space<vmem_shared>> -> memref<8x128xf32, #tpu.memory_space<vmem_shared>>
        tpu.enqueue_dma source(%dma_start3A_259 : memref<8x128xf32, #tpu.memory_space<vmem_shared>>) target(%dma_start3A_256 : memref<8x128xf32, #tpu.memory_space<hbm>>) target_semaphore(%run_scoped3A : memref<!tpu.dma_semaphore, #tpu.memory_space<semaphore_mem>>)
        %dma_wait3A = arith.constant 128 : i32
        %dma_wait3A_260 = tpu.memref_slice %arg7[%add3A_255, %dma_wait3A] : memref<10000x256xf32, #tpu.memory_space<hbm>> -> memref<8x128xf32, #tpu.memory_space<hbm>>
        %dma_wait3A_261 = arith.constant 4992 : i32
        %dma_wait3A_262 = arith.constant 0 : i32
        %dma_wait3A_263 = tpu.memref_slice %arg9[%dma_wait3A_261, %dma_wait3A_262] : memref<5120x128xf32, #tpu.memory_space<vmem_shared>> -> memref<8x128xf32, #tpu.memory_space<vmem_shared>>
        tpu.wait_dma2 semaphore(%run_scoped3A : memref<!tpu.dma_semaphore, #tpu.memory_space<semaphore_mem>>) src(%dma_wait3A_263 : memref<8x128xf32, #tpu.memory_space<vmem_shared>>) dst(%dma_wait3A_260 : memref<8x128xf32, #tpu.memory_space<hbm>>)
        tpu.yield
      }) : () -> ()
    } else {
    }
    return
  }
}

</mosaic_0001>

<sc_bundles>
// kernel: _pooled.3.cloned.1.call-start
scs
__scs_entry_jumppad:
0x0: {  	(pc) =	sbr.rel $0x88, $3  }
0x1: {  	(tag) =	ssettag $0x0;
	lr =	simm.s32 $0x1  }
0x2: {  	[smem:$0x3F9D] =	sst lr;
	_ =	strace $0xD0000000  }
0x3: {  	_ = 	snop  }
0x4: {  	_ = 	snop  }
0x5: {  	_ = 	snop  }
0x6: {  	_ = 	snop  }
0x7: {  	_ = 	snop  }
__scs_overlays_trampoline_lowered:
0x8: {  	[smem:$0x3FAC] =	sst s0  }
0x9: {  	[smem:$0x3FAD] =	sst s1  }
0xa: {  	[smem:$0x3FAE] =	sst s2  }
0xb: {  	[smem:$0x3FAF] =	sst s3  }
0xc: {  	[smem:$0x3FB0] =	sst s4  }
0xd: {  	[smem:$0x3FB1] =	sst s5  }
0xe: {  	[smem:$0x3FB2] =	sst s6  }
0xf: {  	[smem:$0x3FB3] =	sst s7  }
0x10: {  	[smem:$0x3FB4] =	sst s8  }
0x11: {  	[smem:$0x3FB5] =	sst s9;
	s0 =	simm.s32 @!p0 $0x0  }
0x12: {  	s1 =	sld [smem:$0x3F9B];
	s0 =	simm.s32 @p0 $0x1  }
0x13: {  	[smem:$0x3FB6] =	sst s0;
	s0 =	simm.s32 @!p1 $0x0  }
0x14: {  	s2 =	sld [smem:$0x3F9A];
	s0 =	simm.s32 @p1 $0x1  }
0x15: {  	[smem:$0x3FB7] =	sst s0;
	s0 =	simm.s32 @!p2 $0x0  }
0x16: {  	s3 =	sld [smem:$0x3FDB];
	s0 =	simm.s32 @p2 $0x1  }
0x17: {  	s4 =	simm.s32 $0x1BF5;
	[smem:$0x3FB9] =	sst s0  }
0x18: {  	s0 =	sld [smem:$0x3F9C];
	_ =	swait.ge [sflag:s4], $0x0  }
0x19: {  	s7 =	sld [smem:$0x3F9D]  }
0x1a: {  	s8 =	sadd.s32 $0xFFFFE003, lr  }
0x1b: {  	s9 =	sadd.s32 $0xFFFFFEF7, lr;
	s5 =	simm.s32 $0xFFFFFFFF;
	p2 =	slt.u32 s8, $0xFFFFF086  }
0x1c: {  	p1 =	slt.u32 s9, $0xF7A;
	s5 =	simm.s32 @!p2 $0x0  }
0x1d: {  	s5 =	simm.s32 @p1 $0x1;
	p0 =	seq.s32 s7, s2  }
0x1e: {  	s7 =	smul.u32 @!p0 $0xF7A, s2;
	p2 =	seq.s32 @!p0 s5, $0x0  }
0x1f: {  	s9 =	smul.u32 $0xF7A, s1;
	s8 =	simm.s32 @!p0 $0x1BF5;
	p2 =	por !p2, p0  }
0x20: {  	[sflag:s8] =	ssyncset.s32 @!p0 $0xFFFFF086;
	s6 =	sadd.s32 @!p0 s3, s7;
	s7 =	simm.s32 @!p0 $0x108  }
0x21: {  	s3 =	sadd.s32 s3, s9;
	s6 =	sadd.s32 @!p0 $0x88, s6;
	s7 =	simm.s32 @p2 $0x1082  }
0x22: {  	[simem:s7], [sflag:s8] =	dma.local @!p0 [hbm:s6], $0xF7A  }
0x23: {  	s9 =	sor.u32 $0xD0000000, s2;
	s6 =	simm.s32 $0x108;
	_ =	swait.ge @!p0 [sflag:s8], $0x0  }
0x24: {  	s3 =	sadd.s32 $0x88, s3;
	s6 =	simm.s32 @!p1 $0x1082;
	[sflag:s4] =	ssyncset.s32 $0xFFFFF086  }
0x25: {  	[simem:s6], [sflag:s4] =	dma.local [hbm:s3], $0xF7A  }
0x26: {  	[smem:$0x3F9D] =	sst s1;
	(tag) =	ssettag s2;
	_ =	strace s9  }
0x27: {  	s1 =	sld [smem:$0x3FAD]  }
0x28: {  	s2 =	sld [smem:$0x3FAE]  }
0x29: {  	s4 =	sld [smem:$0x3FB0]  }
0x2a: {  	p0 =	seq.s32 s5, $0x0;
	s5 =	sld [smem:$0x3FB1]  }
0x2b: {  	s6 =	sld [smem:$0x3FB2]  }
0x2c: {  	s7 =	sld [smem:$0x3FB3]  }
0x2d: {  	s3 =	simm.s32 $0x108;
	s8 =	sld [smem:$0x3FB4]  }
0x2e: {  	s3 =	simm.s32 @!p0 $0x1082;
	s9 =	sld [smem:$0x3FB5]  }
0x2f: {  	lr =	sadd.s32 s0, s3;
	s0 =	sld [smem:$0x3FAC]  }
0x30: {  	s3 =	sld [smem:$0x3FAF]  }
0x31: {  	[smem:$0x3FB8] =	sst s10  }
0x32: {  	s10 =	sld [smem:$0x3FB6];
	_ =	sdelay $0x3  }
0x33: {  	p0 =	seq.s32 s10, $0x1;
	s10 =	sld [smem:$0x3FB8];
	_ =	sdelay $0x3  }
0x34: {  	[smem:$0x3FB8] =	sst s10  }
0x35: {  	s10 =	sld [smem:$0x3FB7];
	_ =	sdelay $0x3  }
0x36: {  	p1 =	seq.s32 s10, $0x1;
	s10 =	sld [smem:$0x3FB8];
	_ =	sdelay $0x3  }
0x37: {  	[smem:$0x3FB8] =	sst s10  }
0x38: {  	s10 =	sld [smem:$0x3FB9]  }
0x39: {  	_ = 	snop;
	(pc) =	sbr.ind lr, $3  }
0x3a: {  	_ = 	snop  }
0x3b: {  	_ = 	snop  }
0x3c: {  	p2 =	seq.s32 s10, $0x1;
	s10 =	sld [smem:$0x3FB8]  }
0x3d: {  	_ =	shalt  }
0x3e: {  	_ =	shalt  }
0x3f: {  	_ =	shalt  }
0x40: {  	_ =	shalt  }
0x41: {  	_ =	shalt  }
0x42: {  	_ =	shalt  }
0x43: {  	_ =	shalt  }
0x44: {  	_ =	shalt  }
0x45: {  	_ =	shalt  }
0x46: {  	_ =	shalt  }
0x47: {  	_ =	shalt  }
0x48: {  	_ =	shalt  }
0x49: {  	_ =	shalt  }
0x4a: {  	_ =	shalt  }
0x4b: {  	_ =	shalt  }
0x4c: {  	_ =	shalt  }
0x4d: {  	_ =	shalt  }
0x4e: {  	_ =	shalt  }
0x4f: {  	_ =	shalt  }
0x50: {  	_ =	shalt  }
0x51: {  	_ =	shalt  }
0x52: {  	_ =	shalt  }
0x53: {  	_ =	shalt  }
0x54: {  	_ =	shalt  }
0x55: {  	_ =	shalt  }
0x56: {  	_ =	shalt  }
0x57: {  	_ =	shalt  }
0x58: {  	_ =	shalt  }
0x59: {  	_ =	shalt  }
0x5a: {  	_ =	shalt  }
0x5b: {  	_ =	shalt  }
0x5c: {  	_ =	shalt  }
0x5d: {  	_ =	shalt  }
0x5e: {  	_ =	shalt  }
0x5f: {  	_ =	shalt  }
0x60: {  	_ =	shalt  }
0x61: {  	_ =	shalt  }
0x62: {  	_ =	shalt  }
0x63: {  	_ =	shalt  }
0x64: {  	_ =	shalt  }
0x65: {  	_ =	shalt  }
0x66: {  	_ =	shalt  }
0x67: {  	_ =	shalt  }
0x68: {  	_ =	shalt  }
0x69: {  	_ =	shalt  }
0x6a: {  	_ =	shalt  }
0x6b: {  	_ =	shalt  }
0x6c: {  	_ =	shalt  }
0x6d: {  	_ =	shalt  }
0x6e: {  	_ =	shalt  }
0x6f: {  	_ =	shalt  }
0x70: {  	_ =	shalt  }
0x71: {  	_ =	shalt  }
0x72: {  	_ =	shalt  }
0x73: {  	_ =	shalt  }
0x74: {  	_ =	shalt  }
0x75: {  	_ =	shalt  }
0x76: {  	_ =	shalt  }
0x77: {  	_ =	shalt  }
0x78: {  	_ =	shalt  }
0x79: {  	_ =	shalt  }
0x7a: {  	_ =	shalt  }
0x7b: {  	_ =	shalt  }
0x7c: {  	_ =	shalt  }
0x7d: {  	_ =	shalt  }
0x7e: {  	_ =	shalt  }
0x7f: {  	_ =	shalt  }
0x80: {  	_ =	shalt  }
0x81: {  	_ =	shalt  }
0x82: {  	_ =	shalt  }
0x83: {  	_ =	shalt  }
0x84: {  	_ =	shalt  }
0x85: {  	_ =	shalt  }
0x86: {  	_ =	shalt  }
0x87: {  	_ =	shalt  }
.Lfunc_end0:
.L_simem_size_0:
called_computation_lowered:
.L_overlay_start_0:
0x88: {  	s2 =	sld [smem:$0x3FD9]  }
0x89: {  	s3 =	sld [smem:$0x3FFE];
	_ =	sdelay $0x1  }
0x8a: {  	s1 =	srdreg.scid  }
0x8b: {  	s0 =	sand.u32 $0x1, s1  }
0x8c: {  	s17 =	sshll.u32 s0, $0xA;
	s2 =	sadd.s32 s3, s2  }
0x8d: {  	s2 =	sadd.s32 s2, s17  }
0x8e: {  	[smem:$0x3FC4] =	sst s2  }
0x8f: {  	_ = 	snop  }
0x90: {  	s2 =	sld [smem:$0x3FC9]  }
0x91: {  	s18 =	sld [smem:$0x3FC8]  }
0x92: {  	s4 =	sld [smem:$0x3FC7]  }
0x93: {  	s5 =	sld [smem:$0x3FC6]  }
0x94: {  	s6 =	sld [smem:$0x3FD0];
	(tm) =	ssettm $0x1  }
0x95: {  	s7 =	sld [smem:$0x3FFB];
	_ =	sdelay $0x3  }
0x96: {  	_ =	strace s7  }
0x97: {  	s7 =	sld [smem:$0x3FFC];
	_ =	sdelay $0x3  }
0x98: {  	_ =	strace s7  }
0x99: {  	s7 =	sld [smem:$0x3FFD];
	_ =	sdelay $0x3  }
0x9a: {  	_ =	strace s7  }
0x9b: {  	_ =	strace $0x8FFFFFFF  }
0x9c: {  	s19 =	sld [smem:$0x3FDB];
	_ =	sdelay $0x1  }
0x9d: {  	s8 =	simm.s32 $_scs_section_size  }
0x9e: {  	s9 =	simm.s32 $_size__tile_overlayer_lowered;
	s10 =	simm.s32 $_tile_overlayer_lowered  }
0x9f: {  	s22 =	simm.s32 $0x1BFF;
	s21 =	sshll.u32 s10, $0x1;
	s7 =	sadd.s32 s8, s19  }
0xa0: {  	s11 =	simm.s32 $0x0;
	s20 =	sshll.u32 s9, $0x1;
	s9 =	sadd.s32 s21, s7  }
0xa1: {  	[timem:s11], [sflag:s22] =	dma.local [hbm:s9], s20  }
0xa2: {  	_ =	swait.ge [sflag:s22], s20  }
0xa3: {  	s8 =	ssub.s32 $0x0, s20;
	[sflag:s22] =	ssyncset.done $0x0  }
0xa4: {  	[sflag:s22] =	ssyncadd.s32 s8;
	_ =	sdelay $0x1  }
0xa5: {  	s23 =	simm.s32 $0x1B8B  }
0xa6: {  	_ =	swait.ge [sflag:s23], $0x1  }
0xa7: {  	[sflag:s23] =	ssyncset.done $0x0  }
0xa8: {  	s25 =	simm.s32 $0x1B8E;
	s24 =	sld [smem:$0x3FFE];
	[sflag:s23] =	ssyncadd.s32 $0xFFFFFFFF  }
0xa9: {  	s26 =	simm.s32 $execute0_lowered;
	[smem:$0x3FD2] =	sst s25  }
0xaa: {  	s9 =	sshll.u32 s26, $0x1;
	_ =	strace $0x80000046;
	[dreg:$0x1] =	wrdreg $0xFFFFFFFF  }
0xab: {  	s28 =	simm.s32 $_size_execute0_lowered;
	s7 =	sadd.s32 s7, s9;
	[dreg:$0x0] =	wrdreg $0x0  }
0xac: {  	s9 =	sshll.u32 s28, $0x1;
	[dreg:$0x2] =	wrdreg s7  }
0xad: {  	[dreg:$0x3] =	wrdreg s9  }
0xae: {  	[dreg:$0x4] =	wrdreg $0xC0  }
0xaf: {  	_ =	task [dreg:s11], $0x5FFFF  }
0xb0: {  	[dreg:$0x1] =	wrdreg $0xFFFFFFFF  }
0xb1: {  	[dreg:$0x0] =	wrdreg $0x60  }
0xb2: {  	[dreg:$0x2] =	wrdreg s2  }
0xb3: {  	[dreg:$0x3] =	wrdreg s4  }
0xb4: {  	[dreg:$0x4] =	wrdreg s18  }
0xb5: {  	[dreg:$0x5] =	wrdreg s5  }
0xb6: {  	[dreg:$0x6] =	wrdreg s24  }
0xb7: {  	[dreg:$0x7] =	wrdreg s6  }
0xb8: {  	[dreg:$0x8] =	wrdreg $0x0  }
0xb9: {  	[dreg:$0x9] =	wrdreg $0xA0000  }
0xba: {  	[dreg:$0xa] =	wrdreg $0x9  }
0xbb: {  	_ =	task.clear_ibuf [dreg:s11], $0xBFFFF;
	_ =	strace $0x90000046  }
0xbc: {  	s29 =	simm.s32 $0x9;
	_ =	strace $0x80000048  }
0xbd: {  	_ =	swait.ge [sflag:s29], $0x1  }
0xbe: {  	[sflag:s29] =	ssyncadd.s32 $0xFFFFFFFF  }
0xbf: {  	_ =	strace $0x90000048  }
0xc0: {  	_ =	sfence  }
0xc1: {  	s30 =	sld [smem:$0x0];
	_ =	sdelay $0x2  }
0xc2: {  	s31 =	sshll.u32 s1, $0xD;
	s1 =	sshrl.u32 s1, $0x2  }
0xc3: {  	s3 =	sand.u32 $0x4000, s31;
	s1 =	sadd.s32 s1, s30  }
0xc4: {  	s0 =	sor.u32 s3, s0;
	s1 =	sshll.u32 s1, $0x11  }
0xc5: {  	s0 =	sor.u32 s1, s0  }
0xc6: {  	s0 =	sadd.s32 $0x8F2B, s0  }
0xc7: {  	[sflag:s0] =	ssyncadd.remote.s32 $0x1  }
0xc8: {  	_ =	sfence.sel $0xFFFF  }
0xc9: {  	[dreg:$0x0] =	wrdreg $0xFFFFFFFF;
	(pc) =	sbr.abs _section_cstart, $3  }
0xca: {  	[dreg:$0x1] =	wrdreg $0xFFFFFFFF  }
0xcb: {  	_ =	task.clear_ibuf [dreg:s11], $0x2FFFF;
	_ =	strace $0x9FFFFFFF  }
0xcc: {  	(tm) =	ssettm $0x7FFFFFFF  }
0xcd: {  	_ =	shalt  }
tec
execute0_lowered:
.L_overlay_start_1:
0x0: {  	(tag) =	ssettag $0x1  }
0x1: {  	s0 =	rddreg [dreg:$0x0]  }
0x2: {  	s1 =	rddreg [dreg:$0x1]  }
0x3: {  	s2 =	rddreg [dreg:$0x2]  }
0x4: {  	s4 =	rddreg [dreg:$0x3]  }
0x5: {  	s3 =	rddreg [dreg:$0x4]  }
0x6: {  	s8 =	rddreg [dreg:$0x5]  }
0x7: {  	s5 =	rddreg [dreg:$0x6];
	s7 =	srdreg.scid  }
0x8: {  	s6 =	rddreg [dreg:$0x7];
	s9 =	sand.u32 $0x1, s7;
	s7 =	stileid.u32  }
0x9: {  	s10 =	simm.s32 $0x0;
	s30 =	simm.s32 $0x3;
	s12 =	smul.u32 $0xA000, s7  }
0xa: {  	s31 =	simm.s32 $0x14080;
	s29 =	simm.s32 $0x18080;
	s13 =	smul.u32 $0x1388, s9  }
0xb: {  	[smem:$0x7FF] =	sst s10;
	s3 =	sadd.s32 $0x200, s3;
	s15 =	smul.u32 $0x138, s7  }
0xc: {  	s19 =	sadd.s32 $0x186800, s2;
	s22 =	ssub.s32 $0x2, s9;
	s16 =	smul.u32 $0x138800, s9  }
0xd: {  	_ =	strace $0x80000047;
	[dreg:$0x9] =	wrdreg s3;
	s18 =	smul.u32 $0x9C00, s7  }
0xe: {  	[dreg:$0x10] =	wrdreg s19;
	p0 =	seq.s32 s9, $0x0;
	s9 =	sadd.s32 $0x9C000, s6  }
0xf: {  	p1 =	sne.s32 s7, $0xF;
	s23 =	sadd.s32 s12, s5;
	s24 =	sadd.s32 $0x4000, s12  }
0x10: {  	s25 =	sadd.s32 $0x8000, s12;
	s12 =	sadd.s32 s12, s6;
	[dreg:$0xa] =	wrdreg s23  }
0x11: {  	s28 =	sor.u32 $0x10, s7;
	s14 =	sadd.s32 s24, s5;
	[dreg:$0xd] =	wrdreg s12  }
0x12: {  	s11 =	sshrl.u32 s22, $0x1;
	s26 =	sadd.s32 s25, s5;
	[dreg:$0xb] =	wrdreg s14  }
0x13: {  	s3 =	ssub.s32 s22, s11;
	s10 =	sadd.s32 s24, s6;
	[dreg:$0xc] =	wrdreg s26  }
0x14: {  	s17 =	sadd.s32 s15, s13;
	s11 =	sadd.s32 s25, s6;
	[dreg:$0xe] =	wrdreg s10  }
0x15: {  	s20 =	sadd.s32 s18, s5;
	s3 =	smax.u32 s3, $0x1;
	[dreg:$0xf] =	wrdreg s11  }
0x16: {  	s21 =	sadd.s32 s18, s6;
	s23 =	sshrl.u32 s20, $0x3;
	[dreg:$0x14] =	wrdreg s3  }
0x17: {  	v0 =	vmov s13;
	s13 =	simm.s32 $0x100;
	s24 =	sshrl.u32 s21, $0x3;
	[dreg:$0x15] =	wrdreg s23  }
0x18: {  	s25 =	sadd.s32 $0x30D0, s4;
	s12 =	simm.s32 $0x8;
	[dreg:$0x16] =	wrdreg s24  }
0x19: {  	s11 =	sshll.u32 s17, $0x5;
	s10 =	sshrl.u32 s16, $0x3;
	[dreg:$0x19] =	wrdreg s25  }
0x1a: {  	s14 =	simm.s32 $0x0;
	s15 =	sadd.s32 s8, s11;
	s8 =	sadd.s32 s8, s10  }
0x1b: {  	s11 =	sadd.s32 $0x9C000, s5;
	s22 =	sadd.s32 $0x27000, s8;
	[dreg:$0x11] =	wrdreg s15  }
.Ltmp0:
0x1c: {  	s8 =	sadd.s32 $0x27080, s8;
	[dreg:$0x12] =	wrdreg s22;
	(pc) =	sbr.rel .LBB2_1-.Ltmp0, $4  }
0x1d: {  	s10 =	simm.s32 $0x1C100;
	s3 =	sshrl.u32 @!p1 s11, $0x3;
	[dreg:$0x13] =	wrdreg s8  }
0x1e: {  	s26 =	sadd.s32 $0x80, s15;
	s11 =	simm.s32 $0x18100;
	[dreg:$0x17] =	wrdreg s3  }
0x1f: {  	s3 =	sshrl.u32 @!p1 s9, $0x3;
	[dreg:$0x1a] =	wrdreg s26;
	s8 =	simm.s32 $0x80  }
0x20: {  	v1 =	vimm.f32 $0.0e+00;
	s9 =	simm.s32 $0x2;
	[dreg:$0x18] =	wrdreg s3;
	s3 =	simm.s32 $0x1  }
.LBB2_21:
0x21: {  	s15 =	simm.s32 @!p1 $0x0;
	s16 =	simm.s32 @!p1 $0x1C180;
	s17 =	rddreg [dreg:$0x10]  }
0x22: {  	[tilespmem:s16], [sflag:$0x3] =	stream.linear.gather @!p1 [hbm4b:s17+s15], $0x1000, $0x38;
	[tilespmem:$0x1D200] =	vst v63  }
0x23: {  	s17 =	simm.s32 @!p1 $0x3  }
0x24: {  	_ =	swait.ge @!p1 [sflag:s17], $0x1000  }
0x25: {  	[sflag:s17] =	ssyncset.done @!p1 $0x0  }
0x26: {  	s18 =	simm.s32 @!p1 $0x1D180;
	s19 =	rddreg [dreg:$0x19];
	[sflag:s17] =	ssyncadd.s32 @!p1 $0xFFFFF000  }
0x27: {  	[tilespmem:s18], [sflag:$0x3] =	stream.linear.gather @!p1 [hbm4b:s19+s15], $0x20, $0x38;
	[tilespmem:$0x1D200] =	vst v63  }
0x28: {  	_ =	swait.ge @!p1 [sflag:s17], $0x20  }
0x29: {  	[sflag:s17] =	ssyncset.done @!p1 $0x0  }
0x2a: {  	[sflag:s17] =	ssyncadd.s32 @!p1 $0xFFFFFFE0  }
0x2b: {  	v2 =	vld @!p1 [tilespmem:$0x1D180]  }
0x2c: {  	v3 =	vld @!p1 [tilespmem:$0x1D190];
	_ =	sdelay $0x3  }
0x2d: {  	v2 =	vsub.s32 @!p1 v2, v0  }
0x2e: {  	v3 =	vsub.s32 @!p1 v3, v0;
	v2 =	vmin.u32 @!p1 v2, $0x1388  }
0x2f: {  	[tilespmem:$0x1D180] =	vst @!p1 v2;
	v2 =	vmin.u32 @!p1 v3, $0x1388  }
0x30: {  	s15 =	simm.s32 @!p1 $0x20;
	[tilespmem:$0x1D190] =	vst @!p1 v2  }
0x31: {  	[spmem:s6] =	stream.indirect.scatter.add.f32 @!p1 [tilespmem:s16], [sflag:$0x3], $0x80, s18, s15, $0xb8;
	[tilespmem:$0x1D200] =	vst v63  }
0x32: {  	_ =	swait.ge @!p1 [sflag:s17], $0x1000  }
0x33: {  	[sflag:s17] =	ssyncset.done @!p1 $0x0  }
0x34: {  	[sflag:s17] =	ssyncadd.s32 @!p1 $0xFFFFF000  }
0x35: {  	[bflag:$0x0] =	sbarrier.arrive $0xFFFF  }
0x36: {  	s21 =	sshll.u32 s7, $0x6;
	s22 =	rddreg [dreg:$0x11]  }
0x37: {  	s15 =	sor.u32 $0x1C03, s21;
	s23 =	rddreg [dreg:$0x15]  }
0x38: {  	[hbm:s22@s13], [sflag:s15] =	dma.strided [spmem:s23@s8], $0x1380, s12, $0x10   }
0x39: {  	_ =	swait.ge [sflag:s30], $0x1380  }
0x3a: {  	[sflag:s30] =	ssyncset.done $0x0;
	s24 =	rddreg [dreg:$0x16]  }
0x3b: {  	s25 =	rddreg [dreg:$0x1a];
	[sflag:s30] =	ssyncadd.s32 $0xFFFFEC80  }
0x3c: {  	[hbm:s25@s13], [sflag:s15] =	dma.strided [spmem:s24@s8], $0x1380, s12, $0x10   }
0x3d: {  	_ =	swait.ge [sflag:s30], $0x1380  }
0x3e: {  	[sflag:s30] =	ssyncset.done $0x0;
	s16 =	rddreg [dreg:$0x12]  }
0x3f: {  	s18 =	rddreg [dreg:$0x17];
	[sflag:s30] =	ssyncadd.s32 $0xFFFFEC80  }
0x40: {  	[hbm:s16], [sflag:s15] =	dma.local @!p1 [spmem:s18], $0x80  }
0x41: {  	_ =	swait.ge @!p1 [sflag:s17], $0x80  }
0x42: {  	[sflag:s17] =	ssyncset.done @!p1 $0x0;
	s16 =	rddreg [dreg:$0x13]  }
0x43: {  	s18 =	rddreg [dreg:$0x18];
	[sflag:s17] =	ssyncadd.s32 @!p1 $0xFFFFFF80  }
0x44: {  	[hbm:s16], [sflag:s15] =	dma.local @!p1 [spmem:s18], $0x80  }
0x45: {  	_ =	swait.ge @!p1 [sflag:s17], $0x80  }
0x46: {  	s14 =	sadd.s32 $0x1, s14;
	s26 =	rddreg [dreg:$0x14]  }
0x47: {  	p2 =	sne.s32 s14, s26  }
.Ltmp1:
0x48: {  	_ = 	snop;
	(pc) =	sbr.rel @!p2 .LBB2_22-.Ltmp1, $3  }
0x49: {  	_ =	sdelay $0x1  }
0x4a: {  	[sflag:s17] =	ssyncset.done @!p1 $0x0  }
0x4b: {  	[sflag:s17] =	ssyncadd.s32 @!p1 $0xFFFFFF80  }
.LBB2_1:
0x4c: {  	s15 =	simm.s32 $0x0;
	s16 =	rddreg [dreg:$0x9];
	s17 =	simm.s32 $0x14000  }
0x4d: {  	[tilespmem:s17], [sflag:$0x3] =	stream.linear.gather [hbm4b:s16+s15], $0x80, $0x38;
	[tilespmem:$0x1D200] =	vst v63  }
0x4e: {  	_ =	swait.ge [sflag:s30], $0x80  }
0x4f: {  	[sflag:s30] =	ssyncset.done $0x0  }
0x50: {  	[sflag:s30] =	ssyncadd.s32 $0xFFFFFF80  }
0x51: {  	v2 =	vld [tilespmem:$0x14000]  }
0x52: {  	s15 =	simm.s32 $0x0;
	s16 =	simm.s32 $0x200;
	v3 =	vld [tilespmem:$0x14010]  }
.LBB2_2:
0x53: {  	p2 =	sne.s32 s16, $0xFE00;
	[tilespmem:s15+$0x140F0] =	vst v1  }
0x54: {  	[tilespmem:s15+$0x14080] =	vst v1  }
0x55: {  	[tilespmem:s15+$0x14090] =	vst v1  }
.Ltmp2:
0x56: {  	[tilespmem:s15+$0x140A0] =	vst v1;
	(pc) =	sbr.rel @p2 .LBB2_2-.Ltmp2, $4  }
0x57: {  	[tilespmem:s15+$0x140B0] =	vst v1  }
0x58: {  	[tilespmem:s15+$0x140C0] =	vst v1  }
0x59: {  	[tilespmem:s15+$0x140D0] =	vst v1  }
0x5a: {  	[tilespmem:s15+$0x140E0] =	vst v1;
	s15 =	sshra.s32 s16, $0x2;
	s16 =	sadd.s32 $0x200, s16  }
0x5b: {  	(v2sf) =	vpush v2, $0x0  }
0x5c: {  	(v2sf) =	vpush v3, $0x0;
	_ =	sdelay $0x4  }
0x5d: {  	[tilespmem:s15+$0x140F0] =	vst v1  }
0x5e: {  	[tilespmem:s15+$0x14080] =	vst v1  }
0x5f: {  	[tilespmem:s15+$0x14090] =	vst v1  }
0x60: {  	[tilespmem:s15+$0x140A0] =	vst v1  }
0x61: {  	[tilespmem:s15+$0x140B0] =	vst v1  }
0x62: {  	[tilespmem:s15+$0x140C0] =	vst v1  }
0x63: {  	[tilespmem:s15+$0x140D0] =	vst v1  }
0x64: {  	[tilespmem:s15+$0x140E0] =	vst v1;
	s17 =	rddreg [dreg:$0xa]  }
0x65: {  	[spmem:s17] =	stream.linear.scatter [tilespmem:s31], [sflag:$0x3], $0x4000, $0x38;
	[tilespmem:$0x1D200] =	vst v63  }
0x66: {  	s16 =	spop (v2sf)  }
0x67: {  	s15 =	spop (v2sf);
	s18 =	sand.u32 $0x7F, s16;
	s19 =	sshra.s32 s16, $0x1F  }
0x68: {  	p2 =	slt.s32 s16, $0x1;
	s20 =	sadd.s32 $0x7F, s16;
	_ =	swait.ge [sflag:s30], $0x4000  }
0x69: {  	p3 =	sne.s32 s18, $0x0;
	s26 =	sshrl.u32 s19, $0x19;
	s19 =	simm.s32 $0x1  }
0x6a: {  	s17 =	sand.u32 $0x7F, s20;
	[sflag:s30] =	ssyncset.done $0x0;
	s21 =	rddreg [dreg:$0xb]  }
0x6b: {  	p2 =	por !p2, !p3;
	s16 =	sadd.s32 s26, s16;
	p3 =	slt.s32 s20, $0x1  }
0x6c: {  	p4 =	sne.s32 s17, $0x0;
	[sflag:s30] =	ssyncadd.s32 $0xFFFFC000;
	p2 =	por !p2, !p2  }
0x6d: {  	[spmem:s21] =	stream.linear.scatter [tilespmem:s31], [sflag:$0x3], $0x4000, $0x38;
	[tilespmem:$0x1D200] =	vst v63  }
0x6e: {  	s16 =	sshra.s32 s16, $0x7;
	s19 =	simm.s32 @!p2 $0x0;
	_ =	swait.ge [sflag:s30], $0x4000  }
0x6f: {  	s21 =	sshra.s32 s20, $0x1F;
	p2 =	por !p3, !p4;
	[sflag:s30] =	ssyncset.done $0x0  }
0x70: {  	s21 =	sshrl.u32 s21, $0x19;
	s22 =	rddreg [dreg:$0xc];
	[sflag:s30] =	ssyncadd.s32 $0xFFFFC000  }
0x71: {  	[spmem:s22] =	stream.linear.scatter [tilespmem:s31], [sflag:$0x3], $0x2000, $0x38;
	[tilespmem:$0x1D200] =	vst v63  }
0x72: {  	p2 =	por !p2, !p2;
	s18 =	sadd.s32 s21, s20;
	_ =	swait.ge [sflag:s30], $0x2000  }
0x73: {  	s21 =	simm.s32 $0x1;
	s20 =	ssub.s32 s16, s19;
	[sflag:s30] =	ssyncset.done $0x0  }
0x74: {  	s21 =	simm.s32 @!p2 $0x0;
	s23 =	rddreg [dreg:$0xd];
	[sflag:s30] =	ssyncadd.s32 $0xFFFFE000  }
0x75: {  	[spmem:s23] =	stream.linear.scatter [tilespmem:s31], [sflag:$0x3], $0x4000, $0x38;
	[tilespmem:$0x1D200] =	vst v63  }
0x76: {  	s20 =	simm.s32 @p0 $0x0;
	s22 =	sshra.s32 s18, $0x7;
	_ =	swait.ge [sflag:s30], $0x4000  }
0x77: {  	s18 =	sadd.s32 s7, s20;
	s16 =	ssub.s32 s22, s21;
	[sflag:s30] =	ssyncset.done $0x0  }
0x78: {  	s16 =	simm.s32 @!p0 $0x9C4;
	s24 =	rddreg [dreg:$0xe];
	[sflag:s30] =	ssyncadd.s32 $0xFFFFC000  }
0x79: {  	[spmem:s24] =	stream.linear.scatter [tilespmem:s31], [sflag:$0x3], $0x4000, $0x38;
	[tilespmem:$0x1D200] =	vst v63  }
0x7a: {  	p2 =	sge.s32 s18, s16;
	_ =	swait.ge [sflag:s30], $0x4000  }
0x7b: {  	s19 =	sshll.u32 @!p2 s18, $0xB;
	s21 =	simm.s32 @!p2 $0x0;
	[sflag:s30] =	ssyncset.done $0x0  }
0x7c: {  	s22 =	simm.s32 @!p2 $0x14080;
	s25 =	rddreg [dreg:$0xf];
	[sflag:s30] =	ssyncadd.s32 $0xFFFFC000  }
0x7d: {  	[spmem:s25] =	stream.linear.scatter [tilespmem:s31], [sflag:$0x3], $0x2000, $0x38;
	[tilespmem:$0x1D200] =	vst v63  }
0x7e: {  	s18 =	sshll.u32 @!p2 s18, $0x4;
	s23 =	ssub.s32 s16, s20;
	_ =	swait.ge [sflag:s30], $0x2000  }
0x7f: {  	s19 =	sand.u32 @!p2 $0x1FFFF800, s19;
	s18 =	sand.u32 @!p2 $0x1FFFFFF0, s18;
	[sflag:s30] =	ssyncset.done $0x0  }
0x80: {  	p5 =	slt.s32 s23, $0xFFFFFFF2;
	s24 =	sadd.s32 $0xF, s23;
	[sflag:s30] =	ssyncadd.s32 $0xFFFFE000  }
0x81: {  	s19 =	sadd.s32 @!p2 s0, s19;
	s25 =	sand.u32 $0xF, s24;
	[bflag:$0x0] =	sbarrier.arrive $0xFFFF  }
0x82: {  	[tilespmem:s22], [sflag:$0x1] =	stream.linear.gather @!p2 [hbm4b:s19+s21], $0x4000, $0x38;
	[tilespmem:$0x1D200] =	vst v63  }
0x83: {  	s18 =	sadd.s32 @!p2 s1, s18;
	p6 =	sne.s32 s25, $0x0;
	s19 =	simm.s32 @!p2 $0x18080  }
0x84: {  	[tilespmem:s19], [sflag:$0x1] =	stream.linear.gather @!p2 [hbm4b:s18+s21], $0x80, $0x38;
	[tilespmem:$0x1D200] =	vst v63  }
0x85: {  	s26 =	sshrl.u32 s24, $0x1C;
	p2 =	por !p5, !p6  }
0x86: {  	s18 =	sadd.s32 s26, s24;
	s19 =	simm.s32 $0x1;
	p2 =	por !p2, !p2  }
0x87: {  	s18 =	sshra.s32 s18, $0x4;
	s19 =	simm.s32 @!p2 $0x0  }
0x88: {  	s18 =	ssub.s32 s18, s19  }
0x89: {  	p2 =	slt.s32 s18, $0x1  }
.Ltmp3:
0x8a: {  	_ = 	snop;
	(pc) =	sbr.rel @p2 .LBB2_12-.Ltmp3, $1  }
0x8b: {  	_ =	sdelay $0x3  }
.Ltmp4:
0x8c: {  	(pc) =	sbr.rel .LBB2_5-.Ltmp4, $3  }
0x8d: {  	_ =	sdelay $0x1  }
0x8e: {  	s23 =	sadd.s32 s20, s7;
	s19 =	sadd.s32 s20, s28  }
0x8f: {  	s22 =	simm.s32 $0x0;
	s20 =	sshll.u32 s19, $0xB;
	s21 =	sshll.u32 s19, $0x4  }
.LBB2_10:
0x90: {  	_ =	swait.ge [sflag:s19], $0x4000  }
0x91: {  	[sflag:s19] =	ssyncset.done $0x0  }
0x92: {  	[sflag:s19] =	ssyncadd.s32 $0xFFFFC000  }
.LBB2_11:
0x93: {  	s22 =	sadd.s32 $0x1, s22  }
0x94: {  	p2 =	sne.s32 s18, s22  }
.Ltmp5:
0x95: {  	_ = 	snop;
	(pc) =	sbr.rel @!p2 .LBB2_12-.Ltmp5, $2  }
0x96: {  	_ =	sdelay $0x2  }
0x97: {  	s20 =	sadd.s32 $0x8000, s20;
	s21 =	sadd.s32 $0x100, s21  }
.LBB2_5:
0x98: {  	s24 =	sand.u32 $0x1, s22  }
0x99: {  	p3 =	seq.s32 s24, $0x1  }
.Ltmp6:
0x9a: {  	_ = 	snop;
	(pc) =	sbr.rel @p3 .LBB2_8-.Ltmp6, $4  }
0x9b: {  	_ = 	snop  }
0x9c: {  	s19 =	smov.u32 s23;
	s23 =	sadd.s32 $0x10, s23  }
0x9d: {  	p2 =	sge.s32 s23, s16  }
0x9e: {  	s25 =	sand.u32 @!p2 $0x1FFFF800, s20;
	s24 =	sand.u32 @!p2 $0x1FFFFFF0, s21  }
0x9f: {  	s25 =	sadd.s32 @!p2 s0, s25;
	s26 =	simm.s32 @!p2 $0x0;
	s17 =	simm.s32 @!p2 $0x18100  }
0xa0: {  	[tilespmem:s17], [sflag:$0x2] =	stream.linear.gather @!p2 [hbm4b:s25+s26], $0x4000, $0x38;
	[tilespmem:$0x1D200] =	vst v63  }
0xa1: {  	s17 =	sadd.s32 @!p2 s1, s24;
	s24 =	simm.s32 @!p2 $0x1C100  }
0xa2: {  	[tilespmem:s24], [sflag:$0x2] =	stream.linear.gather @!p2 [hbm4b:s17+s26], $0x80, $0x38;
	[tilespmem:$0x1D200] =	vst v63  }
0xa3: {  	p2 =	sge.s32 s19, s16  }
.Ltmp7:
0xa4: {  	_ = 	snop;
	(pc) =	sbr.rel @p2 .LBB2_11-.Ltmp7, $1  }
0xa5: {  	_ =	sdelay $0x3  }
0xa6: {  	_ =	swait.ge [sflag:s3], $0x4000  }
0xa7: {  	[sflag:s3] =	ssyncset.done $0x0  }
0xa8: {  	[sflag:s3] =	ssyncadd.s32 $0xFFFFC000  }
0xa9: {  	_ =	swait.ge [sflag:s3], $0x80  }
0xaa: {  	[sflag:s3] =	ssyncset.done $0x0  }
0xab: {  	[sflag:s3] =	ssyncadd.s32 $0xFFFFFF80  }
0xac: {  	v2 =	vld [tilespmem:$0x18080]  }
0xad: {  	v3 =	vld [tilespmem:$0x18090]  }
0xae: {  	v4 =	vld [tilespmem:$0x180A0]  }
0xaf: {  	v5 =	vld [tilespmem:$0x180B0]  }
0xb0: {  	v6 =	vld [tilespmem:$0x180C0]  }
0xb1: {  	v7 =	vld [tilespmem:$0x180D0];
	v2 =	vsub.s32 v2, v0  }
0xb2: {  	v8 =	vld [tilespmem:$0x180E0];
	v3 =	vsub.s32 v3, v0;
	v2 =	vmin.u32 v2, $0x1388  }
0xb3: {  	v63 =	vld [tilespmem:$0x180F0];
	[tilespmem:$0x18080] =	vst v2;
	v2 =	vmin.u32 v3, $0x1388;
	v3 =	vsub.s32 v4, v0  }
0xb4: {  	[tilespmem:$0x18090] =	vst v2;
	v2 =	vmin.u32 v3, $0x1388;
	v3 =	vsub.s32 v5, v0  }
0xb5: {  	[tilespmem:$0x180A0] =	vst v2;
	v2 =	vmin.u32 v3, $0x1388;
	v3 =	vsub.s32 v6, v0  }
0xb6: {  	[tilespmem:$0x180B0] =	vst v2;
	v2 =	vmin.u32 v3, $0x1388;
	v3 =	vsub.s32 v7, v0  }
.Ltmp8:
0xb7: {  	[tilespmem:$0x180C0] =	vst v2;
	v2 =	vmin.u32 v3, $0x1388;
	v3 =	vsub.s32 v8, v0;
	(pc) =	sbr.rel .LBB2_10-.Ltmp8, $4  }
0xb8: {  	[tilespmem:$0x180D0] =	vst v2;
	v2 =	vmin.u32 v3, $0x1388;
	v3 =	vsub.s32 v63, v0  }
0xb9: {  	[tilespmem:$0x180E0] =	vst v2;
	v2 =	vmin.u32 v3, $0x1388  }
0xba: {  	s19 =	simm.s32 $0x4;
	[tilespmem:$0x180F0] =	vst v2  }
0xbb: {  	[spmem:s5] =	stream.indirect.scatter.add.f32 [tilespmem:s31], [sflag:$0x4], $0x80, s29, s8, $0xb8;
	[tilespmem:$0x1D200] =	vst v63  }
.LBB2_8:
0xbc: {  	s17 =	sadd.s32 @!p2 s0, s25;
	s25 =	simm.s32 @!p2 $0x0;
	s26 =	simm.s32 @!p2 $0x14080  }
0xbd: {  	[tilespmem:s26], [sflag:$0x1] =	stream.linear.gather @!p2 [hbm4b:s17+s25], $0x4000, $0x38;
	[tilespmem:$0x1D200] =	vst v63  }
0xbe: {  	s17 =	sadd.s32 @!p2 s1, s24;
	s24 =	simm.s32 @!p2 $0x18080  }
0xbf: {  	[tilespmem:s24], [sflag:$0x1] =	stream.linear.gather @!p2 [hbm4b:s17+s25], $0x80, $0x38;
	[tilespmem:$0x1D200] =	vst v63  }
0xc0: {  	p2 =	sge.s32 s19, s16  }
.Ltmp9:
0xc1: {  	_ = 	snop;
	(pc) =	sbr.rel @p2 .LBB2_11-.Ltmp9, $1  }
0xc2: {  	_ =	sdelay $0x3  }
0xc3: {  	_ =	swait.ge [sflag:s9], $0x4000  }
0xc4: {  	[sflag:s9] =	ssyncset.done $0x0  }
0xc5: {  	[sflag:s9] =	ssyncadd.s32 $0xFFFFC000  }
0xc6: {  	_ =	swait.ge [sflag:s9], $0x80  }
0xc7: {  	[sflag:s9] =	ssyncset.done $0x0  }
0xc8: {  	[sflag:s9] =	ssyncadd.s32 $0xFFFFFF80  }
0xc9: {  	v2 =	vld [tilespmem:$0x1C100]  }
0xca: {  	v3 =	vld [tilespmem:$0x1C110]  }
0xcb: {  	v4 =	vld [tilespmem:$0x1C120]  }
0xcc: {  	v5 =	vld [tilespmem:$0x1C130]  }
0xcd: {  	v6 =	vld [tilespmem:$0x1C140]  }
0xce: {  	v7 =	vld [tilespmem:$0x1C150];
	v2 =	vsub.s32 v2, v0  }
0xcf: {  	v8 =	vld [tilespmem:$0x1C160];
	v3 =	vsub.s32 v3, v0;
	v2 =	vmin.u32 v2, $0x1388  }
0xd0: {  	v63 =	vld [tilespmem:$0x1C170];
	[tilespmem:$0x1C100] =	vst v2;
	v2 =	vmin.u32 v3, $0x1388;
	v3 =	vsub.s32 v4, v0  }
0xd1: {  	[tilespmem:$0x1C110] =	vst v2;
	v2 =	vmin.u32 v3, $0x1388;
	v3 =	vsub.s32 v5, v0  }
0xd2: {  	[tilespmem:$0x1C120] =	vst v2;
	v2 =	vmin.u32 v3, $0x1388;
	v3 =	vsub.s32 v6, v0  }
0xd3: {  	[tilespmem:$0x1C130] =	vst v2;
	v2 =	vmin.u32 v3, $0x1388;
	v3 =	vsub.s32 v7, v0  }
.Ltmp10:
0xd4: {  	[tilespmem:$0x1C140] =	vst v2;
	v2 =	vmin.u32 v3, $0x1388;
	v3 =	vsub.s32 v8, v0;
	(pc) =	sbr.rel .LBB2_10-.Ltmp10, $4  }
0xd5: {  	[tilespmem:$0x1C150] =	vst v2;
	v2 =	vmin.u32 v3, $0x1388;
	v3 =	vsub.s32 v63, v0  }
0xd6: {  	[tilespmem:$0x1C160] =	vst v2;
	v2 =	vmin.u32 v3, $0x1388  }
0xd7: {  	s19 =	simm.s32 $0x3;
	[tilespmem:$0x1C170] =	vst v2  }
0xd8: {  	[spmem:s5] =	stream.indirect.scatter.add.f32 [tilespmem:s11], [sflag:$0x3], $0x80, s10, s8, $0xb8;
	[tilespmem:$0x1D200] =	vst v63  }
.LBB2_12:
0xd9: {  	s16 =	sand.u32 $0x7F, s15;
	s17 =	sshra.s32 s15, $0x1F;
	p2 =	slt.s32 s15, $0x1  }
0xda: {  	s18 =	sadd.s32 $0x7F, s15;
	p3 =	sne.s32 s16, $0x0;
	s25 =	sshrl.u32 s17, $0x19  }
0xdb: {  	s17 =	simm.s32 $0x1;
	s20 =	sand.u32 $0x7F, s18;
	s19 =	sshra.s32 s18, $0x1F  }
0xdc: {  	p2 =	por !p2, !p3;
	s26 =	sadd.s32 s25, s15;
	p3 =	slt.s32 s18, $0x1  }
0xdd: {  	p4 =	sne.s32 s20, $0x0;
	s21 =	sshrl.u32 s19, $0x19;
	p2 =	por !p2, !p2  }
0xde: {  	s15 =	sshra.s32 s26, $0x7;
	s17 =	simm.s32 @!p2 $0x0;
	p2 =	por !p3, !p4  }
0xdf: {  	s16 =	sadd.s32 s21, s18;
	s18 =	simm.s32 $0x1;
	p2 =	por !p2, !p2  }
0xe0: {  	s22 =	sshra.s32 s16, $0x7;
	s19 =	ssub.s32 s15, s17;
	s18 =	simm.s32 @!p2 $0x0  }
0xe1: {  	s19 =	simm.s32 @p0 $0x0;
	s15 =	ssub.s32 s22, s18  }
0xe2: {  	s16 =	sadd.s32 s7, s19;
	s15 =	simm.s32 @!p0 $0x30D  }
0xe3: {  	p2 =	sge.s32 s16, s15  }
0xe4: {  	s23 =	ssub.s32 s15, s19;
	s17 =	sshll.u32 @!p2 s16, $0xB  }
0xe5: {  	s18 =	simm.s32 @!p2 $0x0;
	s20 =	simm.s32 @!p2 $0x14080;
	s16 =	sshll.u32 @!p2 s16, $0x4  }
0xe6: {  	s24 =	sadd.s32 $0xF, s23;
	p5 =	slt.s32 s23, $0xFFFFFFF2;
	s17 =	sand.u32 @!p2 $0x1FFFF800, s17  }
0xe7: {  	s16 =	sand.u32 @!p2 $0x1FFFFFF0, s16;
	s25 =	sand.u32 $0xF, s24;
	s17 =	sadd.s32 @!p2 s2, s17  }
0xe8: {  	[tilespmem:s20], [sflag:$0x1] =	stream.linear.gather @!p2 [hbm4b:s17+s18], $0x4000, $0x38;
	[tilespmem:$0x1D200] =	vst v63  }
0xe9: {  	s16 =	sadd.s32 @!p2 s4, s16;
	p6 =	sne.s32 s25, $0x0;
	s17 =	simm.s32 @!p2 $0x18080  }
0xea: {  	[tilespmem:s17], [sflag:$0x1] =	stream.linear.gather @!p2 [hbm4b:s16+s18], $0x80, $0x38;
	[tilespmem:$0x1D200] =	vst v63  }
0xeb: {  	s26 =	sshrl.u32 s24, $0x1C;
	p2 =	por !p5, !p6  }
0xec: {  	s16 =	sadd.s32 s26, s24;
	s17 =	simm.s32 $0x1;
	p2 =	por !p2, !p2  }
0xed: {  	s16 =	sshra.s32 s16, $0x4;
	s17 =	simm.s32 @!p2 $0x0  }
0xee: {  	s16 =	ssub.s32 s16, s17  }
0xef: {  	p2 =	slt.s32 s16, $0x1  }
.Ltmp11:
0xf0: {  	_ = 	snop;
	(pc) =	sbr.rel @p2 .LBB2_21-.Ltmp11, $1  }
0xf1: {  	_ =	sdelay $0x3  }
.Ltmp12:
0xf2: {  	(pc) =	sbr.rel .LBB2_14-.Ltmp12, $3  }
0xf3: {  	_ =	sdelay $0x1  }
0xf4: {  	s18 =	sadd.s32 s19, s7;
	s17 =	sadd.s32 s19, s28  }
0xf5: {  	s21 =	simm.s32 $0x0;
	s19 =	sshll.u32 s17, $0xB;
	s20 =	sshll.u32 s17, $0x4  }
.LBB2_19:
0xf6: {  	_ =	swait.ge [sflag:s22], $0x4000  }
0xf7: {  	[sflag:s22] =	ssyncset.done $0x0  }
0xf8: {  	[sflag:s22] =	ssyncadd.s32 $0xFFFFC000  }
.LBB2_20:
0xf9: {  	s21 =	sadd.s32 $0x1, s21  }
0xfa: {  	p2 =	sne.s32 s16, s21  }
.Ltmp13:
0xfb: {  	_ = 	snop;
	(pc) =	sbr.rel @!p2 .LBB2_21-.Ltmp13, $2  }
0xfc: {  	_ =	sdelay $0x2  }
0xfd: {  	s19 =	sadd.s32 $0x8000, s19;
	s20 =	sadd.s32 $0x100, s20  }
.LBB2_14:
0xfe: {  	s17 =	sand.u32 $0x1, s21  }
0xff: {  	p3 =	seq.s32 s17, $0x1  }
.Ltmp14:
0x100: {  	_ = 	snop;
	(pc) =	sbr.rel @p3 .LBB2_17-.Ltmp14, $4  }
0x101: {  	_ = 	snop  }
0x102: {  	s22 =	smov.u32 s18;
	s18 =	sadd.s32 $0x10, s18  }
0x103: {  	p2 =	sge.s32 s18, s15  }
0x104: {  	s24 =	sand.u32 @!p2 $0x1FFFF800, s19;
	s23 =	sand.u32 @!p2 $0x1FFFFFF0, s20  }
0x105: {  	s17 =	sadd.s32 @!p2 s2, s24;
	s24 =	simm.s32 @!p2 $0x0;
	s25 =	simm.s32 @!p2 $0x18100  }
0x106: {  	[tilespmem:s25], [sflag:$0x2] =	stream.linear.gather @!p2 [hbm4b:s17+s24], $0x4000, $0x38;
	[tilespmem:$0x1D200] =	vst v63  }
0x107: {  	s17 =	sadd.s32 @!p2 s4, s23;
	s23 =	simm.s32 @!p2 $0x1C100  }
0x108: {  	[tilespmem:s23], [sflag:$0x2] =	stream.linear.gather @!p2 [hbm4b:s17+s24], $0x80, $0x38;
	[tilespmem:$0x1D200] =	vst v63  }
0x109: {  	p2 =	sge.s32 s22, s15  }
.Ltmp15:
0x10a: {  	_ = 	snop;
	(pc) =	sbr.rel @p2 .LBB2_20-.Ltmp15, $1  }
0x10b: {  	_ =	sdelay $0x3  }
0x10c: {  	_ =	swait.ge [sflag:s3], $0x4000  }
0x10d: {  	[sflag:s3] =	ssyncset.done $0x0  }
0x10e: {  	[sflag:s3] =	ssyncadd.s32 $0xFFFFC000  }
0x10f: {  	_ =	swait.ge [sflag:s3], $0x80  }
0x110: {  	[sflag:s3] =	ssyncset.done $0x0  }
0x111: {  	[sflag:s3] =	ssyncadd.s32 $0xFFFFFF80  }
0x112: {  	v2 =	vld [tilespmem:$0x18080]  }
0x113: {  	v3 =	vld [tilespmem:$0x18090]  }
0x114: {  	v4 =	vld [tilespmem:$0x180A0]  }
0x115: {  	v5 =	vld [tilespmem:$0x180B0]  }
0x116: {  	v6 =	vld [tilespmem:$0x180C0]  }
0x117: {  	v7 =	vld [tilespmem:$0x180D0];
	v2 =	vsub.s32 v2, v0  }
0x118: {  	v8 =	vld [tilespmem:$0x180E0];
	v3 =	vsub.s32 v3, v0;
	v2 =	vmin.u32 v2, $0x1388  }
0x119: {  	v63 =	vld [tilespmem:$0x180F0];
	[tilespmem:$0x18080] =	vst v2;
	v2 =	vmin.u32 v3, $0x1388;
	v3 =	vsub.s32 v4, v0  }
0x11a: {  	[tilespmem:$0x18090] =	vst v2;
	v2 =	vmin.u32 v3, $0x1388;
	v3 =	vsub.s32 v5, v0  }
0x11b: {  	[tilespmem:$0x180A0] =	vst v2;
	v2 =	vmin.u32 v3, $0x1388;
	v3 =	vsub.s32 v6, v0  }
0x11c: {  	[tilespmem:$0x180B0] =	vst v2;
	v2 =	vmin.u32 v3, $0x1388;
	v3 =	vsub.s32 v7, v0  }
.Ltmp16:
0x11d: {  	[tilespmem:$0x180C0] =	vst v2;
	v2 =	vmin.u32 v3, $0x1388;
	v3 =	vsub.s32 v8, v0;
	(pc) =	sbr.rel .LBB2_19-.Ltmp16, $4  }
0x11e: {  	[tilespmem:$0x180D0] =	vst v2;
	v2 =	vmin.u32 v3, $0x1388;
	v3 =	vsub.s32 v63, v0  }
0x11f: {  	[tilespmem:$0x180E0] =	vst v2;
	v2 =	vmin.u32 v3, $0x1388  }
0x120: {  	s22 =	simm.s32 $0x4;
	[tilespmem:$0x180F0] =	vst v2  }
0x121: {  	[spmem:s6] =	stream.indirect.scatter.add.f32 [tilespmem:s31], [sflag:$0x4], $0x80, s29, s8, $0xb8;
	[tilespmem:$0x1D200] =	vst v63  }
.LBB2_17:
0x122: {  	s17 =	sadd.s32 @!p2 s2, s24;
	s24 =	simm.s32 @!p2 $0x0;
	s25 =	simm.s32 @!p2 $0x14080  }
0x123: {  	[tilespmem:s25], [sflag:$0x1] =	stream.linear.gather @!p2 [hbm4b:s17+s24], $0x4000, $0x38;
	[tilespmem:$0x1D200] =	vst v63  }
0x124: {  	s17 =	sadd.s32 @!p2 s4, s23;
	s23 =	simm.s32 @!p2 $0x18080  }
0x125: {  	[tilespmem:s23], [sflag:$0x1] =	stream.linear.gather @!p2 [hbm4b:s17+s24], $0x80, $0x38;
	[tilespmem:$0x1D200] =	vst v63  }
0x126: {  	p2 =	sge.s32 s22, s15  }
.Ltmp17:
0x127: {  	_ = 	snop;
	(pc) =	sbr.rel @p2 .LBB2_20-.Ltmp17, $1  }
0x128: {  	_ =	sdelay $0x3  }
0x129: {  	_ =	swait.ge [sflag:s9], $0x4000  }
0x12a: {  	[sflag:s9] =	ssyncset.done $0x0  }
0x12b: {  	[sflag:s9] =	ssyncadd.s32 $0xFFFFC000  }
0x12c: {  	_ =	swait.ge [sflag:s9], $0x80  }
0x12d: {  	[sflag:s9] =	ssyncset.done $0x0  }
0x12e: {  	[sflag:s9] =	ssyncadd.s32 $0xFFFFFF80  }
0x12f: {  	v2 =	vld [tilespmem:$0x1C100]  }
0x130: {  	v3 =	vld [tilespmem:$0x1C110]  }
0x131: {  	v4 =	vld [tilespmem:$0x1C120]  }
0x132: {  	v5 =	vld [tilespmem:$0x1C130]  }
0x133: {  	v6 =	vld [tilespmem:$0x1C140]  }
0x134: {  	v7 =	vld [tilespmem:$0x1C150];
	v2 =	vsub.s32 v2, v0  }
0x135: {  	v8 =	vld [tilespmem:$0x1C160];
	v3 =	vsub.s32 v3, v0;
	v2 =	vmin.u32 v2, $0x1388  }
0x136: {  	v63 =	vld [tilespmem:$0x1C170];
	[tilespmem:$0x1C100] =	vst v2;
	v2 =	vmin.u32 v3, $0x1388;
	v3 =	vsub.s32 v4, v0  }
0x137: {  	[tilespmem:$0x1C110] =	vst v2;
	v2 =	vmin.u32 v3, $0x1388;
	v3 =	vsub.s32 v5, v0  }
0x138: {  	[tilespmem:$0x1C120] =	vst v2;
	v2 =	vmin.u32 v3, $0x1388;
	v3 =	vsub.s32 v6, v0  }
0x139: {  	[tilespmem:$0x1C130] =	vst v2;
	v2 =	vmin.u32 v3, $0x1388;
	v3 =	vsub.s32 v7, v0  }
.Ltmp18:
0x13a: {  	[tilespmem:$0x1C140] =	vst v2;
	v2 =	vmin.u32 v3, $0x1388;
	v3 =	vsub.s32 v8, v0;
	(pc) =	sbr.rel .LBB2_19-.Ltmp18, $4  }
0x13b: {  	[tilespmem:$0x1C150] =	vst v2;
	v2 =	vmin.u32 v3, $0x1388;
	v3 =	vsub.s32 v63, v0  }
0x13c: {  	[tilespmem:$0x1C160] =	vst v2;
	v2 =	vmin.u32 v3, $0x1388  }
0x13d: {  	s22 =	simm.s32 $0x3;
	[tilespmem:$0x1C170] =	vst v2  }
0x13e: {  	[spmem:s6] =	stream.indirect.scatter.add.f32 [tilespmem:s11], [sflag:$0x3], $0x80, s10, s8, $0xb8;
	[tilespmem:$0x1D200] =	vst v63  }
.LBB2_22:
0x13f: {  	_ =	sfence.sel $0x180000  }
0x140: {  	[bflag:$0x0] =	sbarrier.arrive $0xFFFF  }
0x141: {  	_ =	strace $0x90000047  }
0x142: {  	[bflag:$0x2] =	sbarrier.arrive $0xFFFF  }
0x143: {  	p0 =	sne.s32 s7, $0x0;
	s0 =	rddreg [dreg:$0x8]  }
0x144: {  	s0 =	sadd.s32 @!p0 $0x100000, s0  }
0x145: {  	[sflag:s0] =	ssyncadd.tile.s32 @!p0 $0x1;
	_ =	shalt  }
.Lfunc_end2:
_tile_overlayer_lowered:
.L_overlay_start_2:
0x146: {  	(tag) =	ssettag $0x2  }
0x147: {  	s0 =	rddreg [dreg:$0x0];
	s2 =	stileid.u32  }
0x148: {  	s1 =	rddreg [dreg:$0x1];
	p0 =	sne.s32 s2, $0x0  }
0x149: {  	s3 =	rddreg [dreg:$0x2];
	[bflag:$0x3] =	sbarrier.arrive $0xFFFF;
	s2 =	simm.s32 @!p0 $0x1C03  }
0x14a: {  	[timem:s3], [sflag:s2] =	dma.local @!p0 [hbm:s0], s1  }
0x14b: {  	s0 =	simm.s32 @!p0 $0x3  }
0x14c: {  	_ =	swait.ge @!p0 [sflag:s0], s1  }
0x14d: {  	s1 =	ssub.s32 @!p0 $0x0, s1;
	[sflag:s0] =	ssyncset.done @!p0 $0x0  }
0x14e: {  	[sflag:s0] =	ssyncadd.s32 @!p0 s1  }
0x14f: {  	[bflag:$0x3] =	sbarrier.arrive $0xFFFF  }
0x150: {  	_ =	shalt  }

</sc_bundles>
